<compile_context>
chip_gen: v7x
topology: tpu7x:2x2x1
jax: 0.10.2.dev20260603
libtpu: 0.0.44.dev20260713+nightly
codegen_flags: <defaults>
</compile_context>

<pallas_src>
import functools

import jax
import jax.numpy as jnp
import numpy as np
from jax import lax
from jax.experimental import pallas as pl
from jax.experimental.pallas import tpu as pltpu
from jax.experimental.pallas import tpu_sc as plsc

N = 10000
E = 320000
D = 128
DE = 16
EPS = 1e-5

NUM_TILES = 16
CHUNK = 128
CH_PER_TILE = 157
EPT = CH_PER_TILE * CHUNK
EPAD = EPT * NUM_TILES
DUMP = N
BLK = 80
NPAD = 10240
ROWS_PT = NPAD // NUM_TILES
NBLK = N // BLK
RS = float(1.0 / np.sqrt(1.0 + EPS))


def _sc_g_body(x_hbm, gcat_hbm, scat_hbm, zg_hbm, g_out,
               idxg_v, idxs_v, rows_v, acc_g, sem):
    c = lax.axis_index("c")
    t = lax.axis_index("s")
    r0 = t * ROWS_PT
    pltpu.sync_copy(zg_hbm.at[pl.ds(0, CHUNK)], rows_v)
    for off in range(0, ROWS_PT, CHUNK):
        pltpu.sync_copy(rows_v, acc_g.at[pl.ds(r0 + off, CHUNK)])
    plsc.subcore_barrier()

    tile_base = c * EPAD + t * EPT

    def chunk_body(k, carry):
        base = tile_base + k * CHUNK
        pltpu.sync_copy(gcat_hbm.at[pl.ds(base, CHUNK)], idxg_v)
        pltpu.sync_copy(scat_hbm.at[pl.ds(base, CHUNK)], idxs_v)
        pltpu.async_copy(x_hbm.at[idxg_v], rows_v, sem).wait()
        pltpu.sync_copy(rows_v, acc_g.at[idxs_v], add=True)
        return carry

    lax.fori_loop(0, CH_PER_TILE, chunk_body, 0)
    plsc.subcore_barrier()

    o0 = c * NPAD + r0
    for off in range(0, ROWS_PT, CHUNK):
        pltpu.sync_copy(acc_g.at[pl.ds(r0 + off, CHUNK)], rows_v)
        pltpu.sync_copy(rows_v, g_out.at[pl.ds(o0 + off, CHUNK)])


_sc_g = pl.kernel(
    _sc_g_body,
    out_type=jax.ShapeDtypeStruct((2 * NPAD, D), jnp.float32),
    mesh=plsc.VectorSubcoreMesh(core_axis_name="c", subcore_axis_name="s"),
    scratch_types=[
        pltpu.VMEM((CHUNK,), jnp.int32),
        pltpu.VMEM((CHUNK,), jnp.int32),
        pltpu.VMEM((CHUNK, D), jnp.float32),
        pltpu.VMEM_SHARED((NPAD, D), jnp.float32),
        pltpu.SemaphoreType.DMA,
    ],
)


def _sc_a_body(ea_hbm, scat_hbm, zg_hbm, a_out, idxs_v, ea_v, pad_v, acc_a):
    c = lax.axis_index("c")
    t = lax.axis_index("s")
    r0 = t * ROWS_PT
    pltpu.sync_copy(zg_hbm.at[pl.ds(0, CHUNK)], pad_v)
    for off in range(0, ROWS_PT, CHUNK):
        pltpu.sync_copy(pad_v, acc_a.at[pl.ds(r0 + off, CHUNK)])
    plsc.subcore_barrier()

    tile_base = c * EPAD + t * EPT

    def chunk_body(k, carry):
        base = tile_base + k * CHUNK
        ebase = jnp.minimum(t * EPT + k * CHUNK, E - CHUNK)
        pltpu.sync_copy(scat_hbm.at[pl.ds(base, CHUNK)], idxs_v)
        pltpu.sync_copy(ea_hbm.at[pl.ds(ebase, CHUNK)], ea_v)
        for r in range(CHUNK):
            pad_v[r, pl.ds(0, DE)] = ea_v[r, :]
        pltpu.sync_copy(pad_v, acc_a.at[idxs_v], add=True)
        return carry

    lax.fori_loop(0, CH_PER_TILE, chunk_body, 0)
    plsc.subcore_barrier()

    o0 = c * NPAD + r0
    for off in range(0, ROWS_PT, CHUNK):
        pltpu.sync_copy(acc_a.at[pl.ds(r0 + off, CHUNK)], pad_v)
        pltpu.sync_copy(pad_v, a_out.at[pl.ds(o0 + off, CHUNK)])


_sc_a = pl.kernel(
    _sc_a_body,
    out_type=jax.ShapeDtypeStruct((2 * NPAD, D), jnp.float32),
    mesh=plsc.VectorSubcoreMesh(core_axis_name="c", subcore_axis_name="s"),
    scratch_types=[
        pltpu.VMEM((CHUNK,), jnp.int32),
        pltpu.VMEM((CHUNK, DE), jnp.float32),
        pltpu.VMEM((CHUNK, D), jnp.float32),
        pltpu.VMEM_SHARED((NPAD, D), jnp.float32),
    ],
)


def _dense_body(gi, ai, gj, aj, xr, wn, wne, wns, bnr, we, wee, wes, ber,
                gam, bet, hi, hj):
    hp = jax.lax.Precision.HIGHEST
    xb = xr[...]
    scale = gam[...] * RS
    shift = bet[...]
    pre_i = (jnp.dot(gi[...], wn[...], precision=hp, preferred_element_type=jnp.float32)
             + jnp.dot(ai[...], wne[...], precision=hp, preferred_element_type=jnp.float32)
             + jnp.dot(xb, wns[...], precision=hp, preferred_element_type=jnp.float32)
             + bnr[...])
    hi[...] = jnp.maximum(pre_i, 0.0) * scale + shift
    pre_j = (jnp.dot(gj[...], we[...], precision=hp, preferred_element_type=jnp.float32)
             + jnp.dot(aj[...], wee[...], precision=hp, preferred_element_type=jnp.float32)
             + jnp.dot(xb, wes[...], precision=hp, preferred_element_type=jnp.float32)
             + ber[...])
    hj[...] = jnp.maximum(pre_j, 0.0) * scale + shift


def _row_spec(shape, off):
    return pl.BlockSpec(shape, lambda i, o=off: (i + o, 0))


def _full_spec(shape):
    return pl.BlockSpec(shape, lambda i: (0, 0))


_dense = pl.pallas_call(
    _dense_body,
    grid=(NBLK,),
    in_specs=[
        _row_spec((BLK, D), 0),
        _row_spec((BLK, D), 0),
        _row_spec((BLK, D), NPAD // BLK),
        _row_spec((BLK, D), NPAD // BLK),
        _row_spec((BLK, D), 0),
        _full_spec((D, D)),
        _full_spec((D, D)),
        _full_spec((D, D)),
        _full_spec((1, D)),
        _full_spec((D, D)),
        _full_spec((D, D)),
        _full_spec((D, D)),
        _full_spec((1, D)),
        _full_spec((1, D)),
        _full_spec((1, D)),
    ],
    out_specs=[
        pl.BlockSpec((BLK, D), lambda i: (i, 0)),
        pl.BlockSpec((BLK, D), lambda i: (i, 0)),
    ],
    out_shape=[
        jax.ShapeDtypeStruct((N, D), jnp.float32),
        jax.ShapeDtypeStruct((N, D), jnp.float32),
    ],
)


def kernel(x, edge_index, edge_attr, Wn, Wn_edge, Wn_self, bn, We, We_edge,
           We_self, be, gamma, beta):
    src = edge_index[0]
    dst = edge_index[1]
    padg = jnp.zeros((EPAD - E,), jnp.int32)
    pads = jnp.full((EPAD - E,), DUMP, jnp.int32)
    gcat = jnp.concatenate([dst, padg, src, padg])
    scat = jnp.concatenate([src, pads, dst, pads])
    zg = jnp.zeros((CHUNK, D), jnp.float32)
    g_out = _sc_g(x, gcat, scat, zg)
    a_out = _sc_a(edge_attr, scat, zg)
    wne = jnp.pad(Wn_edge, ((0, D - DE), (0, 0)))
    wee = jnp.pad(We_edge, ((0, D - DE), (0, 0)))
    hi, hj = _dense(g_out, a_out, g_out, a_out, x,
                    Wn, wne, Wn_self, bn.reshape(1, D),
                    We, wee, We_self, be.reshape(1, D),
                    gamma.reshape(1, D), beta.reshape(1, D))
    return hi, hj

# --- scband reference (transcript-rebuilt; emitter-appended) ---
"""Pipeline reference for scband-gbnencoder-33509334843932 (READ-ONLY COPY).

The authoritative reference and input builder live on the scoring server;
editing this copy changes nothing except your own understanding.
"""

import jax, jax.numpy as jnp
import numpy as np

N = 10000
E = 320000
D_FEAT = 128
D_LAYER = 128
D_EDGE = 16
EPS = 1e-5


def _gnn_conv(x, src, dst, edge_attr, W, W_edge, W_self, b):
    # message = transformed neighbor feature + transformed edge feature,
    # aggregated (scatter-add) at the receiving node, plus a self/root term.
    msg = jnp.take(x, src, axis=0) @ W + edge_attr @ W_edge
    agg = jax.ops.segment_sum(msg, dst, num_segments=x.shape[0])
    return agg + x @ W_self + b


def setup_inputs(seed: int = 0) -> dict:
    key = jax.random.key(seed)
    ks = jax.random.split(key, 12)
    s = 1.0 / np.sqrt(D_FEAT)
    se = 1.0 / np.sqrt(D_EDGE)
    inp = {}
    inp["x"] = jax.random.normal(ks[0], (N, D_FEAT), dtype=jnp.float32)
    inp["edge_index"] = jax.random.randint(ks[1], (2, E), 0, N, dtype=jnp.int32)
    inp["edge_attr"] = jax.random.normal(ks[2], (E, D_EDGE), dtype=jnp.float32)
    # node_nns[0] (flow='target_to_source') parameters
    inp["Wn"] = jax.random.normal(ks[3], (D_FEAT, D_LAYER), dtype=jnp.float32) * s
    inp["Wn_edge"] = jax.random.normal(ks[4], (D_EDGE, D_LAYER), dtype=jnp.float32) * se
    inp["Wn_self"] = jax.random.normal(ks[5], (D_FEAT, D_LAYER), dtype=jnp.float32) * s
    inp["bn"] = jnp.zeros((D_LAYER,), dtype=jnp.float32)
    # edge_nns[0] (flow='source_to_target') parameters
    inp["We"] = jax.random.normal(ks[6], (D_FEAT, D_LAYER), dtype=jnp.float32) * s
    inp["We_edge"] = jax.random.normal(ks[7], (D_EDGE, D_LAYER), dtype=jnp.float32) * se
    inp["We_self"] = jax.random.normal(ks[8], (D_FEAT, D_LAYER), dtype=jnp.float32) * s
    inp["be"] = jnp.zeros((D_LAYER,), dtype=jnp.float32)
    # BatchNorm1d affine params (eval mode: running_mean=0, running_var=1)
    inp["gamma"] = jnp.ones((D_LAYER,), dtype=jnp.float32)
    inp["beta"] = jnp.zeros((D_LAYER,), dtype=jnp.float32)
    return inp


def reference(x, edge_index, edge_attr, Wn, Wn_edge, Wn_self, bn, We, We_edge, We_self, be, gamma, beta):
    src = edge_index[0]
    dst = edge_index[1]
    # node_nns layer: flow='target_to_source' -> messages flow dst -> src
    h_i = _gnn_conv(x, dst, src, edge_attr, Wn, Wn_edge, Wn_self, bn)
    # edge_nns layer: flow='source_to_target' -> messages flow src -> dst
    h_j = _gnn_conv(x, src, dst, edge_attr, We, We_edge, We_self, be)
    h_i = jax.nn.relu(h_i)
    h_j = jax.nn.relu(h_j)
    h = jnp.concatenate([h_i, h_j], axis=0)
    # BatchNorm1d in eval mode with default running stats (mean=0, var=1)
    h = h / jnp.sqrt(1.0 + EPS) * gamma + beta
    # dropout p=0.0 / eval -> identity; JK='last' returns [h_i, h_j]
    return h[:N], h[N:]

if __name__ == "__main__":
    import jax
    _d = setup_inputs()
    print(jax.jit(kernel)(*tuple(_d.values())))

</pallas_src>

<mosaic_0001>
#map = affine_map<(d0, d1) -> (0, 0)>
#map1 = affine_map<(d0, d1) -> (0)>
module attributes {stable_mosaic.version = 14 : i64} {
  func.func @_sc_a_body(%arg0: i32, %arg1: i32, %arg2: memref<320000x16xf32, #tpu.memory_space<hbm>>, %arg3: memref<643072xi32, #tpu.memory_space<hbm>>, %arg4: memref<128x128xf32, #tpu.memory_space<hbm>>, %arg5: memref<20480x128xf32, #tpu.memory_space<hbm>>, %arg6: memref<128xi32, #tpu.memory_space<vmem>>, %arg7: memref<128x16xf32, #tpu.memory_space<vmem>>, %arg8: memref<128x128xf32, #tpu.memory_space<vmem>>, %arg9: memref<10240x128xf32, #tpu.memory_space<vmem_shared>>) attributes {dimension_semantics = [#tpu.dimension_semantics<core_parallel>, #tpu.dimension_semantics<subcore_parallel>], iteration_bounds = array<i64: 2, 16>, scalar_prefetch = 0 : i64, scratch_operands = 4 : i64, tpu.core_type = #tpu.core_type<sc_vector_subcore>, window_params = [{transform_indices = #map}, {transform_indices = #map1}, {transform_indices = #map}, {transform_indices = #map}]} {
    %mul3A = arith.constant 640 : i32
    %mul3A_0 = arith.muli %arg1, %mul3A : i32
    "tpu.region"() ({
      %run_scoped3A = tpu.sem_alloc : memref<!tpu.dma_semaphore, #tpu.memory_space<semaphore_mem>>
      %dma_start3A = arith.constant 0 : i32
      %dma_start3A_44 = arith.constant 0 : i32
      %dma_start3A_45 = tpu.memref_slice %arg4[%dma_start3A, %dma_start3A_44] : memref<128x128xf32, #tpu.memory_space<hbm>> -> memref<128x128xf32, #tpu.memory_space<hbm>>
      %dma_start3A_46 = arith.constant 0 : i32
      %dma_start3A_47 = arith.constant 0 : i32
      %dma_start3A_48 = tpu.memref_slice %arg4[%dma_start3A_46, %dma_start3A_47] : memref<128x128xf32, #tpu.memory_space<hbm>> -> memref<128x128xf32, #tpu.memory_space<hbm>>
      tpu.enqueue_dma source(%dma_start3A_48 : memref<128x128xf32, #tpu.memory_space<hbm>>) target(%arg8 : memref<128x128xf32, #tpu.memory_space<vmem>>) target_semaphore(%run_scoped3A : memref<!tpu.dma_semaphore, #tpu.memory_space<semaphore_mem>>)
      %dma_wait3A = arith.constant 0 : i32
      %dma_wait3A_49 = arith.constant 0 : i32
      %dma_wait3A_50 = tpu.memref_slice %arg4[%dma_wait3A, %dma_wait3A_49] : memref<128x128xf32, #tpu.memory_space<hbm>> -> memref<128x128xf32, #tpu.memory_space<hbm>>
      %dma_wait3A_51 = arith.constant 0 : i32
      %dma_wait3A_52 = arith.constant 0 : i32
      %dma_wait3A_53 = tpu.memref_slice %arg4[%dma_wait3A_51, %dma_wait3A_52] : memref<128x128xf32, #tpu.memory_space<hbm>> -> memref<128x128xf32, #tpu.memory_space<hbm>>
      tpu.wait_dma2 semaphore(%run_scoped3A : memref<!tpu.dma_semaphore, #tpu.memory_space<semaphore_mem>>) src(%dma_wait3A_53 : memref<128x128xf32, #tpu.memory_space<hbm>>) dst(%arg8 : memref<128x128xf32, #tpu.memory_space<vmem>>)
      tpu.yield
    }) : () -> ()
    %add3A = arith.constant 0 : i32
    %add3A_1 = arith.addi %mul3A_0, %add3A : i32
    "tpu.region"() ({
      %run_scoped3A = tpu.sem_alloc : memref<!tpu.dma_semaphore, #tpu.memory_space<semaphore_mem>>
      %dma_start3A = arith.constant 0 : i32
      %dma_start3A_44 = tpu.memref_slice %arg9[%add3A_1, %dma_start3A] : memref<10240x128xf32, #tpu.memory_space<vmem_shared>> -> memref<128x128xf32, #tpu.memory_space<vmem_shared>>
      %dma_start3A_45 = arith.constant 0 : i32
      %dma_start3A_46 = tpu.memref_slice %arg9[%add3A_1, %dma_start3A_45] : memref<10240x128xf32, #tpu.memory_space<vmem_shared>> -> memref<128x128xf32, #tpu.memory_space<vmem_shared>>
      tpu.enqueue_dma source(%arg8 : memref<128x128xf32, #tpu.memory_space<vmem>>) target(%dma_start3A_46 : memref<128x128xf32, #tpu.memory_space<vmem_shared>>) target_semaphore(%run_scoped3A : memref<!tpu.dma_semaphore, #tpu.memory_space<semaphore_mem>>)
      %dma_wait3A = arith.constant 0 : i32
      %dma_wait3A_47 = tpu.memref_slice %arg9[%add3A_1, %dma_wait3A] : memref<10240x128xf32, #tpu.memory_space<vmem_shared>> -> memref<128x128xf32, #tpu.memory_space<vmem_shared>>
      %dma_wait3A_48 = arith.constant 0 : i32
      %dma_wait3A_49 = tpu.memref_slice %arg9[%add3A_1, %dma_wait3A_48] : memref<10240x128xf32, #tpu.memory_space<vmem_shared>> -> memref<128x128xf32, #tpu.memory_space<vmem_shared>>
      tpu.wait_dma2 semaphore(%run_scoped3A : memref<!tpu.dma_semaphore, #tpu.memory_space<semaphore_mem>>) src(%arg8 : memref<128x128xf32, #tpu.memory_space<vmem>>) dst(%dma_wait3A_49 : memref<128x128xf32, #tpu.memory_space<vmem_shared>>)
      tpu.yield
    }) : () -> ()
    %add3A_2 = arith.constant 128 : i32
    %add3A_3 = arith.addi %mul3A_0, %add3A_2 : i32
    "tpu.region"() ({
      %run_scoped3A = tpu.sem_alloc : memref<!tpu.dma_semaphore, #tpu.memory_space<semaphore_mem>>
      %dma_start3A = arith.constant 0 : i32
      %dma_start3A_44 = tpu.memref_slice %arg9[%add3A_3, %dma_start3A] : memref<10240x128xf32, #tpu.memory_space<vmem_shared>> -> memref<128x128xf32, #tpu.memory_space<vmem_shared>>
      %dma_start3A_45 = arith.constant 0 : i32
      %dma_start3A_46 = tpu.memref_slice %arg9[%add3A_3, %dma_start3A_45] : memref<10240x128xf32, #tpu.memory_space<vmem_shared>> -> memref<128x128xf32, #tpu.memory_space<vmem_shared>>
      tpu.enqueue_dma source(%arg8 : memref<128x128xf32, #tpu.memory_space<vmem>>) target(%dma_start3A_46 : memref<128x128xf32, #tpu.memory_space<vmem_shared>>) target_semaphore(%run_scoped3A : memref<!tpu.dma_semaphore, #tpu.memory_space<semaphore_mem>>)
      %dma_wait3A = arith.constant 0 : i32
      %dma_wait3A_47 = tpu.memref_slice %arg9[%add3A_3, %dma_wait3A] : memref<10240x128xf32, #tpu.memory_space<vmem_shared>> -> memref<128x128xf32, #tpu.memory_space<vmem_shared>>
      %dma_wait3A_48 = arith.constant 0 : i32
      %dma_wait3A_49 = tpu.memref_slice %arg9[%add3A_3, %dma_wait3A_48] : memref<10240x128xf32, #tpu.memory_space<vmem_shared>> -> memref<128x128xf32, #tpu.memory_space<vmem_shared>>
      tpu.wait_dma2 semaphore(%run_scoped3A : memref<!tpu.dma_semaphore, #tpu.memory_space<semaphore_mem>>) src(%arg8 : memref<128x128xf32, #tpu.memory_space<vmem>>) dst(%dma_wait3A_49 : memref<128x128xf32, #tpu.memory_space<vmem_shared>>)
      tpu.yield
    }) : () -> ()
    %add3A_4 = arith.constant 256 : i32
    %add3A_5 = arith.addi %mul3A_0, %add3A_4 : i32
    "tpu.region"() ({
      %run_scoped3A = tpu.sem_alloc : memref<!tpu.dma_semaphore, #tpu.memory_space<semaphore_mem>>
      %dma_start3A = arith.constant 0 : i32
      %dma_start3A_44 = tpu.memref_slice %arg9[%add3A_5, %dma_start3A] : memref<10240x128xf32, #tpu.memory_space<vmem_shared>> -> memref<128x128xf32, #tpu.memory_space<vmem_shared>>
      %dma_start3A_45 = arith.constant 0 : i32
      %dma_start3A_46 = tpu.memref_slice %arg9[%add3A_5, %dma_start3A_45] : memref<10240x128xf32, #tpu.memory_space<vmem_shared>> -> memref<128x128xf32, #tpu.memory_space<vmem_shared>>
      tpu.enqueue_dma source(%arg8 : memref<128x128xf32, #tpu.memory_space<vmem>>) target(%dma_start3A_46 : memref<128x128xf32, #tpu.memory_space<vmem_shared>>) target_semaphore(%run_scoped3A : memref<!tpu.dma_semaphore, #tpu.memory_space<semaphore_mem>>)
      %dma_wait3A = arith.constant 0 : i32
      %dma_wait3A_47 = tpu.memref_slice %arg9[%add3A_5, %dma_wait3A] : memref<10240x128xf32, #tpu.memory_space<vmem_shared>> -> memref<128x128xf32, #tpu.memory_space<vmem_shared>>
      %dma_wait3A_48 = arith.constant 0 : i32
      %dma_wait3A_49 = tpu.memref_slice %arg9[%add3A_5, %dma_wait3A_48] : memref<10240x128xf32, #tpu.memory_space<vmem_shared>> -> memref<128x128xf32, #tpu.memory_space<vmem_shared>>
      tpu.wait_dma2 semaphore(%run_scoped3A : memref<!tpu.dma_semaphore, #tpu.memory_space<semaphore_mem>>) src(%arg8 : memref<128x128xf32, #tpu.memory_space<vmem>>) dst(%dma_wait3A_49 : memref<128x128xf32, #tpu.memory_space<vmem_shared>>)
      tpu.yield
    }) : () -> ()
    %add3A_6 = arith.constant 384 : i32
    %add3A_7 = arith.addi %mul3A_0, %add3A_6 : i32
    "tpu.region"() ({
      %run_scoped3A = tpu.sem_alloc : memref<!tpu.dma_semaphore, #tpu.memory_space<semaphore_mem>>
      %dma_start3A = arith.constant 0 : i32
      %dma_start3A_44 = tpu.memref_slice %arg9[%add3A_7, %dma_start3A] : memref<10240x128xf32, #tpu.memory_space<vmem_shared>> -> memref<128x128xf32, #tpu.memory_space<vmem_shared>>
      %dma_start3A_45 = arith.constant 0 : i32
      %dma_start3A_46 = tpu.memref_slice %arg9[%add3A_7, %dma_start3A_45] : memref<10240x128xf32, #tpu.memory_space<vmem_shared>> -> memref<128x128xf32, #tpu.memory_space<vmem_shared>>
      tpu.enqueue_dma source(%arg8 : memref<128x128xf32, #tpu.memory_space<vmem>>) target(%dma_start3A_46 : memref<128x128xf32, #tpu.memory_space<vmem_shared>>) target_semaphore(%run_scoped3A : memref<!tpu.dma_semaphore, #tpu.memory_space<semaphore_mem>>)
      %dma_wait3A = arith.constant 0 : i32
      %dma_wait3A_47 = tpu.memref_slice %arg9[%add3A_7, %dma_wait3A] : memref<10240x128xf32, #tpu.memory_space<vmem_shared>> -> memref<128x128xf32, #tpu.memory_space<vmem_shared>>
      %dma_wait3A_48 = arith.constant 0 : i32
      %dma_wait3A_49 = tpu.memref_slice %arg9[%add3A_7, %dma_wait3A_48] : memref<10240x128xf32, #tpu.memory_space<vmem_shared>> -> memref<128x128xf32, #tpu.memory_space<vmem_shared>>
      tpu.wait_dma2 semaphore(%run_scoped3A : memref<!tpu.dma_semaphore, #tpu.memory_space<semaphore_mem>>) src(%arg8 : memref<128x128xf32, #tpu.memory_space<vmem>>) dst(%dma_wait3A_49 : memref<128x128xf32, #tpu.memory_space<vmem_shared>>)
      tpu.yield
    }) : () -> ()
    %add3A_8 = arith.constant 512 : i32
    %add3A_9 = arith.addi %mul3A_0, %add3A_8 : i32
    "tpu.region"() ({
      %run_scoped3A = tpu.sem_alloc : memref<!tpu.dma_semaphore, #tpu.memory_space<semaphore_mem>>
      %dma_start3A = arith.constant 0 : i32
      %dma_start3A_44 = tpu.memref_slice %arg9[%add3A_9, %dma_start3A] : memref<10240x128xf32, #tpu.memory_space<vmem_shared>> -> memref<128x128xf32, #tpu.memory_space<vmem_shared>>
      %dma_start3A_45 = arith.constant 0 : i32
      %dma_start3A_46 = tpu.memref_slice %arg9[%add3A_9, %dma_start3A_45] : memref<10240x128xf32, #tpu.memory_space<vmem_shared>> -> memref<128x128xf32, #tpu.memory_space<vmem_shared>>
      tpu.enqueue_dma source(%arg8 : memref<128x128xf32, #tpu.memory_space<vmem>>) target(%dma_start3A_46 : memref<128x128xf32, #tpu.memory_space<vmem_shared>>) target_semaphore(%run_scoped3A : memref<!tpu.dma_semaphore, #tpu.memory_space<semaphore_mem>>)
      %dma_wait3A = arith.constant 0 : i32
      %dma_wait3A_47 = tpu.memref_slice %arg9[%add3A_9, %dma_wait3A] : memref<10240x128xf32, #tpu.memory_space<vmem_shared>> -> memref<128x128xf32, #tpu.memory_space<vmem_shared>>
      %dma_wait3A_48 = arith.constant 0 : i32
      %dma_wait3A_49 = tpu.memref_slice %arg9[%add3A_9, %dma_wait3A_48] : memref<10240x128xf32, #tpu.memory_space<vmem_shared>> -> memref<128x128xf32, #tpu.memory_space<vmem_shared>>
      tpu.wait_dma2 semaphore(%run_scoped3A : memref<!tpu.dma_semaphore, #tpu.memory_space<semaphore_mem>>) src(%arg8 : memref<128x128xf32, #tpu.memory_space<vmem>>) dst(%dma_wait3A_49 : memref<128x128xf32, #tpu.memory_space<vmem_shared>>)
      tpu.yield
    }) : () -> ()
    %barrier3A = arith.constant 0 : index
    tpu.barrier barrier_id(%barrier3A)
    %mul3A_10 = arith.constant 321536 : i32
    %mul3A_11 = arith.muli %arg0, %mul3A_10 : i32
    %mul3A_12 = arith.constant 20096 : i32
    %mul3A_13 = arith.muli %arg1, %mul3A_12 : i32
    %add3A_14 = arith.addi %mul3A_11, %mul3A_13 : i32
    %scan3A = arith.constant 0 : i32
    %scan3A_15 = arith.constant 0 : i32
    %scan3A_16 = arith.constant 157 : i32
    %scan3A_17 = arith.addi %scan3A_15, %scan3A_16 : i32
    %scan3A_18 = arith.constant 1 : i32
    scf.for %scan3A_44 = %scan3A_15 to %scan3A_17 step %scan3A_18  : i32 {
      %mul3A_45 = arith.constant 128 : i32
      %mul3A_46 = arith.muli %scan3A_44, %mul3A_45 : i32
      %add3A_47 = arith.addi %add3A_14, %mul3A_46 : i32
      %mul3A_48 = arith.constant 20096 : i32
      %mul3A_49 = arith.muli %arg1, %mul3A_48 : i32
      %mul3A_50 = arith.constant 128 : i32
      %mul3A_51 = arith.muli %scan3A_44, %mul3A_50 : i32
      %add3A_52 = arith.addi %mul3A_49, %mul3A_51 : i32
      %min3A = arith.constant 319872 : i32
      %min3A_53 = arith.minsi %add3A_52, %min3A : i32
      "tpu.region"() ({
        %run_scoped3A = tpu.sem_alloc : memref<!tpu.dma_semaphore, #tpu.memory_space<semaphore_mem>>
        %dma_start3A = tpu.memref_slice %arg3[%add3A_47] : memref<643072xi32, #tpu.memory_space<hbm>> -> memref<128xi32, #tpu.memory_space<hbm>>
        %dma_start3A_1460 = tpu.memref_slice %arg3[%add3A_47] : memref<643072xi32, #tpu.memory_space<hbm>> -> memref<128xi32, #tpu.memory_space<hbm>>
        tpu.enqueue_dma source(%dma_start3A_1460 : memref<128xi32, #tpu.memory_space<hbm>>) target(%arg6 : memref<128xi32, #tpu.memory_space<vmem>>) target_semaphore(%run_scoped3A : memref<!tpu.dma_semaphore, #tpu.memory_space<semaphore_mem>>)
        %dma_wait3A = tpu.memref_slice %arg3[%add3A_47] : memref<643072xi32, #tpu.memory_space<hbm>> -> memref<128xi32, #tpu.memory_space<hbm>>
        %dma_wait3A_1461 = tpu.memref_slice %arg3[%add3A_47] : memref<643072xi32, #tpu.memory_space<hbm>> -> memref<128xi32, #tpu.memory_space<hbm>>
        tpu.wait_dma2 semaphore(%run_scoped3A : memref<!tpu.dma_semaphore, #tpu.memory_space<semaphore_mem>>) src(%dma_wait3A_1461 : memref<128xi32, #tpu.memory_space<hbm>>) dst(%arg6 : memref<128xi32, #tpu.memory_space<vmem>>)
        tpu.yield
      }) : () -> ()
      "tpu.region"() ({
        %run_scoped3A = tpu.sem_alloc : memref<!tpu.dma_semaphore, #tpu.memory_space<semaphore_mem>>
        %dma_start3A = arith.constant 0 : i32
        %dma_start3A_1460 = tpu.memref_slice %arg2[%min3A_53, %dma_start3A] : memref<320000x16xf32, #tpu.memory_space<hbm>> -> memref<128x16xf32, #tpu.memory_space<hbm>>
        %dma_start3A_1461 = arith.constant 0 : i32
        %dma_start3A_1462 = tpu.memref_slice %arg2[%min3A_53, %dma_start3A_1461] : memref<320000x16xf32, #tpu.memory_space<hbm>> -> memref<128x16xf32, #tpu.memory_space<hbm>>
        tpu.enqueue_dma source(%dma_start3A_1462 : memref<128x16xf32, #tpu.memory_space<hbm>>) target(%arg7 : memref<128x16xf32, #tpu.memory_space<vmem>>) target_semaphore(%run_scoped3A : memref<!tpu.dma_semaphore, #tpu.memory_space<semaphore_mem>>)
        %dma_wait3A = arith.constant 0 : i32
        %dma_wait3A_1463 = tpu.memref_slice %arg2[%min3A_53, %dma_wait3A] : memref<320000x16xf32, #tpu.memory_space<hbm>> -> memref<128x16xf32, #tpu.memory_space<hbm>>
        %dma_wait3A_1464 = arith.constant 0 : i32
        %dma_wait3A_1465 = tpu.memref_slice %arg2[%min3A_53, %dma_wait3A_1464] : memref<320000x16xf32, #tpu.memory_space<hbm>> -> memref<128x16xf32, #tpu.memory_space<hbm>>
        tpu.wait_dma2 semaphore(%run_scoped3A : memref<!tpu.dma_semaphore, #tpu.memory_space<semaphore_mem>>) src(%dma_wait3A_1465 : memref<128x16xf32, #tpu.memory_space<hbm>>) dst(%arg7 : memref<128x16xf32, #tpu.memory_space<vmem>>)
        tpu.yield
      }) : () -> ()
      %get3A = arith.constant 0 : i32
      %get3A_54 = arith.index_cast %get3A : i32 to index
      %get3A_55 = arith.constant 0 : index
      %get3A_56 = tpu.vector_load %arg7[%get3A_54, %get3A_55] {strides = array<i32>} : memref<128x16xf32, #tpu.memory_space<vmem>>, vector<1x16xf32>,
      %get3A_57 = vector.shape_cast %get3A_56 : vector<1x16xf32> to vector<16xf32>
      %swap3A = arith.constant 0 : i32
      %swap3A_58 = arith.index_cast %swap3A : i32 to index
      %swap3A_59 = arith.constant 0 : index
      %swap3A_60 = tpu.vector_load %arg8[%swap3A_58, %swap3A_59] {strides = array<i32>} : memref<128x128xf32, #tpu.memory_space<vmem>>, vector<1x16xf32>,
      %swap3A_61 = vector.shape_cast %swap3A_60 : vector<1x16xf32> to vector<16xf32>
      %swap3A_62 = vector.shape_cast %get3A_57 : vector<16xf32> to vector<1x16xf32>
      tpu.vector_store %arg8[%swap3A_58, %swap3A_59], %swap3A_62 {strides = array<i32>} : memref<128x128xf32, #tpu.memory_space<vmem>>, vector<1x16xf32>,
      %get3A_63 = arith.constant 1 : i32
      %get3A_64 = arith.index_cast %get3A_63 : i32 to index
      %get3A_65 = arith.constant 0 : index
      %get3A_66 = tpu.vector_load %arg7[%get3A_64, %get3A_65] {strides = array<i32>} : memref<128x16xf32, #tpu.memory_space<vmem>>, vector<1x16xf32>,
      %get3A_67 = vector.shape_cast %get3A_66 : vector<1x16xf32> to vector<16xf32>
      %swap3A_68 = arith.constant 1 : i32
      %swap3A_69 = arith.index_cast %swap3A_68 : i32 to index
      %swap3A_70 = arith.constant 0 : index
      %swap3A_71 = tpu.vector_load %arg8[%swap3A_69, %swap3A_70] {strides = array<i32>} : memref<128x128xf32, #tpu.memory_space<vmem>>, vector<1x16xf32>,
      %swap3A_72 = vector.shape_cast %swap3A_71 : vector<1x16xf32> to vector<16xf32>
      %swap3A_73 = vector.shape_cast %get3A_67 : vector<16xf32> to vector<1x16xf32>
      tpu.vector_store %arg8[%swap3A_69, %swap3A_70], %swap3A_73 {strides = array<i32>} : memref<128x128xf32, #tpu.memory_space<vmem>>, vector<1x16xf32>,
      %get3A_74 = arith.constant 2 : i32
      %get3A_75 = arith.index_cast %get3A_74 : i32 to index
      %get3A_76 = arith.constant 0 : index
      %get3A_77 = tpu.vector_load %arg7[%get3A_75, %get3A_76] {strides = array<i32>} : memref<128x16xf32, #tpu.memory_space<vmem>>, vector<1x16xf32>,
      %get3A_78 = vector.shape_cast %get3A_77 : vector<1x16xf32> to vector<16xf32>
      %swap3A_79 = arith.constant 2 : i32
      %swap3A_80 = arith.index_cast %swap3A_79 : i32 to index
      %swap3A_81 = arith.constant 0 : index
      %swap3A_82 = tpu.vector_load %arg8[%swap3A_80, %swap3A_81] {strides = array<i32>} : memref<128x128xf32, #tpu.memory_space<vmem>>, vector<1x16xf32>,
      %swap3A_83 = vector.shape_cast %swap3A_82 : vector<1x16xf32> to vector<16xf32>
      %swap3A_84 = vector.shape_cast %get3A_78 : vector<16xf32> to vector<1x16xf32>
      tpu.vector_store %arg8[%swap3A_80, %swap3A_81], %swap3A_84 {strides = array<i32>} : memref<128x128xf32, #tpu.memory_space<vmem>>, vector<1x16xf32>,
      %get3A_85 = arith.constant 3 : i32
      %get3A_86 = arith.index_cast %get3A_85 : i32 to index
      %get3A_87 = arith.constant 0 : index
      %get3A_88 = tpu.vector_load %arg7[%get3A_86, %get3A_87] {strides = array<i32>} : memref<128x16xf32, #tpu.memory_space<vmem>>, vector<1x16xf32>,
      %get3A_89 = vector.shape_cast %get3A_88 : vector<1x16xf32> to vector<16xf32>
      %swap3A_90 = arith.constant 3 : i32
      %swap3A_91 = arith.index_cast %swap3A_90 : i32 to index
      %swap3A_92 = arith.constant 0 : index
      %swap3A_93 = tpu.vector_load %arg8[%swap3A_91, %swap3A_92] {strides = array<i32>} : memref<128x128xf32, #tpu.memory_space<vmem>>, vector<1x16xf32>,
      %swap3A_94 = vector.shape_cast %swap3A_93 : vector<1x16xf32> to vector<16xf32>
      %swap3A_95 = vector.shape_cast %get3A_89 : vector<16xf32> to vector<1x16xf32>
      tpu.vector_store %arg8[%swap3A_91, %swap3A_92], %swap3A_95 {strides = array<i32>} : memref<128x128xf32, #tpu.memory_space<vmem>>, vector<1x16xf32>,
      %get3A_96 = arith.constant 4 : i32
      %get3A_97 = arith.index_cast %get3A_96 : i32 to index
      %get3A_98 = arith.constant 0 : index
      %get3A_99 = tpu.vector_load %arg7[%get3A_97, %get3A_98] {strides = array<i32>} : memref<128x16xf32, #tpu.memory_space<vmem>>, vector<1x16xf32>,
      %get3A_100 = vector.shape_cast %get3A_99 : vector<1x16xf32> to vector<16xf32>
      %swap3A_101 = arith.constant 4 : i32
      %swap3A_102 = arith.index_cast %swap3A_101 : i32 to index
      %swap3A_103 = arith.constant 0 : index
      %swap3A_104 = tpu.vector_load %arg8[%swap3A_102, %swap3A_103] {strides = array<i32>} : memref<128x128xf32, #tpu.memory_space<vmem>>, vector<1x16xf32>,
      %swap3A_105 = vector.shape_cast %swap3A_104 : vector<1x16xf32> to vector<16xf32>
      %swap3A_106 = vector.shape_cast %get3A_100 : vector<16xf32> to vector<1x16xf32>
      tpu.vector_store %arg8[%swap3A_102, %swap3A_103], %swap3A_106 {strides = array<i32>} : memref<128x128xf32, #tpu.memory_space<vmem>>, vector<1x16xf32>,
      %get3A_107 = arith.constant 5 : i32
      %get3A_108 = arith.index_cast %get3A_107 : i32 to index
      %get3A_109 = arith.constant 0 : index
      %get3A_110 = tpu.vector_load %arg7[%get3A_108, %get3A_109] {strides = array<i32>} : memref<128x16xf32, #tpu.memory_space<vmem>>, vector<1x16xf32>,
      %get3A_111 = vector.shape_cast %get3A_110 : vector<1x16xf32> to vector<16xf32>
      %swap3A_112 = arith.constant 5 : i32
      %swap3A_113 = arith.index_cast %swap3A_112 : i32 to index
      %swap3A_114 = arith.constant 0 : index
      %swap3A_115 = tpu.vector_load %arg8[%swap3A_113, %swap3A_114] {strides = array<i32>} : memref<128x128xf32, #tpu.memory_space<vmem>>, vector<1x16xf32>,
      %swap3A_116 = vector.shape_cast %swap3A_115 : vector<1x16xf32> to vector<16xf32>
      %swap3A_117 = vector.shape_cast %get3A_111 : vector<16xf32> to vector<1x16xf32>
      tpu.vector_store %arg8[%swap3A_113, %swap3A_114], %swap3A_117 {strides = array<i32>} : memref<128x128xf32, #tpu.memory_space<vmem>>, vector<1x16xf32>,
      %get3A_118 = arith.constant 6 : i32
      %get3A_119 = arith.index_cast %get3A_118 : i32 to index
      %get3A_120 = arith.constant 0 : index
      %get3A_121 = tpu.vector_load %arg7[%get3A_119, %get3A_120] {strides = array<i32>} : memref<128x16xf32, #tpu.memory_space<vmem>>, vector<1x16xf32>,
      %get3A_122 = vector.shape_cast %get3A_121 : vector<1x16xf32> to vector<16xf32>
      %swap3A_123 = arith.constant 6 : i32
      %swap3A_124 = arith.index_cast %swap3A_123 : i32 to index
      %swap3A_125 = arith.constant 0 : index
      %swap3A_126 = tpu.vector_load %arg8[%swap3A_124, %swap3A_125] {strides = array<i32>} : memref<128x128xf32, #tpu.memory_space<vmem>>, vector<1x16xf32>,
      %swap3A_127 = vector.shape_cast %swap3A_126 : vector<1x16xf32> to vector<16xf32>
      %swap3A_128 = vector.shape_cast %get3A_122 : vector<16xf32> to vector<1x16xf32>
      tpu.vector_store %arg8[%swap3A_124, %swap3A_125], %swap3A_128 {strides = array<i32>} : memref<128x128xf32, #tpu.memory_space<vmem>>, vector<1x16xf32>,
      %get3A_129 = arith.constant 7 : i32
      %get3A_130 = arith.index_cast %get3A_129 : i32 to index
      %get3A_131 = arith.constant 0 : index
      %get3A_132 = tpu.vector_load %arg7[%get3A_130, %get3A_131] {strides = array<i32>} : memref<128x16xf32, #tpu.memory_space<vmem>>, vector<1x16xf32>,
      %get3A_133 = vector.shape_cast %get3A_132 : vector<1x16xf32> to vector<16xf32>
      %swap3A_134 = arith.constant 7 : i32
      %swap3A_135 = arith.index_cast %swap3A_134 : i32 to index
      %swap3A_136 = arith.constant 0 : index
      %swap3A_137 = tpu.vector_load %arg8[%swap3A_135, %swap3A_136] {strides = array<i32>} : memref<128x128xf32, #tpu.memory_space<vmem>>, vector<1x16xf32>,
      %swap3A_138 = vector.shape_cast %swap3A_137 : vector<1x16xf32> to vector<16xf32>
      %swap3A_139 = vector.shape_cast %get3A_133 : vector<16xf32> to vector<1x16xf32>
      tpu.vector_store %arg8[%swap3A_135, %swap3A_136], %swap3A_139 {strides = array<i32>} : memref<128x128xf32, #tpu.memory_space<vmem>>, vector<1x16xf32>,
      %get3A_140 = arith.constant 8 : i32
      %get3A_141 = arith.index_cast %get3A_140 : i32 to index
      %get3A_142 = arith.constant 0 : index
      %get3A_143 = tpu.vector_load %arg7[%get3A_141, %get3A_142] {strides = array<i32>} : memref<128x16xf32, #tpu.memory_space<vmem>>, vector<1x16xf32>,
      %get3A_144 = vector.shape_cast %get3A_143 : vector<1x16xf32> to vector<16xf32>
      %swap3A_145 = arith.constant 8 : i32
      %swap3A_146 = arith.index_cast %swap3A_145 : i32 to index
      %swap3A_147 = arith.constant 0 : index
      %swap3A_148 = tpu.vector_load %arg8[%swap3A_146, %swap3A_147] {strides = array<i32>} : memref<128x128xf32, #tpu.memory_space<vmem>>, vector<1x16xf32>,
      %swap3A_149 = vector.shape_cast %swap3A_148 : vector<1x16xf32> to vector<16xf32>
      %swap3A_150 = vector.shape_cast %get3A_144 : vector<16xf32> to vector<1x16xf32>
      tpu.vector_store %arg8[%swap3A_146, %swap3A_147], %swap3A_150 {strides = array<i32>} : memref<128x128xf32, #tpu.memory_space<vmem>>, vector<1x16xf32>,
      %get3A_151 = arith.constant 9 : i32
      %get3A_152 = arith.index_cast %get3A_151 : i32 to index
      %get3A_153 = arith.constant 0 : index
      %get3A_154 = tpu.vector_load %arg7[%get3A_152, %get3A_153] {strides = array<i32>} : memref<128x16xf32, #tpu.memory_space<vmem>>, vector<1x16xf32>,
      %get3A_155 = vector.shape_cast %get3A_154 : vector<1x16xf32> to vector<16xf32>
      %swap3A_156 = arith.constant 9 : i32
      %swap3A_157 = arith.index_cast %swap3A_156 : i32 to index
      %swap3A_158 = arith.constant 0 : index
      %swap3A_159 = tpu.vector_load %arg8[%swap3A_157, %swap3A_158] {strides = array<i32>} : memref<128x128xf32, #tpu.memory_space<vmem>>, vector<1x16xf32>,
      %swap3A_160 = vector.shape_cast %swap3A_159 : vector<1x16xf32> to vector<16xf32>
      %swap3A_161 = vector.shape_cast %get3A_155 : vector<16xf32> to vector<1x16xf32>
      tpu.vector_store %arg8[%swap3A_157, %swap3A_158], %swap3A_161 {strides = array<i32>} : memref<128x128xf32, #tpu.memory_space<vmem>>, vector<1x16xf32>,
      %get3A_162 = arith.constant 10 : i32
      %get3A_163 = arith.index_cast %get3A_162 : i32 to index
      %get3A_164 = arith.constant 0 : index
      %get3A_165 = tpu.vector_load %arg7[%get3A_163, %get3A_164] {strides = array<i32>} : memref<128x16xf32, #tpu.memory_space<vmem>>, vector<1x16xf32>,
      %get3A_166 = vector.shape_cast %get3A_165 : vector<1x16xf32> to vector<16xf32>
      %swap3A_167 = arith.constant 10 : i32
      %swap3A_168 = arith.index_cast %swap3A_167 : i32 to index
      %swap3A_169 = arith.constant 0 : index
      %swap3A_170 = tpu.vector_load %arg8[%swap3A_168, %swap3A_169] {strides = array<i32>} : memref<128x128xf32, #tpu.memory_space<vmem>>, vector<1x16xf32>,
      %swap3A_171 = vector.shape_cast %swap3A_170 : vector<1x16xf32> to vector<16xf32>
      %swap3A_172 = vector.shape_cast %get3A_166 : vector<16xf32> to vector<1x16xf32>
      tpu.vector_store %arg8[%swap3A_168, %swap3A_169], %swap3A_172 {strides = array<i32>} : memref<128x128xf32, #tpu.memory_space<vmem>>, vector<1x16xf32>,
      %get3A_173 = arith.constant 11 : i32
      %get3A_174 = arith.index_cast %get3A_173 : i32 to index
      %get3A_175 = arith.constant 0 : index
      %get3A_176 = tpu.vector_load %arg7[%get3A_174, %get3A_175] {strides = array<i32>} : memref<128x16xf32, #tpu.memory_space<vmem>>, vector<1x16xf32>,
      %get3A_177 = vector.shape_cast %get3A_176 : vector<1x16xf32> to vector<16xf32>
      %swap3A_178 = arith.constant 11 : i32
      %swap3A_179 = arith.index_cast %swap3A_178 : i32 to index
      %swap3A_180 = arith.constant 0 : index
      %swap3A_181 = tpu.vector_load %arg8[%swap3A_179, %swap3A_180] {strides = array<i32>} : memref<128x128xf32, #tpu.memory_space<vmem>>, vector<1x16xf32>,
      %swap3A_182 = vector.shape_cast %swap3A_181 : vector<1x16xf32> to vector<16xf32>
      %swap3A_183 = vector.shape_cast %get3A_177 : vector<16xf32> to vector<1x16xf32>
      tpu.vector_store %arg8[%swap3A_179, %swap3A_180], %swap3A_183 {strides = array<i32>} : memref<128x128xf32, #tpu.memory_space<vmem>>, vector<1x16xf32>,
      %get3A_184 = arith.constant 12 : i32
      %get3A_185 = arith.index_cast %get3A_184 : i32 to index
      %get3A_186 = arith.constant 0 : index
      %get3A_187 = tpu.vector_load %arg7[%get3A_185, %get3A_186] {strides = array<i32>} : memref<128x16xf32, #tpu.memory_space<vmem>>, vector<1x16xf32>,
      %get3A_188 = vector.shape_cast %get3A_187 : vector<1x16xf32> to vector<16xf32>
      %swap3A_189 = arith.constant 12 : i32
      %swap3A_190 = arith.index_cast %swap3A_189 : i32 to index
      %swap3A_191 = arith.constant 0 : index
      %swap3A_192 = tpu.vector_load %arg8[%swap3A_190, %swap3A_191] {strides = array<i32>} : memref<128x128xf32, #tpu.memory_space<vmem>>, vector<1x16xf32>,
      %swap3A_193 = vector.shape_cast %swap3A_192 : vector<1x16xf32> to vector<16xf32>
      %swap3A_194 = vector.shape_cast %get3A_188 : vector<16xf32> to vector<1x16xf32>
      tpu.vector_store %arg8[%swap3A_190, %swap3A_191], %swap3A_194 {strides = array<i32>} : memref<128x128xf32, #tpu.memory_space<vmem>>, vector<1x16xf32>,
      %get3A_195 = arith.constant 13 : i32
      %get3A_196 = arith.index_cast %get3A_195 : i32 to index
      %get3A_197 = arith.constant 0 : index
      %get3A_198 = tpu.vector_load %arg7[%get3A_196, %get3A_197] {strides = array<i32>} : memref<128x16xf32, #tpu.memory_space<vmem>>, vector<1x16xf32>,
      %get3A_199 = vector.shape_cast %get3A_198 : vector<1x16xf32> to vector<16xf32>
      %swap3A_200 = arith.constant 13 : i32
      %swap3A_201 = arith.index_cast %swap3A_200 : i32 to index
      %swap3A_202 = arith.constant 0 : index
      %swap3A_203 = tpu.vector_load %arg8[%swap3A_201, %swap3A_202] {strides = array<i32>} : memref<128x128xf32, #tpu.memory_space<vmem>>, vector<1x16xf32>,
      %swap3A_204 = vector.shape_cast %swap3A_203 : vector<1x16xf32> to vector<16xf32>
      %swap3A_205 = vector.shape_cast %get3A_199 : vector<16xf32> to vector<1x16xf32>
      tpu.vector_store %arg8[%swap3A_201, %swap3A_202], %swap3A_205 {strides = array<i32>} : memref<128x128xf32, #tpu.memory_space<vmem>>, vector<1x16xf32>,
      %get3A_206 = arith.constant 14 : i32
      %get3A_207 = arith.index_cast %get3A_206 : i32 to index
      %get3A_208 = arith.constant 0 : index
      %get3A_209 = tpu.vector_load %arg7[%get3A_207, %get3A_208] {strides = array<i32>} : memref<128x16xf32, #tpu.memory_space<vmem>>, vector<1x16xf32>,
      %get3A_210 = vector.shape_cast %get3A_209 : vector<1x16xf32> to vector<16xf32>
      %swap3A_211 = arith.constant 14 : i32
      %swap3A_212 = arith.index_cast %swap3A_211 : i32 to index
      %swap3A_213 = arith.constant 0 : index
      %swap3A_214 = tpu.vector_load %arg8[%swap3A_212, %swap3A_213] {strides = array<i32>} : memref<128x128xf32, #tpu.memory_space<vmem>>, vector<1x16xf32>,
      %swap3A_215 = vector.shape_cast %swap3A_214 : vector<1x16xf32> to vector<16xf32>
      %swap3A_216 = vector.shape_cast %get3A_210 : vector<16xf32> to vector<1x16xf32>
      tpu.vector_store %arg8[%swap3A_212, %swap3A_213], %swap3A_216 {strides = array<i32>} : memref<128x128xf32, #tpu.memory_space<vmem>>, vector<1x16xf32>,
      %get3A_217 = arith.constant 15 : i32
      %get3A_218 = arith.index_cast %get3A_217 : i32 to index
      %get3A_219 = arith.constant 0 : index
      %get3A_220 = tpu.vector_load %arg7[%get3A_218, %get3A_219] {strides = array<i32>} : memref<128x16xf32, #tpu.memory_space<vmem>>, vector<1x16xf32>,
      %get3A_221 = vector.shape_cast %get3A_220 : vector<1x16xf32> to vector<16xf32>
      %swap3A_222 = arith.constant 15 : i32
      %swap3A_223 = arith.index_cast %swap3A_222 : i32 to index
      %swap3A_224 = arith.constant 0 : index
      %swap3A_225 = tpu.vector_load %arg8[%swap3A_223, %swap3A_224] {strides = array<i32>} : memref<128x128xf32, #tpu.memory_space<vmem>>, vector<1x16xf32>,
      %swap3A_226 = vector.shape_cast %swap3A_225 : vector<1x16xf32> to vector<16xf32>
      %swap3A_227 = vector.shape_cast %get3A_221 : vector<16xf32> to vector<1x16xf32>
      tpu.vector_store %arg8[%swap3A_223, %swap3A_224], %swap3A_227 {strides = array<i32>} : memref<128x128xf32, #tpu.memory_space<vmem>>, vector<1x16xf32>,
      %get3A_228 = arith.constant 16 : i32
      %get3A_229 = arith.index_cast %get3A_228 : i32 to index
      %get3A_230 = arith.constant 0 : index
      %get3A_231 = tpu.vector_load %arg7[%get3A_229, %get3A_230] {strides = array<i32>} : memref<128x16xf32, #tpu.memory_space<vmem>>, vector<1x16xf32>,
      %get3A_232 = vector.shape_cast %get3A_231 : vector<1x16xf32> to vector<16xf32>
      %swap3A_233 = arith.constant 16 : i32
      %swap3A_234 = arith.index_cast %swap3A_233 : i32 to index
      %swap3A_235 = arith.constant 0 : index
      %swap3A_236 = tpu.vector_load %arg8[%swap3A_234, %swap3A_235] {strides = array<i32>} : memref<128x128xf32, #tpu.memory_space<vmem>>, vector<1x16xf32>,
      %swap3A_237 = vector.shape_cast %swap3A_236 : vector<1x16xf32> to vector<16xf32>
      %swap3A_238 = vector.shape_cast %get3A_232 : vector<16xf32> to vector<1x16xf32>
      tpu.vector_store %arg8[%swap3A_234, %swap3A_235], %swap3A_238 {strides = array<i32>} : memref<128x128xf32, #tpu.memory_space<vmem>>, vector<1x16xf32>,
      %get3A_239 = arith.constant 17 : i32
      %get3A_240 = arith.index_cast %get3A_239 : i32 to index
      %get3A_241 = arith.constant 0 : index
      %get3A_242 = tpu.vector_load %arg7[%get3A_240, %get3A_241] {strides = array<i32>} : memref<128x16xf32, #tpu.memory_space<vmem>>, vector<1x16xf32>,
      %get3A_243 = vector.shape_cast %get3A_242 : vector<1x16xf32> to vector<16xf32>
      %swap3A_244 = arith.constant 17 : i32
      %swap3A_245 = arith.index_cast %swap3A_244 : i32 to index
      %swap3A_246 = arith.constant 0 : index
      %swap3A_247 = tpu.vector_load %arg8[%swap3A_245, %swap3A_246] {strides = array<i32>} : memref<128x128xf32, #tpu.memory_space<vmem>>, vector<1x16xf32>,
      %swap3A_248 = vector.shape_cast %swap3A_247 : vector<1x16xf32> to vector<16xf32>
      %swap3A_249 = vector.shape_cast %get3A_243 : vector<16xf32> to vector<1x16xf32>
      tpu.vector_store %arg8[%swap3A_245, %swap3A_246], %swap3A_249 {strides = array<i32>} : memref<128x128xf32, #tpu.memory_space<vmem>>, vector<1x16xf32>,
      %get3A_250 = arith.constant 18 : i32
      %get3A_251 = arith.index_cast %get3A_250 : i32 to index
      %get3A_252 = arith.constant 0 : index
      %get3A_253 = tpu.vector_load %arg7[%get3A_251, %get3A_252] {strides = array<i32>} : memref<128x16xf32, #tpu.memory_space<vmem>>, vector<1x16xf32>,
      %get3A_254 = vector.shape_cast %get3A_253 : vector<1x16xf32> to vector<16xf32>
      %swap3A_255 = arith.constant 18 : i32
      %swap3A_256 = arith.index_cast %swap3A_255 : i32 to index
      %swap3A_257 = arith.constant 0 : index
      %swap3A_258 = tpu.vector_load %arg8[%swap3A_256, %swap3A_257] {strides = array<i32>} : memref<128x128xf32, #tpu.memory_space<vmem>>, vector<1x16xf32>,
      %swap3A_259 = vector.shape_cast %swap3A_258 : vector<1x16xf32> to vector<16xf32>
      %swap3A_260 = vector.shape_cast %get3A_254 : vector<16xf32> to vector<1x16xf32>
      tpu.vector_store %arg8[%swap3A_256, %swap3A_257], %swap3A_260 {strides = array<i32>} : memref<128x128xf32, #tpu.memory_space<vmem>>, vector<1x16xf32>,
      %get3A_261 = arith.constant 19 : i32
      %get3A_262 = arith.index_cast %get3A_261 : i32 to index
      %get3A_263 = arith.constant 0 : index
      %get3A_264 = tpu.vector_load %arg7[%get3A_262, %get3A_263] {strides = array<i32>} : memref<128x16xf32, #tpu.memory_space<vmem>>, vector<1x16xf32>,
      %get3A_265 = vector.shape_cast %get3A_264 : vector<1x16xf32> to vector<16xf32>
      %swap3A_266 = arith.constant 19 : i32
      %swap3A_267 = arith.index_cast %swap3A_266 : i32 to index
      %swap3A_268 = arith.constant 0 : index
      %swap3A_269 = tpu.vector_load %arg8[%swap3A_267, %swap3A_268] {strides = array<i32>} : memref<128x128xf32, #tpu.memory_space<vmem>>, vector<1x16xf32>,
      %swap3A_270 = vector.shape_cast %swap3A_269 : vector<1x16xf32> to vector<16xf32>
      %swap3A_271 = vector.shape_cast %get3A_265 : vector<16xf32> to vector<1x16xf32>
      tpu.vector_store %arg8[%swap3A_267, %swap3A_268], %swap3A_271 {strides = array<i32>} : memref<128x128xf32, #tpu.memory_space<vmem>>, vector<1x16xf32>,
      %get3A_272 = arith.constant 20 : i32
      %get3A_273 = arith.index_cast %get3A_272 : i32 to index
      %get3A_274 = arith.constant 0 : index
      %get3A_275 = tpu.vector_load %arg7[%get3A_273, %get3A_274] {strides = array<i32>} : memref<128x16xf32, #tpu.memory_space<vmem>>, vector<1x16xf32>,
      %get3A_276 = vector.shape_cast %get3A_275 : vector<1x16xf32> to vector<16xf32>
      %swap3A_277 = arith.constant 20 : i32
      %swap3A_278 = arith.index_cast %swap3A_277 : i32 to index
      %swap3A_279 = arith.constant 0 : index
      %swap3A_280 = tpu.vector_load %arg8[%swap3A_278, %swap3A_279] {strides = array<i32>} : memref<128x128xf32, #tpu.memory_space<vmem>>, vector<1x16xf32>,
      %swap3A_281 = vector.shape_cast %swap3A_280 : vector<1x16xf32> to vector<16xf32>
      %swap3A_282 = vector.shape_cast %get3A_276 : vector<16xf32> to vector<1x16xf32>
      tpu.vector_store %arg8[%swap3A_278, %swap3A_279], %swap3A_282 {strides = array<i32>} : memref<128x128xf32, #tpu.memory_space<vmem>>, vector<1x16xf32>,
      %get3A_283 = arith.constant 21 : i32
      %get3A_284 = arith.index_cast %get3A_283 : i32 to index
      %get3A_285 = arith.constant 0 : index
      %get3A_286 = tpu.vector_load %arg7[%get3A_284, %get3A_285] {strides = array<i32>} : memref<128x16xf32, #tpu.memory_space<vmem>>, vector<1x16xf32>,
      %get3A_287 = vector.shape_cast %get3A_286 : vector<1x16xf32> to vector<16xf32>
      %swap3A_288 = arith.constant 21 : i32
      %swap3A_289 = arith.index_cast %swap3A_288 : i32 to index
      %swap3A_290 = arith.constant 0 : index
      %swap3A_291 = tpu.vector_load %arg8[%swap3A_289, %swap3A_290] {strides = array<i32>} : memref<128x128xf32, #tpu.memory_space<vmem>>, vector<1x16xf32>,
      %swap3A_292 = vector.shape_cast %swap3A_291 : vector<1x16xf32> to vector<16xf32>
      %swap3A_293 = vector.shape_cast %get3A_287 : vector<16xf32> to vector<1x16xf32>
      tpu.vector_store %arg8[%swap3A_289, %swap3A_290], %swap3A_293 {strides = array<i32>} : memref<128x128xf32, #tpu.memory_space<vmem>>, vector<1x16xf32>,
      %get3A_294 = arith.constant 22 : i32
      %get3A_295 = arith.index_cast %get3A_294 : i32 to index
      %get3A_296 = arith.constant 0 : index
      %get3A_297 = tpu.vector_load %arg7[%get3A_295, %get3A_296] {strides = array<i32>} : memref<128x16xf32, #tpu.memory_space<vmem>>, vector<1x16xf32>,
      %get3A_298 = vector.shape_cast %get3A_297 : vector<1x16xf32> to vector<16xf32>
      %swap3A_299 = arith.constant 22 : i32
      %swap3A_300 = arith.index_cast %swap3A_299 : i32 to index
      %swap3A_301 = arith.constant 0 : index
      %swap3A_302 = tpu.vector_load %arg8[%swap3A_300, %swap3A_301] {strides = array<i32>} : memref<128x128xf32, #tpu.memory_space<vmem>>, vector<1x16xf32>,
      %swap3A_303 = vector.shape_cast %swap3A_302 : vector<1x16xf32> to vector<16xf32>
      %swap3A_304 = vector.shape_cast %get3A_298 : vector<16xf32> to vector<1x16xf32>
      tpu.vector_store %arg8[%swap3A_300, %swap3A_301], %swap3A_304 {strides = array<i32>} : memref<128x128xf32, #tpu.memory_space<vmem>>, vector<1x16xf32>,
      %get3A_305 = arith.constant 23 : i32
      %get3A_306 = arith.index_cast %get3A_305 : i32 to index
      %get3A_307 = arith.constant 0 : index
      %get3A_308 = tpu.vector_load %arg7[%get3A_306, %get3A_307] {strides = array<i32>} : memref<128x16xf32, #tpu.memory_space<vmem>>, vector<1x16xf32>,
      %get3A_309 = vector.shape_cast %get3A_308 : vector<1x16xf32> to vector<16xf32>
      %swap3A_310 = arith.constant 23 : i32
      %swap3A_311 = arith.index_cast %swap3A_310 : i32 to index
      %swap3A_312 = arith.constant 0 : index
      %swap3A_313 = tpu.vector_load %arg8[%swap3A_311, %swap3A_312] {strides = array<i32>} : memref<128x128xf32, #tpu.memory_space<vmem>>, vector<1x16xf32>,
      %swap3A_314 = vector.shape_cast %swap3A_313 : vector<1x16xf32> to vector<16xf32>
      %swap3A_315 = vector.shape_cast %get3A_309 : vector<16xf32> to vector<1x16xf32>
      tpu.vector_store %arg8[%swap3A_311, %swap3A_312], %swap3A_315 {strides = array<i32>} : memref<128x128xf32, #tpu.memory_space<vmem>>, vector<1x16xf32>,
      %get3A_316 = arith.constant 24 : i32
      %get3A_317 = arith.index_cast %get3A_316 : i32 to index
      %get3A_318 = arith.constant 0 : index
      %get3A_319 = tpu.vector_load %arg7[%get3A_317, %get3A_318] {strides = array<i32>} : memref<128x16xf32, #tpu.memory_space<vmem>>, vector<1x16xf32>,
      %get3A_320 = vector.shape_cast %get3A_319 : vector<1x16xf32> to vector<16xf32>
      %swap3A_321 = arith.constant 24 : i32
      %swap3A_322 = arith.index_cast %swap3A_321 : i32 to index
      %swap3A_323 = arith.constant 0 : index
      %swap3A_324 = tpu.vector_load %arg8[%swap3A_322, %swap3A_323] {strides = array<i32>} : memref<128x128xf32, #tpu.memory_space<vmem>>, vector<1x16xf32>,
      %swap3A_325 = vector.shape_cast %swap3A_324 : vector<1x16xf32> to vector<16xf32>
      %swap3A_326 = vector.shape_cast %get3A_320 : vector<16xf32> to vector<1x16xf32>
      tpu.vector_store %arg8[%swap3A_322, %swap3A_323], %swap3A_326 {strides = array<i32>} : memref<128x128xf32, #tpu.memory_space<vmem>>, vector<1x16xf32>,
      %get3A_327 = arith.constant 25 : i32
      %get3A_328 = arith.index_cast %get3A_327 : i32 to index
      %get3A_329 = arith.constant 0 : index
      %get3A_330 = tpu.vector_load %arg7[%get3A_328, %get3A_329] {strides = array<i32>} : memref<128x16xf32, #tpu.memory_space<vmem>>, vector<1x16xf32>,
      %get3A_331 = vector.shape_cast %get3A_330 : vector<1x16xf32> to vector<16xf32>
      %swap3A_332 = arith.constant 25 : i32
      %swap3A_333 = arith.index_cast %swap3A_332 : i32 to index
      %swap3A_334 = arith.constant 0 : index
      %swap3A_335 = tpu.vector_load %arg8[%swap3A_333, %swap3A_334] {strides = array<i32>} : memref<128x128xf32, #tpu.memory_space<vmem>>, vector<1x16xf32>,
      %swap3A_336 = vector.shape_cast %swap3A_335 : vector<1x16xf32> to vector<16xf32>
      %swap3A_337 = vector.shape_cast %get3A_331 : vector<16xf32> to vector<1x16xf32>
      tpu.vector_store %arg8[%swap3A_333, %swap3A_334], %swap3A_337 {strides = array<i32>} : memref<128x128xf32, #tpu.memory_space<vmem>>, vector<1x16xf32>,
      %get3A_338 = arith.constant 26 : i32
      %get3A_339 = arith.index_cast %get3A_338 : i32 to index
      %get3A_340 = arith.constant 0 : index
      %get3A_341 = tpu.vector_load %arg7[%get3A_339, %get3A_340] {strides = array<i32>} : memref<128x16xf32, #tpu.memory_space<vmem>>, vector<1x16xf32>,
      %get3A_342 = vector.shape_cast %get3A_341 : vector<1x16xf32> to vector<16xf32>
      %swap3A_343 = arith.constant 26 : i32
      %swap3A_344 = arith.index_cast %swap3A_343 : i32 to index
      %swap3A_345 = arith.constant 0 : index
      %swap3A_346 = tpu.vector_load %arg8[%swap3A_344, %swap3A_345] {strides = array<i32>} : memref<128x128xf32, #tpu.memory_space<vmem>>, vector<1x16xf32>,
      %swap3A_347 = vector.shape_cast %swap3A_346 : vector<1x16xf32> to vector<16xf32>
      %swap3A_348 = vector.shape_cast %get3A_342 : vector<16xf32> to vector<1x16xf32>
      tpu.vector_store %arg8[%swap3A_344, %swap3A_345], %swap3A_348 {strides = array<i32>} : memref<128x128xf32, #tpu.memory_space<vmem>>, vector<1x16xf32>,
      %get3A_349 = arith.constant 27 : i32
      %get3A_350 = arith.index_cast %get3A_349 : i32 to index
      %get3A_351 = arith.constant 0 : index
      %get3A_352 = tpu.vector_load %arg7[%get3A_350, %get3A_351] {strides = array<i32>} : memref<128x16xf32, #tpu.memory_space<vmem>>, vector<1x16xf32>,
      %get3A_353 = vector.shape_cast %get3A_352 : vector<1x16xf32> to vector<16xf32>
      %swap3A_354 = arith.constant 27 : i32
      %swap3A_355 = arith.index_cast %swap3A_354 : i32 to index
      %swap3A_356 = arith.constant 0 : index
      %swap3A_357 = tpu.vector_load %arg8[%swap3A_355, %swap3A_356] {strides = array<i32>} : memref<128x128xf32, #tpu.memory_space<vmem>>, vector<1x16xf32>,
      %swap3A_358 = vector.shape_cast %swap3A_357 : vector<1x16xf32> to vector<16xf32>
      %swap3A_359 = vector.shape_cast %get3A_353 : vector<16xf32> to vector<1x16xf32>
      tpu.vector_store %arg8[%swap3A_355, %swap3A_356], %swap3A_359 {strides = array<i32>} : memref<128x128xf32, #tpu.memory_space<vmem>>, vector<1x16xf32>,
      %get3A_360 = arith.constant 28 : i32
      %get3A_361 = arith.index_cast %get3A_360 : i32 to index
      %get3A_362 = arith.constant 0 : index
      %get3A_363 = tpu.vector_load %arg7[%get3A_361, %get3A_362] {strides = array<i32>} : memref<128x16xf32, #tpu.memory_space<vmem>>, vector<1x16xf32>,
      %get3A_364 = vector.shape_cast %get3A_363 : vector<1x16xf32> to vector<16xf32>
      %swap3A_365 = arith.constant 28 : i32
      %swap3A_366 = arith.index_cast %swap3A_365 : i32 to index
      %swap3A_367 = arith.constant 0 : index
      %swap3A_368 = tpu.vector_load %arg8[%swap3A_366, %swap3A_367] {strides = array<i32>} : memref<128x128xf32, #tpu.memory_space<vmem>>, vector<1x16xf32>,
      %swap3A_369 = vector.shape_cast %swap3A_368 : vector<1x16xf32> to vector<16xf32>
      %swap3A_370 = vector.shape_cast %get3A_364 : vector<16xf32> to vector<1x16xf32>
      tpu.vector_store %arg8[%swap3A_366, %swap3A_367], %swap3A_370 {strides = array<i32>} : memref<128x128xf32, #tpu.memory_space<vmem>>, vector<1x16xf32>,
      %get3A_371 = arith.constant 29 : i32
      %get3A_372 = arith.index_cast %get3A_371 : i32 to index
      %get3A_373 = arith.constant 0 : index
      %get3A_374 = tpu.vector_load %arg7[%get3A_372, %get3A_373] {strides = array<i32>} : memref<128x16xf32, #tpu.memory_space<vmem>>, vector<1x16xf32>,
      %get3A_375 = vector.shape_cast %get3A_374 : vector<1x16xf32> to vector<16xf32>
      %swap3A_376 = arith.constant 29 : i32
      %swap3A_377 = arith.index_cast %swap3A_376 : i32 to index
      %swap3A_378 = arith.constant 0 : index
      %swap3A_379 = tpu.vector_load %arg8[%swap3A_377, %swap3A_378] {strides = array<i32>} : memref<128x128xf32, #tpu.memory_space<vmem>>, vector<1x16xf32>,
      %swap3A_380 = vector.shape_cast %swap3A_379 : vector<1x16xf32> to vector<16xf32>
      %swap3A_381 = vector.shape_cast %get3A_375 : vector<16xf32> to vector<1x16xf32>
      tpu.vector_store %arg8[%swap3A_377, %swap3A_378], %swap3A_381 {strides = array<i32>} : memref<128x128xf32, #tpu.memory_space<vmem>>, vector<1x16xf32>,
      %get3A_382 = arith.constant 30 : i32
      %get3A_383 = arith.index_cast %get3A_382 : i32 to index
      %get3A_384 = arith.constant 0 : index
      %get3A_385 = tpu.vector_load %arg7[%get3A_383, %get3A_384] {strides = array<i32>} : memref<128x16xf32, #tpu.memory_space<vmem>>, vector<1x16xf32>,
      %get3A_386 = vector.shape_cast %get3A_385 : vector<1x16xf32> to vector<16xf32>
      %swap3A_387 = arith.constant 30 : i32
      %swap3A_388 = arith.index_cast %swap3A_387 : i32 to index
      %swap3A_389 = arith.constant 0 : index
      %swap3A_390 = tpu.vector_load %arg8[%swap3A_388, %swap3A_389] {strides = array<i32>} : memref<128x128xf32, #tpu.memory_space<vmem>>, vector<1x16xf32>,
      %swap3A_391 = vector.shape_cast %swap3A_390 : vector<1x16xf32> to vector<16xf32>
      %swap3A_392 = vector.shape_cast %get3A_386 : vector<16xf32> to vector<1x16xf32>
      tpu.vector_store %arg8[%swap3A_388, %swap3A_389], %swap3A_392 {strides = array<i32>} : memref<128x128xf32, #tpu.memory_space<vmem>>, vector<1x16xf32>,
      %get3A_393 = arith.constant 31 : i32
      %get3A_394 = arith.index_cast %get3A_393 : i32 to index
      %get3A_395 = arith.constant 0 : index
      %get3A_396 = tpu.vector_load %arg7[%get3A_394, %get3A_395] {strides = array<i32>} : memref<128x16xf32, #tpu.memory_space<vmem>>, vector<1x16xf32>,
      %get3A_397 = vector.shape_cast %get3A_396 : vector<1x16xf32> to vector<16xf32>
      %swap3A_398 = arith.constant 31 : i32
      %swap3A_399 = arith.index_cast %swap3A_398 : i32 to index
      %swap3A_400 = arith.constant 0 : index
      %swap3A_401 = tpu.vector_load %arg8[%swap3A_399, %swap3A_400] {strides = array<i32>} : memref<128x128xf32, #tpu.memory_space<vmem>>, vector<1x16xf32>,
      %swap3A_402 = vector.shape_cast %swap3A_401 : vector<1x16xf32> to vector<16xf32>
      %swap3A_403 = vector.shape_cast %get3A_397 : vector<16xf32> to vector<1x16xf32>
      tpu.vector_store %arg8[%swap3A_399, %swap3A_400], %swap3A_403 {strides = array<i32>} : memref<128x128xf32, #tpu.memory_space<vmem>>, vector<1x16xf32>,
      %get3A_404 = arith.constant 32 : i32
      %get3A_405 = arith.index_cast %get3A_404 : i32 to index
      %get3A_406 = arith.constant 0 : index
      %get3A_407 = tpu.vector_load %arg7[%get3A_405, %get3A_406] {strides = array<i32>} : memref<128x16xf32, #tpu.memory_space<vmem>>, vector<1x16xf32>,
      %get3A_408 = vector.shape_cast %get3A_407 : vector<1x16xf32> to vector<16xf32>
      %swap3A_409 = arith.constant 32 : i32
      %swap3A_410 = arith.index_cast %swap3A_409 : i32 to index
      %swap3A_411 = arith.constant 0 : index
      %swap3A_412 = tpu.vector_load %arg8[%swap3A_410, %swap3A_411] {strides = array<i32>} : memref<128x128xf32, #tpu.memory_space<vmem>>, vector<1x16xf32>,
      %swap3A_413 = vector.shape_cast %swap3A_412 : vector<1x16xf32> to vector<16xf32>
      %swap3A_414 = vector.shape_cast %get3A_408 : vector<16xf32> to vector<1x16xf32>
      tpu.vector_store %arg8[%swap3A_410, %swap3A_411], %swap3A_414 {strides = array<i32>} : memref<128x128xf32, #tpu.memory_space<vmem>>, vector<1x16xf32>,
      %get3A_415 = arith.constant 33 : i32
      %get3A_416 = arith.index_cast %get3A_415 : i32 to index
      %get3A_417 = arith.constant 0 : index
      %get3A_418 = tpu.vector_load %arg7[%get3A_416, %get3A_417] {strides = array<i32>} : memref<128x16xf32, #tpu.memory_space<vmem>>, vector<1x16xf32>,
      %get3A_419 = vector.shape_cast %get3A_418 : vector<1x16xf32> to vector<16xf32>
      %swap3A_420 = arith.constant 33 : i32
      %swap3A_421 = arith.index_cast %swap3A_420 : i32 to index
      %swap3A_422 = arith.constant 0 : index
      %swap3A_423 = tpu.vector_load %arg8[%swap3A_421, %swap3A_422] {strides = array<i32>} : memref<128x128xf32, #tpu.memory_space<vmem>>, vector<1x16xf32>,
      %swap3A_424 = vector.shape_cast %swap3A_423 : vector<1x16xf32> to vector<16xf32>
      %swap3A_425 = vector.shape_cast %get3A_419 : vector<16xf32> to vector<1x16xf32>
      tpu.vector_store %arg8[%swap3A_421, %swap3A_422], %swap3A_425 {strides = array<i32>} : memref<128x128xf32, #tpu.memory_space<vmem>>, vector<1x16xf32>,
      %get3A_426 = arith.constant 34 : i32
      %get3A_427 = arith.index_cast %get3A_426 : i32 to index
      %get3A_428 = arith.constant 0 : index
      %get3A_429 = tpu.vector_load %arg7[%get3A_427, %get3A_428] {strides = array<i32>} : memref<128x16xf32, #tpu.memory_space<vmem>>, vector<1x16xf32>,
      %get3A_430 = vector.shape_cast %get3A_429 : vector<1x16xf32> to vector<16xf32>
      %swap3A_431 = arith.constant 34 : i32
      %swap3A_432 = arith.index_cast %swap3A_431 : i32 to index
      %swap3A_433 = arith.constant 0 : index
      %swap3A_434 = tpu.vector_load %arg8[%swap3A_432, %swap3A_433] {strides = array<i32>} : memref<128x128xf32, #tpu.memory_space<vmem>>, vector<1x16xf32>,
      %swap3A_435 = vector.shape_cast %swap3A_434 : vector<1x16xf32> to vector<16xf32>
      %swap3A_436 = vector.shape_cast %get3A_430 : vector<16xf32> to vector<1x16xf32>
      tpu.vector_store %arg8[%swap3A_432, %swap3A_433], %swap3A_436 {strides = array<i32>} : memref<128x128xf32, #tpu.memory_space<vmem>>, vector<1x16xf32>,
      %get3A_437 = arith.constant 35 : i32
      %get3A_438 = arith.index_cast %get3A_437 : i32 to index
      %get3A_439 = arith.constant 0 : index
      %get3A_440 = tpu.vector_load %arg7[%get3A_438, %get3A_439] {strides = array<i32>} : memref<128x16xf32, #tpu.memory_space<vmem>>, vector<1x16xf32>,
      %get3A_441 = vector.shape_cast %get3A_440 : vector<1x16xf32> to vector<16xf32>
      %swap3A_442 = arith.constant 35 : i32
      %swap3A_443 = arith.index_cast %swap3A_442 : i32 to index
      %swap3A_444 = arith.constant 0 : index
      %swap3A_445 = tpu.vector_load %arg8[%swap3A_443, %swap3A_444] {strides = array<i32>} : memref<128x128xf32, #tpu.memory_space<vmem>>, vector<1x16xf32>,
      %swap3A_446 = vector.shape_cast %swap3A_445 : vector<1x16xf32> to vector<16xf32>
      %swap3A_447 = vector.shape_cast %get3A_441 : vector<16xf32> to vector<1x16xf32>
      tpu.vector_store %arg8[%swap3A_443, %swap3A_444], %swap3A_447 {strides = array<i32>} : memref<128x128xf32, #tpu.memory_space<vmem>>, vector<1x16xf32>,
      %get3A_448 = arith.constant 36 : i32
      %get3A_449 = arith.index_cast %get3A_448 : i32 to index
      %get3A_450 = arith.constant 0 : index
      %get3A_451 = tpu.vector_load %arg7[%get3A_449, %get3A_450] {strides = array<i32>} : memref<128x16xf32, #tpu.memory_space<vmem>>, vector<1x16xf32>,
      %get3A_452 = vector.shape_cast %get3A_451 : vector<1x16xf32> to vector<16xf32>
      %swap3A_453 = arith.constant 36 : i32
      %swap3A_454 = arith.index_cast %swap3A_453 : i32 to index
      %swap3A_455 = arith.constant 0 : index
      %swap3A_456 = tpu.vector_load %arg8[%swap3A_454, %swap3A_455] {strides = array<i32>} : memref<128x128xf32, #tpu.memory_space<vmem>>, vector<1x16xf32>,
      %swap3A_457 = vector.shape_cast %swap3A_456 : vector<1x16xf32> to vector<16xf32>
      %swap3A_458 = vector.shape_cast %get3A_452 : vector<16xf32> to vector<1x16xf32>
      tpu.vector_store %arg8[%swap3A_454, %swap3A_455], %swap3A_458 {strides = array<i32>} : memref<128x128xf32, #tpu.memory_space<vmem>>, vector<1x16xf32>,
      %get3A_459 = arith.constant 37 : i32
      %get3A_460 = arith.index_cast %get3A_459 : i32 to index
      %get3A_461 = arith.constant 0 : index
      %get3A_462 = tpu.vector_load %arg7[%get3A_460, %get3A_461] {strides = array<i32>} : memref<128x16xf32, #tpu.memory_space<vmem>>, vector<1x16xf32>,
      %get3A_463 = vector.shape_cast %get3A_462 : vector<1x16xf32> to vector<16xf32>
      %swap3A_464 = arith.constant 37 : i32
      %swap3A_465 = arith.index_cast %swap3A_464 : i32 to index
      %swap3A_466 = arith.constant 0 : index
      %swap3A_467 = tpu.vector_load %arg8[%swap3A_465, %swap3A_466] {strides = array<i32>} : memref<128x128xf32, #tpu.memory_space<vmem>>, vector<1x16xf32>,
      %swap3A_468 = vector.shape_cast %swap3A_467 : vector<1x16xf32> to vector<16xf32>
      %swap3A_469 = vector.shape_cast %get3A_463 : vector<16xf32> to vector<1x16xf32>
      tpu.vector_store %arg8[%swap3A_465, %swap3A_466], %swap3A_469 {strides = array<i32>} : memref<128x128xf32, #tpu.memory_space<vmem>>, vector<1x16xf32>,
      %get3A_470 = arith.constant 38 : i32
      %get3A_471 = arith.index_cast %get3A_470 : i32 to index
      %get3A_472 = arith.constant 0 : index
      %get3A_473 = tpu.vector_load %arg7[%get3A_471, %get3A_472] {strides = array<i32>} : memref<128x16xf32, #tpu.memory_space<vmem>>, vector<1x16xf32>,
      %get3A_474 = vector.shape_cast %get3A_473 : vector<1x16xf32> to vector<16xf32>
      %swap3A_475 = arith.constant 38 : i32
      %swap3A_476 = arith.index_cast %swap3A_475 : i32 to index
      %swap3A_477 = arith.constant 0 : index
      %swap3A_478 = tpu.vector_load %arg8[%swap3A_476, %swap3A_477] {strides = array<i32>} : memref<128x128xf32, #tpu.memory_space<vmem>>, vector<1x16xf32>,
      %swap3A_479 = vector.shape_cast %swap3A_478 : vector<1x16xf32> to vector<16xf32>
      %swap3A_480 = vector.shape_cast %get3A_474 : vector<16xf32> to vector<1x16xf32>
      tpu.vector_store %arg8[%swap3A_476, %swap3A_477], %swap3A_480 {strides = array<i32>} : memref<128x128xf32, #tpu.memory_space<vmem>>, vector<1x16xf32>,
      %get3A_481 = arith.constant 39 : i32
      %get3A_482 = arith.index_cast %get3A_481 : i32 to index
      %get3A_483 = arith.constant 0 : index
      %get3A_484 = tpu.vector_load %arg7[%get3A_482, %get3A_483] {strides = array<i32>} : memref<128x16xf32, #tpu.memory_space<vmem>>, vector<1x16xf32>,
      %get3A_485 = vector.shape_cast %get3A_484 : vector<1x16xf32> to vector<16xf32>
      %swap3A_486 = arith.constant 39 : i32
      %swap3A_487 = arith.index_cast %swap3A_486 : i32 to index
      %swap3A_488 = arith.constant 0 : index
      %swap3A_489 = tpu.vector_load %arg8[%swap3A_487, %swap3A_488] {strides = array<i32>} : memref<128x128xf32, #tpu.memory_space<vmem>>, vector<1x16xf32>,
      %swap3A_490 = vector.shape_cast %swap3A_489 : vector<1x16xf32> to vector<16xf32>
      %swap3A_491 = vector.shape_cast %get3A_485 : vector<16xf32> to vector<1x16xf32>
      tpu.vector_store %arg8[%swap3A_487, %swap3A_488], %swap3A_491 {strides = array<i32>} : memref<128x128xf32, #tpu.memory_space<vmem>>, vector<1x16xf32>,
      %get3A_492 = arith.constant 40 : i32
      %get3A_493 = arith.index_cast %get3A_492 : i32 to index
      %get3A_494 = arith.constant 0 : index
      %get3A_495 = tpu.vector_load %arg7[%get3A_493, %get3A_494] {strides = array<i32>} : memref<128x16xf32, #tpu.memory_space<vmem>>, vector<1x16xf32>,
      %get3A_496 = vector.shape_cast %get3A_495 : vector<1x16xf32> to vector<16xf32>
      %swap3A_497 = arith.constant 40 : i32
      %swap3A_498 = arith.index_cast %swap3A_497 : i32 to index
      %swap3A_499 = arith.constant 0 : index
      %swap3A_500 = tpu.vector_load %arg8[%swap3A_498, %swap3A_499] {strides = array<i32>} : memref<128x128xf32, #tpu.memory_space<vmem>>, vector<1x16xf32>,
      %swap3A_501 = vector.shape_cast %swap3A_500 : vector<1x16xf32> to vector<16xf32>
      %swap3A_502 = vector.shape_cast %get3A_496 : vector<16xf32> to vector<1x16xf32>
      tpu.vector_store %arg8[%swap3A_498, %swap3A_499], %swap3A_502 {strides = array<i32>} : memref<128x128xf32, #tpu.memory_space<vmem>>, vector<1x16xf32>,
      %get3A_503 = arith.constant 41 : i32
      %get3A_504 = arith.index_cast %get3A_503 : i32 to index
      %get3A_505 = arith.constant 0 : index
      %get3A_506 = tpu.vector_load %arg7[%get3A_504, %get3A_505] {strides = array<i32>} : memref<128x16xf32, #tpu.memory_space<vmem>>, vector<1x16xf32>,
      %get3A_507 = vector.shape_cast %get3A_506 : vector<1x16xf32> to vector<16xf32>
      %swap3A_508 = arith.constant 41 : i32
      %swap3A_509 = arith.index_cast %swap3A_508 : i32 to index
      %swap3A_510 = arith.constant 0 : index
      %swap3A_511 = tpu.vector_load %arg8[%swap3A_509, %swap3A_510] {strides = array<i32>} : memref<128x128xf32, #tpu.memory_space<vmem>>, vector<1x16xf32>,
      %swap3A_512 = vector.shape_cast %swap3A_511 : vector<1x16xf32> to vector<16xf32>
      %swap3A_513 = vector.shape_cast %get3A_507 : vector<16xf32> to vector<1x16xf32>
      tpu.vector_store %arg8[%swap3A_509, %swap3A_510], %swap3A_513 {strides = array<i32>} : memref<128x128xf32, #tpu.memory_space<vmem>>, vector<1x16xf32>,
      %get3A_514 = arith.constant 42 : i32
      %get3A_515 = arith.index_cast %get3A_514 : i32 to index
      %get3A_516 = arith.constant 0 : index
      %get3A_517 = tpu.vector_load %arg7[%get3A_515, %get3A_516] {strides = array<i32>} : memref<128x16xf32, #tpu.memory_space<vmem>>, vector<1x16xf32>,
      %get3A_518 = vector.shape_cast %get3A_517 : vector<1x16xf32> to vector<16xf32>
      %swap3A_519 = arith.constant 42 : i32
      %swap3A_520 = arith.index_cast %swap3A_519 : i32 to index
      %swap3A_521 = arith.constant 0 : index
      %swap3A_522 = tpu.vector_load %arg8[%swap3A_520, %swap3A_521] {strides = array<i32>} : memref<128x128xf32, #tpu.memory_space<vmem>>, vector<1x16xf32>,
      %swap3A_523 = vector.shape_cast %swap3A_522 : vector<1x16xf32> to vector<16xf32>
      %swap3A_524 = vector.shape_cast %get3A_518 : vector<16xf32> to vector<1x16xf32>
      tpu.vector_store %arg8[%swap3A_520, %swap3A_521], %swap3A_524 {strides = array<i32>} : memref<128x128xf32, #tpu.memory_space<vmem>>, vector<1x16xf32>,
      %get3A_525 = arith.constant 43 : i32
      %get3A_526 = arith.index_cast %get3A_525 : i32 to index
      %get3A_527 = arith.constant 0 : index
      %get3A_528 = tpu.vector_load %arg7[%get3A_526, %get3A_527] {strides = array<i32>} : memref<128x16xf32, #tpu.memory_space<vmem>>, vector<1x16xf32>,
      %get3A_529 = vector.shape_cast %get3A_528 : vector<1x16xf32> to vector<16xf32>
      %swap3A_530 = arith.constant 43 : i32
      %swap3A_531 = arith.index_cast %swap3A_530 : i32 to index
      %swap3A_532 = arith.constant 0 : index
      %swap3A_533 = tpu.vector_load %arg8[%swap3A_531, %swap3A_532] {strides = array<i32>} : memref<128x128xf32, #tpu.memory_space<vmem>>, vector<1x16xf32>,
      %swap3A_534 = vector.shape_cast %swap3A_533 : vector<1x16xf32> to vector<16xf32>
      %swap3A_535 = vector.shape_cast %get3A_529 : vector<16xf32> to vector<1x16xf32>
      tpu.vector_store %arg8[%swap3A_531, %swap3A_532], %swap3A_535 {strides = array<i32>} : memref<128x128xf32, #tpu.memory_space<vmem>>, vector<1x16xf32>,
      %get3A_536 = arith.constant 44 : i32
      %get3A_537 = arith.index_cast %get3A_536 : i32 to index
      %get3A_538 = arith.constant 0 : index
      %get3A_539 = tpu.vector_load %arg7[%get3A_537, %get3A_538] {strides = array<i32>} : memref<128x16xf32, #tpu.memory_space<vmem>>, vector<1x16xf32>,
      %get3A_540 = vector.shape_cast %get3A_539 : vector<1x16xf32> to vector<16xf32>
      %swap3A_541 = arith.constant 44 : i32
      %swap3A_542 = arith.index_cast %swap3A_541 : i32 to index
      %swap3A_543 = arith.constant 0 : index
      %swap3A_544 = tpu.vector_load %arg8[%swap3A_542, %swap3A_543] {strides = array<i32>} : memref<128x128xf32, #tpu.memory_space<vmem>>, vector<1x16xf32>,
      %swap3A_545 = vector.shape_cast %swap3A_544 : vector<1x16xf32> to vector<16xf32>
      %swap3A_546 = vector.shape_cast %get3A_540 : vector<16xf32> to vector<1x16xf32>
      tpu.vector_store %arg8[%swap3A_542, %swap3A_543], %swap3A_546 {strides = array<i32>} : memref<128x128xf32, #tpu.memory_space<vmem>>, vector<1x16xf32>,
      %get3A_547 = arith.constant 45 : i32
      %get3A_548 = arith.index_cast %get3A_547 : i32 to index
      %get3A_549 = arith.constant 0 : index
      %get3A_550 = tpu.vector_load %arg7[%get3A_548, %get3A_549] {strides = array<i32>} : memref<128x16xf32, #tpu.memory_space<vmem>>, vector<1x16xf32>,
      %get3A_551 = vector.shape_cast %get3A_550 : vector<1x16xf32> to vector<16xf32>
      %swap3A_552 = arith.constant 45 : i32
      %swap3A_553 = arith.index_cast %swap3A_552 : i32 to index
      %swap3A_554 = arith.constant 0 : index
      %swap3A_555 = tpu.vector_load %arg8[%swap3A_553, %swap3A_554] {strides = array<i32>} : memref<128x128xf32, #tpu.memory_space<vmem>>, vector<1x16xf32>,
      %swap3A_556 = vector.shape_cast %swap3A_555 : vector<1x16xf32> to vector<16xf32>
      %swap3A_557 = vector.shape_cast %get3A_551 : vector<16xf32> to vector<1x16xf32>
      tpu.vector_store %arg8[%swap3A_553, %swap3A_554], %swap3A_557 {strides = array<i32>} : memref<128x128xf32, #tpu.memory_space<vmem>>, vector<1x16xf32>,
      %get3A_558 = arith.constant 46 : i32
      %get3A_559 = arith.index_cast %get3A_558 : i32 to index
      %get3A_560 = arith.constant 0 : index
      %get3A_561 = tpu.vector_load %arg7[%get3A_559, %get3A_560] {strides = array<i32>} : memref<128x16xf32, #tpu.memory_space<vmem>>, vector<1x16xf32>,
      %get3A_562 = vector.shape_cast %get3A_561 : vector<1x16xf32> to vector<16xf32>
      %swap3A_563 = arith.constant 46 : i32
      %swap3A_564 = arith.index_cast %swap3A_563 : i32 to index
      %swap3A_565 = arith.constant 0 : index
      %swap3A_566 = tpu.vector_load %arg8[%swap3A_564, %swap3A_565] {strides = array<i32>} : memref<128x128xf32, #tpu.memory_space<vmem>>, vector<1x16xf32>,
      %swap3A_567 = vector.shape_cast %swap3A_566 : vector<1x16xf32> to vector<16xf32>
      %swap3A_568 = vector.shape_cast %get3A_562 : vector<16xf32> to vector<1x16xf32>
      tpu.vector_store %arg8[%swap3A_564, %swap3A_565], %swap3A_568 {strides = array<i32>} : memref<128x128xf32, #tpu.memory_space<vmem>>, vector<1x16xf32>,
      %get3A_569 = arith.constant 47 : i32
      %get3A_570 = arith.index_cast %get3A_569 : i32 to index
      %get3A_571 = arith.constant 0 : index
      %get3A_572 = tpu.vector_load %arg7[%get3A_570, %get3A_571] {strides = array<i32>} : memref<128x16xf32, #tpu.memory_space<vmem>>, vector<1x16xf32>,
      %get3A_573 = vector.shape_cast %get3A_572 : vector<1x16xf32> to vector<16xf32>
      %swap3A_574 = arith.constant 47 : i32
      %swap3A_575 = arith.index_cast %swap3A_574 : i32 to index
      %swap3A_576 = arith.constant 0 : index
      %swap3A_577 = tpu.vector_load %arg8[%swap3A_575, %swap3A_576] {strides = array<i32>} : memref<128x128xf32, #tpu.memory_space<vmem>>, vector<1x16xf32>,
      %swap3A_578 = vector.shape_cast %swap3A_577 : vector<1x16xf32> to vector<16xf32>
      %swap3A_579 = vector.shape_cast %get3A_573 : vector<16xf32> to vector<1x16xf32>
      tpu.vector_store %arg8[%swap3A_575, %swap3A_576], %swap3A_579 {strides = array<i32>} : memref<128x128xf32, #tpu.memory_space<vmem>>, vector<1x16xf32>,
      %get3A_580 = arith.constant 48 : i32
      %get3A_581 = arith.index_cast %get3A_580 : i32 to index
      %get3A_582 = arith.constant 0 : index
      %get3A_583 = tpu.vector_load %arg7[%get3A_581, %get3A_582] {strides = array<i32>} : memref<128x16xf32, #tpu.memory_space<vmem>>, vector<1x16xf32>,
      %get3A_584 = vector.shape_cast %get3A_583 : vector<1x16xf32> to vector<16xf32>
      %swap3A_585 = arith.constant 48 : i32
      %swap3A_586 = arith.index_cast %swap3A_585 : i32 to index
      %swap3A_587 = arith.constant 0 : index
      %swap3A_588 = tpu.vector_load %arg8[%swap3A_586, %swap3A_587] {strides = array<i32>} : memref<128x128xf32, #tpu.memory_space<vmem>>, vector<1x16xf32>,
      %swap3A_589 = vector.shape_cast %swap3A_588 : vector<1x16xf32> to vector<16xf32>
      %swap3A_590 = vector.shape_cast %get3A_584 : vector<16xf32> to vector<1x16xf32>
      tpu.vector_store %arg8[%swap3A_586, %swap3A_587], %swap3A_590 {strides = array<i32>} : memref<128x128xf32, #tpu.memory_space<vmem>>, vector<1x16xf32>,
      %get3A_591 = arith.constant 49 : i32
      %get3A_592 = arith.index_cast %get3A_591 : i32 to index
      %get3A_593 = arith.constant 0 : index
      %get3A_594 = tpu.vector_load %arg7[%get3A_592, %get3A_593] {strides = array<i32>} : memref<128x16xf32, #tpu.memory_space<vmem>>, vector<1x16xf32>,
      %get3A_595 = vector.shape_cast %get3A_594 : vector<1x16xf32> to vector<16xf32>
      %swap3A_596 = arith.constant 49 : i32
      %swap3A_597 = arith.index_cast %swap3A_596 : i32 to index
      %swap3A_598 = arith.constant 0 : index
      %swap3A_599 = tpu.vector_load %arg8[%swap3A_597, %swap3A_598] {strides = array<i32>} : memref<128x128xf32, #tpu.memory_space<vmem>>, vector<1x16xf32>,
      %swap3A_600 = vector.shape_cast %swap3A_599 : vector<1x16xf32> to vector<16xf32>
      %swap3A_601 = vector.shape_cast %get3A_595 : vector<16xf32> to vector<1x16xf32>
      tpu.vector_store %arg8[%swap3A_597, %swap3A_598], %swap3A_601 {strides = array<i32>} : memref<128x128xf32, #tpu.memory_space<vmem>>, vector<1x16xf32>,
      %get3A_602 = arith.constant 50 : i32
      %get3A_603 = arith.index_cast %get3A_602 : i32 to index
      %get3A_604 = arith.constant 0 : index
      %get3A_605 = tpu.vector_load %arg7[%get3A_603, %get3A_604] {strides = array<i32>} : memref<128x16xf32, #tpu.memory_space<vmem>>, vector<1x16xf32>,
      %get3A_606 = vector.shape_cast %get3A_605 : vector<1x16xf32> to vector<16xf32>
      %swap3A_607 = arith.constant 50 : i32
      %swap3A_608 = arith.index_cast %swap3A_607 : i32 to index
      %swap3A_609 = arith.constant 0 : index
      %swap3A_610 = tpu.vector_load %arg8[%swap3A_608, %swap3A_609] {strides = array<i32>} : memref<128x128xf32, #tpu.memory_space<vmem>>, vector<1x16xf32>,
      %swap3A_611 = vector.shape_cast %swap3A_610 : vector<1x16xf32> to vector<16xf32>
      %swap3A_612 = vector.shape_cast %get3A_606 : vector<16xf32> to vector<1x16xf32>
      tpu.vector_store %arg8[%swap3A_608, %swap3A_609], %swap3A_612 {strides = array<i32>} : memref<128x128xf32, #tpu.memory_space<vmem>>, vector<1x16xf32>,
      %get3A_613 = arith.constant 51 : i32
      %get3A_614 = arith.index_cast %get3A_613 : i32 to index
      %get3A_615 = arith.constant 0 : index
      %get3A_616 = tpu.vector_load %arg7[%get3A_614, %get3A_615] {strides = array<i32>} : memref<128x16xf32, #tpu.memory_space<vmem>>, vector<1x16xf32>,
      %get3A_617 = vector.shape_cast %get3A_616 : vector<1x16xf32> to vector<16xf32>
      %swap3A_618 = arith.constant 51 : i32
      %swap3A_619 = arith.index_cast %swap3A_618 : i32 to index
      %swap3A_620 = arith.constant 0 : index
      %swap3A_621 = tpu.vector_load %arg8[%swap3A_619, %swap3A_620] {strides = array<i32>} : memref<128x128xf32, #tpu.memory_space<vmem>>, vector<1x16xf32>,
      %swap3A_622 = vector.shape_cast %swap3A_621 : vector<1x16xf32> to vector<16xf32>
      %swap3A_623 = vector.shape_cast %get3A_617 : vector<16xf32> to vector<1x16xf32>
      tpu.vector_store %arg8[%swap3A_619, %swap3A_620], %swap3A_623 {strides = array<i32>} : memref<128x128xf32, #tpu.memory_space<vmem>>, vector<1x16xf32>,
      %get3A_624 = arith.constant 52 : i32
      %get3A_625 = arith.index_cast %get3A_624 : i32 to index
      %get3A_626 = arith.constant 0 : index
      %get3A_627 = tpu.vector_load %arg7[%get3A_625, %get3A_626] {strides = array<i32>} : memref<128x16xf32, #tpu.memory_space<vmem>>, vector<1x16xf32>,
      %get3A_628 = vector.shape_cast %get3A_627 : vector<1x16xf32> to vector<16xf32>
      %swap3A_629 = arith.constant 52 : i32
      %swap3A_630 = arith.index_cast %swap3A_629 : i32 to index
      %swap3A_631 = arith.constant 0 : index
      %swap3A_632 = tpu.vector_load %arg8[%swap3A_630, %swap3A_631] {strides = array<i32>} : memref<128x128xf32, #tpu.memory_space<vmem>>, vector<1x16xf32>,
      %swap3A_633 = vector.shape_cast %swap3A_632 : vector<1x16xf32> to vector<16xf32>
      %swap3A_634 = vector.shape_cast %get3A_628 : vector<16xf32> to vector<1x16xf32>
      tpu.vector_store %arg8[%swap3A_630, %swap3A_631], %swap3A_634 {strides = array<i32>} : memref<128x128xf32, #tpu.memory_space<vmem>>, vector<1x16xf32>,
      %get3A_635 = arith.constant 53 : i32
      %get3A_636 = arith.index_cast %get3A_635 : i32 to index
      %get3A_637 = arith.constant 0 : index
      %get3A_638 = tpu.vector_load %arg7[%get3A_636, %get3A_637] {strides = array<i32>} : memref<128x16xf32, #tpu.memory_space<vmem>>, vector<1x16xf32>,
      %get3A_639 = vector.shape_cast %get3A_638 : vector<1x16xf32> to vector<16xf32>
      %swap3A_640 = arith.constant 53 : i32
      %swap3A_641 = arith.index_cast %swap3A_640 : i32 to index
      %swap3A_642 = arith.constant 0 : index
      %swap3A_643 = tpu.vector_load %arg8[%swap3A_641, %swap3A_642] {strides = array<i32>} : memref<128x128xf32, #tpu.memory_space<vmem>>, vector<1x16xf32>,
      %swap3A_644 = vector.shape_cast %swap3A_643 : vector<1x16xf32> to vector<16xf32>
      %swap3A_645 = vector.shape_cast %get3A_639 : vector<16xf32> to vector<1x16xf32>
      tpu.vector_store %arg8[%swap3A_641, %swap3A_642], %swap3A_645 {strides = array<i32>} : memref<128x128xf32, #tpu.memory_space<vmem>>, vector<1x16xf32>,
      %get3A_646 = arith.constant 54 : i32
      %get3A_647 = arith.index_cast %get3A_646 : i32 to index
      %get3A_648 = arith.constant 0 : index
      %get3A_649 = tpu.vector_load %arg7[%get3A_647, %get3A_648] {strides = array<i32>} : memref<128x16xf32, #tpu.memory_space<vmem>>, vector<1x16xf32>,
      %get3A_650 = vector.shape_cast %get3A_649 : vector<1x16xf32> to vector<16xf32>
      %swap3A_651 = arith.constant 54 : i32
      %swap3A_652 = arith.index_cast %swap3A_651 : i32 to index
      %swap3A_653 = arith.constant 0 : index
      %swap3A_654 = tpu.vector_load %arg8[%swap3A_652, %swap3A_653] {strides = array<i32>} : memref<128x128xf32, #tpu.memory_space<vmem>>, vector<1x16xf32>,
      %swap3A_655 = vector.shape_cast %swap3A_654 : vector<1x16xf32> to vector<16xf32>
      %swap3A_656 = vector.shape_cast %get3A_650 : vector<16xf32> to vector<1x16xf32>
      tpu.vector_store %arg8[%swap3A_652, %swap3A_653], %swap3A_656 {strides = array<i32>} : memref<128x128xf32, #tpu.memory_space<vmem>>, vector<1x16xf32>,
      %get3A_657 = arith.constant 55 : i32
      %get3A_658 = arith.index_cast %get3A_657 : i32 to index
      %get3A_659 = arith.constant 0 : index
      %get3A_660 = tpu.vector_load %arg7[%get3A_658, %get3A_659] {strides = array<i32>} : memref<128x16xf32, #tpu.memory_space<vmem>>, vector<1x16xf32>,
      %get3A_661 = vector.shape_cast %get3A_660 : vector<1x16xf32> to vector<16xf32>
      %swap3A_662 = arith.constant 55 : i32
      %swap3A_663 = arith.index_cast %swap3A_662 : i32 to index
      %swap3A_664 = arith.constant 0 : index
      %swap3A_665 = tpu.vector_load %arg8[%swap3A_663, %swap3A_664] {strides = array<i32>} : memref<128x128xf32, #tpu.memory_space<vmem>>, vector<1x16xf32>,
      %swap3A_666 = vector.shape_cast %swap3A_665 : vector<1x16xf32> to vector<16xf32>
      %swap3A_667 = vector.shape_cast %get3A_661 : vector<16xf32> to vector<1x16xf32>
      tpu.vector_store %arg8[%swap3A_663, %swap3A_664], %swap3A_667 {strides = array<i32>} : memref<128x128xf32, #tpu.memory_space<vmem>>, vector<1x16xf32>,
      %get3A_668 = arith.constant 56 : i32
      %get3A_669 = arith.index_cast %get3A_668 : i32 to index
      %get3A_670 = arith.constant 0 : index
      %get3A_671 = tpu.vector_load %arg7[%get3A_669, %get3A_670] {strides = array<i32>} : memref<128x16xf32, #tpu.memory_space<vmem>>, vector<1x16xf32>,
      %get3A_672 = vector.shape_cast %get3A_671 : vector<1x16xf32> to vector<16xf32>
      %swap3A_673 = arith.constant 56 : i32
      %swap3A_674 = arith.index_cast %swap3A_673 : i32 to index
      %swap3A_675 = arith.constant 0 : index
      %swap3A_676 = tpu.vector_load %arg8[%swap3A_674, %swap3A_675] {strides = array<i32>} : memref<128x128xf32, #tpu.memory_space<vmem>>, vector<1x16xf32>,
      %swap3A_677 = vector.shape_cast %swap3A_676 : vector<1x16xf32> to vector<16xf32>
      %swap3A_678 = vector.shape_cast %get3A_672 : vector<16xf32> to vector<1x16xf32>
      tpu.vector_store %arg8[%swap3A_674, %swap3A_675], %swap3A_678 {strides = array<i32>} : memref<128x128xf32, #tpu.memory_space<vmem>>, vector<1x16xf32>,
      %get3A_679 = arith.constant 57 : i32
      %get3A_680 = arith.index_cast %get3A_679 : i32 to index
      %get3A_681 = arith.constant 0 : index
      %get3A_682 = tpu.vector_load %arg7[%get3A_680, %get3A_681] {strides = array<i32>} : memref<128x16xf32, #tpu.memory_space<vmem>>, vector<1x16xf32>,
      %get3A_683 = vector.shape_cast %get3A_682 : vector<1x16xf32> to vector<16xf32>
      %swap3A_684 = arith.constant 57 : i32
      %swap3A_685 = arith.index_cast %swap3A_684 : i32 to index
      %swap3A_686 = arith.constant 0 : index
      %swap3A_687 = tpu.vector_load %arg8[%swap3A_685, %swap3A_686] {strides = array<i32>} : memref<128x128xf32, #tpu.memory_space<vmem>>, vector<1x16xf32>,
      %swap3A_688 = vector.shape_cast %swap3A_687 : vector<1x16xf32> to vector<16xf32>
      %swap3A_689 = vector.shape_cast %get3A_683 : vector<16xf32> to vector<1x16xf32>
      tpu.vector_store %arg8[%swap3A_685, %swap3A_686], %swap3A_689 {strides = array<i32>} : memref<128x128xf32, #tpu.memory_space<vmem>>, vector<1x16xf32>,
      %get3A_690 = arith.constant 58 : i32
      %get3A_691 = arith.index_cast %get3A_690 : i32 to index
      %get3A_692 = arith.constant 0 : index
      %get3A_693 = tpu.vector_load %arg7[%get3A_691, %get3A_692] {strides = array<i32>} : memref<128x16xf32, #tpu.memory_space<vmem>>, vector<1x16xf32>,
      %get3A_694 = vector.shape_cast %get3A_693 : vector<1x16xf32> to vector<16xf32>
      %swap3A_695 = arith.constant 58 : i32
      %swap3A_696 = arith.index_cast %swap3A_695 : i32 to index
      %swap3A_697 = arith.constant 0 : index
      %swap3A_698 = tpu.vector_load %arg8[%swap3A_696, %swap3A_697] {strides = array<i32>} : memref<128x128xf32, #tpu.memory_space<vmem>>, vector<1x16xf32>,
      %swap3A_699 = vector.shape_cast %swap3A_698 : vector<1x16xf32> to vector<16xf32>
      %swap3A_700 = vector.shape_cast %get3A_694 : vector<16xf32> to vector<1x16xf32>
      tpu.vector_store %arg8[%swap3A_696, %swap3A_697], %swap3A_700 {strides = array<i32>} : memref<128x128xf32, #tpu.memory_space<vmem>>, vector<1x16xf32>,
      %get3A_701 = arith.constant 59 : i32
      %get3A_702 = arith.index_cast %get3A_701 : i32 to index
      %get3A_703 = arith.constant 0 : index
      %get3A_704 = tpu.vector_load %arg7[%get3A_702, %get3A_703] {strides = array<i32>} : memref<128x16xf32, #tpu.memory_space<vmem>>, vector<1x16xf32>,
      %get3A_705 = vector.shape_cast %get3A_704 : vector<1x16xf32> to vector<16xf32>
      %swap3A_706 = arith.constant 59 : i32
      %swap3A_707 = arith.index_cast %swap3A_706 : i32 to index
      %swap3A_708 = arith.constant 0 : index
      %swap3A_709 = tpu.vector_load %arg8[%swap3A_707, %swap3A_708] {strides = array<i32>} : memref<128x128xf32, #tpu.memory_space<vmem>>, vector<1x16xf32>,
      %swap3A_710 = vector.shape_cast %swap3A_709 : vector<1x16xf32> to vector<16xf32>
      %swap3A_711 = vector.shape_cast %get3A_705 : vector<16xf32> to vector<1x16xf32>
      tpu.vector_store %arg8[%swap3A_707, %swap3A_708], %swap3A_711 {strides = array<i32>} : memref<128x128xf32, #tpu.memory_space<vmem>>, vector<1x16xf32>,
      %get3A_712 = arith.constant 60 : i32
      %get3A_713 = arith.index_cast %get3A_712 : i32 to index
      %get3A_714 = arith.constant 0 : index
      %get3A_715 = tpu.vector_load %arg7[%get3A_713, %get3A_714] {strides = array<i32>} : memref<128x16xf32, #tpu.memory_space<vmem>>, vector<1x16xf32>,
      %get3A_716 = vector.shape_cast %get3A_715 : vector<1x16xf32> to vector<16xf32>
      %swap3A_717 = arith.constant 60 : i32
      %swap3A_718 = arith.index_cast %swap3A_717 : i32 to index
      %swap3A_719 = arith.constant 0 : index
      %swap3A_720 = tpu.vector_load %arg8[%swap3A_718, %swap3A_719] {strides = array<i32>} : memref<128x128xf32, #tpu.memory_space<vmem>>, vector<1x16xf32>,
      %swap3A_721 = vector.shape_cast %swap3A_720 : vector<1x16xf32> to vector<16xf32>
      %swap3A_722 = vector.shape_cast %get3A_716 : vector<16xf32> to vector<1x16xf32>
      tpu.vector_store %arg8[%swap3A_718, %swap3A_719], %swap3A_722 {strides = array<i32>} : memref<128x128xf32, #tpu.memory_space<vmem>>, vector<1x16xf32>,
      %get3A_723 = arith.constant 61 : i32
      %get3A_724 = arith.index_cast %get3A_723 : i32 to index
      %get3A_725 = arith.constant 0 : index
      %get3A_726 = tpu.vector_load %arg7[%get3A_724, %get3A_725] {strides = array<i32>} : memref<128x16xf32, #tpu.memory_space<vmem>>, vector<1x16xf32>,
      %get3A_727 = vector.shape_cast %get3A_726 : vector<1x16xf32> to vector<16xf32>
      %swap3A_728 = arith.constant 61 : i32
      %swap3A_729 = arith.index_cast %swap3A_728 : i32 to index
      %swap3A_730 = arith.constant 0 : index
      %swap3A_731 = tpu.vector_load %arg8[%swap3A_729, %swap3A_730] {strides = array<i32>} : memref<128x128xf32, #tpu.memory_space<vmem>>, vector<1x16xf32>,
      %swap3A_732 = vector.shape_cast %swap3A_731 : vector<1x16xf32> to vector<16xf32>
      %swap3A_733 = vector.shape_cast %get3A_727 : vector<16xf32> to vector<1x16xf32>
      tpu.vector_store %arg8[%swap3A_729, %swap3A_730], %swap3A_733 {strides = array<i32>} : memref<128x128xf32, #tpu.memory_space<vmem>>, vector<1x16xf32>,
      %get3A_734 = arith.constant 62 : i32
      %get3A_735 = arith.index_cast %get3A_734 : i32 to index
      %get3A_736 = arith.constant 0 : index
      %get3A_737 = tpu.vector_load %arg7[%get3A_735, %get3A_736] {strides = array<i32>} : memref<128x16xf32, #tpu.memory_space<vmem>>, vector<1x16xf32>,
      %get3A_738 = vector.shape_cast %get3A_737 : vector<1x16xf32> to vector<16xf32>
      %swap3A_739 = arith.constant 62 : i32
      %swap3A_740 = arith.index_cast %swap3A_739 : i32 to index
      %swap3A_741 = arith.constant 0 : index
      %swap3A_742 = tpu.vector_load %arg8[%swap3A_740, %swap3A_741] {strides = array<i32>} : memref<128x128xf32, #tpu.memory_space<vmem>>, vector<1x16xf32>,
      %swap3A_743 = vector.shape_cast %swap3A_742 : vector<1x16xf32> to vector<16xf32>
      %swap3A_744 = vector.shape_cast %get3A_738 : vector<16xf32> to vector<1x16xf32>
      tpu.vector_store %arg8[%swap3A_740, %swap3A_741], %swap3A_744 {strides = array<i32>} : memref<128x128xf32, #tpu.memory_space<vmem>>, vector<1x16xf32>,
      %get3A_745 = arith.constant 63 : i32
      %get3A_746 = arith.index_cast %get3A_745 : i32 to index
      %get3A_747 = arith.constant 0 : index
      %get3A_748 = tpu.vector_load %arg7[%get3A_746, %get3A_747] {strides = array<i32>} : memref<128x16xf32, #tpu.memory_space<vmem>>, vector<1x16xf32>,
      %get3A_749 = vector.shape_cast %get3A_748 : vector<1x16xf32> to vector<16xf32>
      %swap3A_750 = arith.constant 63 : i32
      %swap3A_751 = arith.index_cast %swap3A_750 : i32 to index
      %swap3A_752 = arith.constant 0 : index
      %swap3A_753 = tpu.vector_load %arg8[%swap3A_751, %swap3A_752] {strides = array<i32>} : memref<128x128xf32, #tpu.memory_space<vmem>>, vector<1x16xf32>,
      %swap3A_754 = vector.shape_cast %swap3A_753 : vector<1x16xf32> to vector<16xf32>
      %swap3A_755 = vector.shape_cast %get3A_749 : vector<16xf32> to vector<1x16xf32>
      tpu.vector_store %arg8[%swap3A_751, %swap3A_752], %swap3A_755 {strides = array<i32>} : memref<128x128xf32, #tpu.memory_space<vmem>>, vector<1x16xf32>,
      %get3A_756 = arith.constant 64 : i32
      %get3A_757 = arith.index_cast %get3A_756 : i32 to index
      %get3A_758 = arith.constant 0 : index
      %get3A_759 = tpu.vector_load %arg7[%get3A_757, %get3A_758] {strides = array<i32>} : memref<128x16xf32, #tpu.memory_space<vmem>>, vector<1x16xf32>,
      %get3A_760 = vector.shape_cast %get3A_759 : vector<1x16xf32> to vector<16xf32>
      %swap3A_761 = arith.constant 64 : i32
      %swap3A_762 = arith.index_cast %swap3A_761 : i32 to index
      %swap3A_763 = arith.constant 0 : index
      %swap3A_764 = tpu.vector_load %arg8[%swap3A_762, %swap3A_763] {strides = array<i32>} : memref<128x128xf32, #tpu.memory_space<vmem>>, vector<1x16xf32>,
      %swap3A_765 = vector.shape_cast %swap3A_764 : vector<1x16xf32> to vector<16xf32>
      %swap3A_766 = vector.shape_cast %get3A_760 : vector<16xf32> to vector<1x16xf32>
      tpu.vector_store %arg8[%swap3A_762, %swap3A_763], %swap3A_766 {strides = array<i32>} : memref<128x128xf32, #tpu.memory_space<vmem>>, vector<1x16xf32>,
      %get3A_767 = arith.constant 65 : i32
      %get3A_768 = arith.index_cast %get3A_767 : i32 to index
      %get3A_769 = arith.constant 0 : index
      %get3A_770 = tpu.vector_load %arg7[%get3A_768, %get3A_769] {strides = array<i32>} : memref<128x16xf32, #tpu.memory_space<vmem>>, vector<1x16xf32>,
      %get3A_771 = vector.shape_cast %get3A_770 : vector<1x16xf32> to vector<16xf32>
      %swap3A_772 = arith.constant 65 : i32
      %swap3A_773 = arith.index_cast %swap3A_772 : i32 to index
      %swap3A_774 = arith.constant 0 : index
      %swap3A_775 = tpu.vector_load %arg8[%swap3A_773, %swap3A_774] {strides = array<i32>} : memref<128x128xf32, #tpu.memory_space<vmem>>, vector<1x16xf32>,
      %swap3A_776 = vector.shape_cast %swap3A_775 : vector<1x16xf32> to vector<16xf32>
      %swap3A_777 = vector.shape_cast %get3A_771 : vector<16xf32> to vector<1x16xf32>
      tpu.vector_store %arg8[%swap3A_773, %swap3A_774], %swap3A_777 {strides = array<i32>} : memref<128x128xf32, #tpu.memory_space<vmem>>, vector<1x16xf32>,
      %get3A_778 = arith.constant 66 : i32
      %get3A_779 = arith.index_cast %get3A_778 : i32 to index
      %get3A_780 = arith.constant 0 : index
      %get3A_781 = tpu.vector_load %arg7[%get3A_779, %get3A_780] {strides = array<i32>} : memref<128x16xf32, #tpu.memory_space<vmem>>, vector<1x16xf32>,
      %get3A_782 = vector.shape_cast %get3A_781 : vector<1x16xf32> to vector<16xf32>
      %swap3A_783 = arith.constant 66 : i32
      %swap3A_784 = arith.index_cast %swap3A_783 : i32 to index
      %swap3A_785 = arith.constant 0 : index
      %swap3A_786 = tpu.vector_load %arg8[%swap3A_784, %swap3A_785] {strides = array<i32>} : memref<128x128xf32, #tpu.memory_space<vmem>>, vector<1x16xf32>,
      %swap3A_787 = vector.shape_cast %swap3A_786 : vector<1x16xf32> to vector<16xf32>
      %swap3A_788 = vector.shape_cast %get3A_782 : vector<16xf32> to vector<1x16xf32>
      tpu.vector_store %arg8[%swap3A_784, %swap3A_785], %swap3A_788 {strides = array<i32>} : memref<128x128xf32, #tpu.memory_space<vmem>>, vector<1x16xf32>,
      %get3A_789 = arith.constant 67 : i32
      %get3A_790 = arith.index_cast %get3A_789 : i32 to index
      %get3A_791 = arith.constant 0 : index
      %get3A_792 = tpu.vector_load %arg7[%get3A_790, %get3A_791] {strides = array<i32>} : memref<128x16xf32, #tpu.memory_space<vmem>>, vector<1x16xf32>,
      %get3A_793 = vector.shape_cast %get3A_792 : vector<1x16xf32> to vector<16xf32>
      %swap3A_794 = arith.constant 67 : i32
      %swap3A_795 = arith.index_cast %swap3A_794 : i32 to index
      %swap3A_796 = arith.constant 0 : index
      %swap3A_797 = tpu.vector_load %arg8[%swap3A_795, %swap3A_796] {strides = array<i32>} : memref<128x128xf32, #tpu.memory_space<vmem>>, vector<1x16xf32>,
      %swap3A_798 = vector.shape_cast %swap3A_797 : vector<1x16xf32> to vector<16xf32>
      %swap3A_799 = vector.shape_cast %get3A_793 : vector<16xf32> to vector<1x16xf32>
      tpu.vector_store %arg8[%swap3A_795, %swap3A_796], %swap3A_799 {strides = array<i32>} : memref<128x128xf32, #tpu.memory_space<vmem>>, vector<1x16xf32>,
      %get3A_800 = arith.constant 68 : i32
      %get3A_801 = arith.index_cast %get3A_800 : i32 to index
      %get3A_802 = arith.constant 0 : index
      %get3A_803 = tpu.vector_load %arg7[%get3A_801, %get3A_802] {strides = array<i32>} : memref<128x16xf32, #tpu.memory_space<vmem>>, vector<1x16xf32>,
      %get3A_804 = vector.shape_cast %get3A_803 : vector<1x16xf32> to vector<16xf32>
      %swap3A_805 = arith.constant 68 : i32
      %swap3A_806 = arith.index_cast %swap3A_805 : i32 to index
      %swap3A_807 = arith.constant 0 : index
      %swap3A_808 = tpu.vector_load %arg8[%swap3A_806, %swap3A_807] {strides = array<i32>} : memref<128x128xf32, #tpu.memory_space<vmem>>, vector<1x16xf32>,
      %swap3A_809 = vector.shape_cast %swap3A_808 : vector<1x16xf32> to vector<16xf32>
      %swap3A_810 = vector.shape_cast %get3A_804 : vector<16xf32> to vector<1x16xf32>
      tpu.vector_store %arg8[%swap3A_806, %swap3A_807], %swap3A_810 {strides = array<i32>} : memref<128x128xf32, #tpu.memory_space<vmem>>, vector<1x16xf32>,
      %get3A_811 = arith.constant 69 : i32
      %get3A_812 = arith.index_cast %get3A_811 : i32 to index
      %get3A_813 = arith.constant 0 : index
      %get3A_814 = tpu.vector_load %arg7[%get3A_812, %get3A_813] {strides = array<i32>} : memref<128x16xf32, #tpu.memory_space<vmem>>, vector<1x16xf32>,
      %get3A_815 = vector.shape_cast %get3A_814 : vector<1x16xf32> to vector<16xf32>
      %swap3A_816 = arith.constant 69 : i32
      %swap3A_817 = arith.index_cast %swap3A_816 : i32 to index
      %swap3A_818 = arith.constant 0 : index
      %swap3A_819 = tpu.vector_load %arg8[%swap3A_817, %swap3A_818] {strides = array<i32>} : memref<128x128xf32, #tpu.memory_space<vmem>>, vector<1x16xf32>,
      %swap3A_820 = vector.shape_cast %swap3A_819 : vector<1x16xf32> to vector<16xf32>
      %swap3A_821 = vector.shape_cast %get3A_815 : vector<16xf32> to vector<1x16xf32>
      tpu.vector_store %arg8[%swap3A_817, %swap3A_818], %swap3A_821 {strides = array<i32>} : memref<128x128xf32, #tpu.memory_space<vmem>>, vector<1x16xf32>,
      %get3A_822 = arith.constant 70 : i32
      %get3A_823 = arith.index_cast %get3A_822 : i32 to index
      %get3A_824 = arith.constant 0 : index
      %get3A_825 = tpu.vector_load %arg7[%get3A_823, %get3A_824] {strides = array<i32>} : memref<128x16xf32, #tpu.memory_space<vmem>>, vector<1x16xf32>,
      %get3A_826 = vector.shape_cast %get3A_825 : vector<1x16xf32> to vector<16xf32>
      %swap3A_827 = arith.constant 70 : i32
      %swap3A_828 = arith.index_cast %swap3A_827 : i32 to index
      %swap3A_829 = arith.constant 0 : index
      %swap3A_830 = tpu.vector_load %arg8[%swap3A_828, %swap3A_829] {strides = array<i32>} : memref<128x128xf32, #tpu.memory_space<vmem>>, vector<1x16xf32>,
      %swap3A_831 = vector.shape_cast %swap3A_830 : vector<1x16xf32> to vector<16xf32>
      %swap3A_832 = vector.shape_cast %get3A_826 : vector<16xf32> to vector<1x16xf32>
      tpu.vector_store %arg8[%swap3A_828, %swap3A_829], %swap3A_832 {strides = array<i32>} : memref<128x128xf32, #tpu.memory_space<vmem>>, vector<1x16xf32>,
      %get3A_833 = arith.constant 71 : i32
      %get3A_834 = arith.index_cast %get3A_833 : i32 to index
      %get3A_835 = arith.constant 0 : index
      %get3A_836 = tpu.vector_load %arg7[%get3A_834, %get3A_835] {strides = array<i32>} : memref<128x16xf32, #tpu.memory_space<vmem>>, vector<1x16xf32>,
      %get3A_837 = vector.shape_cast %get3A_836 : vector<1x16xf32> to vector<16xf32>
      %swap3A_838 = arith.constant 71 : i32
      %swap3A_839 = arith.index_cast %swap3A_838 : i32 to index
      %swap3A_840 = arith.constant 0 : index
      %swap3A_841 = tpu.vector_load %arg8[%swap3A_839, %swap3A_840] {strides = array<i32>} : memref<128x128xf32, #tpu.memory_space<vmem>>, vector<1x16xf32>,
      %swap3A_842 = vector.shape_cast %swap3A_841 : vector<1x16xf32> to vector<16xf32>
      %swap3A_843 = vector.shape_cast %get3A_837 : vector<16xf32> to vector<1x16xf32>
      tpu.vector_store %arg8[%swap3A_839, %swap3A_840], %swap3A_843 {strides = array<i32>} : memref<128x128xf32, #tpu.memory_space<vmem>>, vector<1x16xf32>,
      %get3A_844 = arith.constant 72 : i32
      %get3A_845 = arith.index_cast %get3A_844 : i32 to index
      %get3A_846 = arith.constant 0 : index
      %get3A_847 = tpu.vector_load %arg7[%get3A_845, %get3A_846] {strides = array<i32>} : memref<128x16xf32, #tpu.memory_space<vmem>>, vector<1x16xf32>,
      %get3A_848 = vector.shape_cast %get3A_847 : vector<1x16xf32> to vector<16xf32>
      %swap3A_849 = arith.constant 72 : i32
      %swap3A_850 = arith.index_cast %swap3A_849 : i32 to index
      %swap3A_851 = arith.constant 0 : index
      %swap3A_852 = tpu.vector_load %arg8[%swap3A_850, %swap3A_851] {strides = array<i32>} : memref<128x128xf32, #tpu.memory_space<vmem>>, vector<1x16xf32>,
      %swap3A_853 = vector.shape_cast %swap3A_852 : vector<1x16xf32> to vector<16xf32>
      %swap3A_854 = vector.shape_cast %get3A_848 : vector<16xf32> to vector<1x16xf32>
      tpu.vector_store %arg8[%swap3A_850, %swap3A_851], %swap3A_854 {strides = array<i32>} : memref<128x128xf32, #tpu.memory_space<vmem>>, vector<1x16xf32>,
      %get3A_855 = arith.constant 73 : i32
      %get3A_856 = arith.index_cast %get3A_855 : i32 to index
      %get3A_857 = arith.constant 0 : index
      %get3A_858 = tpu.vector_load %arg7[%get3A_856, %get3A_857] {strides = array<i32>} : memref<128x16xf32, #tpu.memory_space<vmem>>, vector<1x16xf32>,
      %get3A_859 = vector.shape_cast %get3A_858 : vector<1x16xf32> to vector<16xf32>
      %swap3A_860 = arith.constant 73 : i32
      %swap3A_861 = arith.index_cast %swap3A_860 : i32 to index
      %swap3A_862 = arith.constant 0 : index
      %swap3A_863 = tpu.vector_load %arg8[%swap3A_861, %swap3A_862] {strides = array<i32>} : memref<128x128xf32, #tpu.memory_space<vmem>>, vector<1x16xf32>,
      %swap3A_864 = vector.shape_cast %swap3A_863 : vector<1x16xf32> to vector<16xf32>
      %swap3A_865 = vector.shape_cast %get3A_859 : vector<16xf32> to vector<1x16xf32>
      tpu.vector_store %arg8[%swap3A_861, %swap3A_862], %swap3A_865 {strides = array<i32>} : memref<128x128xf32, #tpu.memory_space<vmem>>, vector<1x16xf32>,
      %get3A_866 = arith.constant 74 : i32
      %get3A_867 = arith.index_cast %get3A_866 : i32 to index
      %get3A_868 = arith.constant 0 : index
      %get3A_869 = tpu.vector_load %arg7[%get3A_867, %get3A_868] {strides = array<i32>} : memref<128x16xf32, #tpu.memory_space<vmem>>, vector<1x16xf32>,
      %get3A_870 = vector.shape_cast %get3A_869 : vector<1x16xf32> to vector<16xf32>
      %swap3A_871 = arith.constant 74 : i32
      %swap3A_872 = arith.index_cast %swap3A_871 : i32 to index
      %swap3A_873 = arith.constant 0 : index
      %swap3A_874 = tpu.vector_load %arg8[%swap3A_872, %swap3A_873] {strides = array<i32>} : memref<128x128xf32, #tpu.memory_space<vmem>>, vector<1x16xf32>,
      %swap3A_875 = vector.shape_cast %swap3A_874 : vector<1x16xf32> to vector<16xf32>
      %swap3A_876 = vector.shape_cast %get3A_870 : vector<16xf32> to vector<1x16xf32>
      tpu.vector_store %arg8[%swap3A_872, %swap3A_873], %swap3A_876 {strides = array<i32>} : memref<128x128xf32, #tpu.memory_space<vmem>>, vector<1x16xf32>,
      %get3A_877 = arith.constant 75 : i32
      %get3A_878 = arith.index_cast %get3A_877 : i32 to index
      %get3A_879 = arith.constant 0 : index
      %get3A_880 = tpu.vector_load %arg7[%get3A_878, %get3A_879] {strides = array<i32>} : memref<128x16xf32, #tpu.memory_space<vmem>>, vector<1x16xf32>,
      %get3A_881 = vector.shape_cast %get3A_880 : vector<1x16xf32> to vector<16xf32>
      %swap3A_882 = arith.constant 75 : i32
      %swap3A_883 = arith.index_cast %swap3A_882 : i32 to index
      %swap3A_884 = arith.constant 0 : index
      %swap3A_885 = tpu.vector_load %arg8[%swap3A_883, %swap3A_884] {strides = array<i32>} : memref<128x128xf32, #tpu.memory_space<vmem>>, vector<1x16xf32>,
      %swap3A_886 = vector.shape_cast %swap3A_885 : vector<1x16xf32> to vector<16xf32>
      %swap3A_887 = vector.shape_cast %get3A_881 : vector<16xf32> to vector<1x16xf32>
      tpu.vector_store %arg8[%swap3A_883, %swap3A_884], %swap3A_887 {strides = array<i32>} : memref<128x128xf32, #tpu.memory_space<vmem>>, vector<1x16xf32>,
      %get3A_888 = arith.constant 76 : i32
      %get3A_889 = arith.index_cast %get3A_888 : i32 to index
      %get3A_890 = arith.constant 0 : index
      %get3A_891 = tpu.vector_load %arg7[%get3A_889, %get3A_890] {strides = array<i32>} : memref<128x16xf32, #tpu.memory_space<vmem>>, vector<1x16xf32>,
      %get3A_892 = vector.shape_cast %get3A_891 : vector<1x16xf32> to vector<16xf32>
      %swap3A_893 = arith.constant 76 : i32
      %swap3A_894 = arith.index_cast %swap3A_893 : i32 to index
      %swap3A_895 = arith.constant 0 : index
      %swap3A_896 = tpu.vector_load %arg8[%swap3A_894, %swap3A_895] {strides = array<i32>} : memref<128x128xf32, #tpu.memory_space<vmem>>, vector<1x16xf32>,
      %swap3A_897 = vector.shape_cast %swap3A_896 : vector<1x16xf32> to vector<16xf32>
      %swap3A_898 = vector.shape_cast %get3A_892 : vector<16xf32> to vector<1x16xf32>
      tpu.vector_store %arg8[%swap3A_894, %swap3A_895], %swap3A_898 {strides = array<i32>} : memref<128x128xf32, #tpu.memory_space<vmem>>, vector<1x16xf32>,
      %get3A_899 = arith.constant 77 : i32
      %get3A_900 = arith.index_cast %get3A_899 : i32 to index
      %get3A_901 = arith.constant 0 : index
      %get3A_902 = tpu.vector_load %arg7[%get3A_900, %get3A_901] {strides = array<i32>} : memref<128x16xf32, #tpu.memory_space<vmem>>, vector<1x16xf32>,
      %get3A_903 = vector.shape_cast %get3A_902 : vector<1x16xf32> to vector<16xf32>
      %swap3A_904 = arith.constant 77 : i32
      %swap3A_905 = arith.index_cast %swap3A_904 : i32 to index
      %swap3A_906 = arith.constant 0 : index
      %swap3A_907 = tpu.vector_load %arg8[%swap3A_905, %swap3A_906] {strides = array<i32>} : memref<128x128xf32, #tpu.memory_space<vmem>>, vector<1x16xf32>,
      %swap3A_908 = vector.shape_cast %swap3A_907 : vector<1x16xf32> to vector<16xf32>
      %swap3A_909 = vector.shape_cast %get3A_903 : vector<16xf32> to vector<1x16xf32>
      tpu.vector_store %arg8[%swap3A_905, %swap3A_906], %swap3A_909 {strides = array<i32>} : memref<128x128xf32, #tpu.memory_space<vmem>>, vector<1x16xf32>,
      %get3A_910 = arith.constant 78 : i32
      %get3A_911 = arith.index_cast %get3A_910 : i32 to index
      %get3A_912 = arith.constant 0 : index
      %get3A_913 = tpu.vector_load %arg7[%get3A_911, %get3A_912] {strides = array<i32>} : memref<128x16xf32, #tpu.memory_space<vmem>>, vector<1x16xf32>,
      %get3A_914 = vector.shape_cast %get3A_913 : vector<1x16xf32> to vector<16xf32>
      %swap3A_915 = arith.constant 78 : i32
      %swap3A_916 = arith.index_cast %swap3A_915 : i32 to index
      %swap3A_917 = arith.constant 0 : index
      %swap3A_918 = tpu.vector_load %arg8[%swap3A_916, %swap3A_917] {strides = array<i32>} : memref<128x128xf32, #tpu.memory_space<vmem>>, vector<1x16xf32>,
      %swap3A_919 = vector.shape_cast %swap3A_918 : vector<1x16xf32> to vector<16xf32>
      %swap3A_920 = vector.shape_cast %get3A_914 : vector<16xf32> to vector<1x16xf32>
      tpu.vector_store %arg8[%swap3A_916, %swap3A_917], %swap3A_920 {strides = array<i32>} : memref<128x128xf32, #tpu.memory_space<vmem>>, vector<1x16xf32>,
      %get3A_921 = arith.constant 79 : i32
      %get3A_922 = arith.index_cast %get3A_921 : i32 to index
      %get3A_923 = arith.constant 0 : index
      %get3A_924 = tpu.vector_load %arg7[%get3A_922, %get3A_923] {strides = array<i32>} : memref<128x16xf32, #tpu.memory_space<vmem>>, vector<1x16xf32>,
      %get3A_925 = vector.shape_cast %get3A_924 : vector<1x16xf32> to vector<16xf32>
      %swap3A_926 = arith.constant 79 : i32
      %swap3A_927 = arith.index_cast %swap3A_926 : i32 to index
      %swap3A_928 = arith.constant 0 : index
      %swap3A_929 = tpu.vector_load %arg8[%swap3A_927, %swap3A_928] {strides = array<i32>} : memref<128x128xf32, #tpu.memory_space<vmem>>, vector<1x16xf32>,
      %swap3A_930 = vector.shape_cast %swap3A_929 : vector<1x16xf32> to vector<16xf32>
      %swap3A_931 = vector.shape_cast %get3A_925 : vector<16xf32> to vector<1x16xf32>
      tpu.vector_store %arg8[%swap3A_927, %swap3A_928], %swap3A_931 {strides = array<i32>} : memref<128x128xf32, #tpu.memory_space<vmem>>, vector<1x16xf32>,
      %get3A_932 = arith.constant 80 : i32
      %get3A_933 = arith.index_cast %get3A_932 : i32 to index
      %get3A_934 = arith.constant 0 : index
      %get3A_935 = tpu.vector_load %arg7[%get3A_933, %get3A_934] {strides = array<i32>} : memref<128x16xf32, #tpu.memory_space<vmem>>, vector<1x16xf32>,
      %get3A_936 = vector.shape_cast %get3A_935 : vector<1x16xf32> to vector<16xf32>
      %swap3A_937 = arith.constant 80 : i32
      %swap3A_938 = arith.index_cast %swap3A_937 : i32 to index
      %swap3A_939 = arith.constant 0 : index
      %swap3A_940 = tpu.vector_load %arg8[%swap3A_938, %swap3A_939] {strides = array<i32>} : memref<128x128xf32, #tpu.memory_space<vmem>>, vector<1x16xf32>,
      %swap3A_941 = vector.shape_cast %swap3A_940 : vector<1x16xf32> to vector<16xf32>
      %swap3A_942 = vector.shape_cast %get3A_936 : vector<16xf32> to vector<1x16xf32>
      tpu.vector_store %arg8[%swap3A_938, %swap3A_939], %swap3A_942 {strides = array<i32>} : memref<128x128xf32, #tpu.memory_space<vmem>>, vector<1x16xf32>,
      %get3A_943 = arith.constant 81 : i32
      %get3A_944 = arith.index_cast %get3A_943 : i32 to index
      %get3A_945 = arith.constant 0 : index
      %get3A_946 = tpu.vector_load %arg7[%get3A_944, %get3A_945] {strides = array<i32>} : memref<128x16xf32, #tpu.memory_space<vmem>>, vector<1x16xf32>,
      %get3A_947 = vector.shape_cast %get3A_946 : vector<1x16xf32> to vector<16xf32>
      %swap3A_948 = arith.constant 81 : i32
      %swap3A_949 = arith.index_cast %swap3A_948 : i32 to index
      %swap3A_950 = arith.constant 0 : index
      %swap3A_951 = tpu.vector_load %arg8[%swap3A_949, %swap3A_950] {strides = array<i32>} : memref<128x128xf32, #tpu.memory_space<vmem>>, vector<1x16xf32>,
      %swap3A_952 = vector.shape_cast %swap3A_951 : vector<1x16xf32> to vector<16xf32>
      %swap3A_953 = vector.shape_cast %get3A_947 : vector<16xf32> to vector<1x16xf32>
      tpu.vector_store %arg8[%swap3A_949, %swap3A_950], %swap3A_953 {strides = array<i32>} : memref<128x128xf32, #tpu.memory_space<vmem>>, vector<1x16xf32>,
      %get3A_954 = arith.constant 82 : i32
      %get3A_955 = arith.index_cast %get3A_954 : i32 to index
      %get3A_956 = arith.constant 0 : index
      %get3A_957 = tpu.vector_load %arg7[%get3A_955, %get3A_956] {strides = array<i32>} : memref<128x16xf32, #tpu.memory_space<vmem>>, vector<1x16xf32>,
      %get3A_958 = vector.shape_cast %get3A_957 : vector<1x16xf32> to vector<16xf32>
      %swap3A_959 = arith.constant 82 : i32
      %swap3A_960 = arith.index_cast %swap3A_959 : i32 to index
      %swap3A_961 = arith.constant 0 : index
      %swap3A_962 = tpu.vector_load %arg8[%swap3A_960, %swap3A_961] {strides = array<i32>} : memref<128x128xf32, #tpu.memory_space<vmem>>, vector<1x16xf32>,
      %swap3A_963 = vector.shape_cast %swap3A_962 : vector<1x16xf32> to vector<16xf32>
      %swap3A_964 = vector.shape_cast %get3A_958 : vector<16xf32> to vector<1x16xf32>
      tpu.vector_store %arg8[%swap3A_960, %swap3A_961], %swap3A_964 {strides = array<i32>} : memref<128x128xf32, #tpu.memory_space<vmem>>, vector<1x16xf32>,
      %get3A_965 = arith.constant 83 : i32
      %get3A_966 = arith.index_cast %get3A_965 : i32 to index
      %get3A_967 = arith.constant 0 : index
      %get3A_968 = tpu.vector_load %arg7[%get3A_966, %get3A_967] {strides = array<i32>} : memref<128x16xf32, #tpu.memory_space<vmem>>, vector<1x16xf32>,
      %get3A_969 = vector.shape_cast %get3A_968 : vector<1x16xf32> to vector<16xf32>
      %swap3A_970 = arith.constant 83 : i32
      %swap3A_971 = arith.index_cast %swap3A_970 : i32 to index
      %swap3A_972 = arith.constant 0 : index
      %swap3A_973 = tpu.vector_load %arg8[%swap3A_971, %swap3A_972] {strides = array<i32>} : memref<128x128xf32, #tpu.memory_space<vmem>>, vector<1x16xf32>,
      %swap3A_974 = vector.shape_cast %swap3A_973 : vector<1x16xf32> to vector<16xf32>
      %swap3A_975 = vector.shape_cast %get3A_969 : vector<16xf32> to vector<1x16xf32>
      tpu.vector_store %arg8[%swap3A_971, %swap3A_972], %swap3A_975 {strides = array<i32>} : memref<128x128xf32, #tpu.memory_space<vmem>>, vector<1x16xf32>,
      %get3A_976 = arith.constant 84 : i32
      %get3A_977 = arith.index_cast %get3A_976 : i32 to index
      %get3A_978 = arith.constant 0 : index
      %get3A_979 = tpu.vector_load %arg7[%get3A_977, %get3A_978] {strides = array<i32>} : memref<128x16xf32, #tpu.memory_space<vmem>>, vector<1x16xf32>,
      %get3A_980 = vector.shape_cast %get3A_979 : vector<1x16xf32> to vector<16xf32>
      %swap3A_981 = arith.constant 84 : i32
      %swap3A_982 = arith.index_cast %swap3A_981 : i32 to index
      %swap3A_983 = arith.constant 0 : index
      %swap3A_984 = tpu.vector_load %arg8[%swap3A_982, %swap3A_983] {strides = array<i32>} : memref<128x128xf32, #tpu.memory_space<vmem>>, vector<1x16xf32>,
      %swap3A_985 = vector.shape_cast %swap3A_984 : vector<1x16xf32> to vector<16xf32>
      %swap3A_986 = vector.shape_cast %get3A_980 : vector<16xf32> to vector<1x16xf32>
      tpu.vector_store %arg8[%swap3A_982, %swap3A_983], %swap3A_986 {strides = array<i32>} : memref<128x128xf32, #tpu.memory_space<vmem>>, vector<1x16xf32>,
      %get3A_987 = arith.constant 85 : i32
      %get3A_988 = arith.index_cast %get3A_987 : i32 to index
      %get3A_989 = arith.constant 0 : index
      %get3A_990 = tpu.vector_load %arg7[%get3A_988, %get3A_989] {strides = array<i32>} : memref<128x16xf32, #tpu.memory_space<vmem>>, vector<1x16xf32>,
      %get3A_991 = vector.shape_cast %get3A_990 : vector<1x16xf32> to vector<16xf32>
      %swap3A_992 = arith.constant 85 : i32
      %swap3A_993 = arith.index_cast %swap3A_992 : i32 to index
      %swap3A_994 = arith.constant 0 : index
      %swap3A_995 = tpu.vector_load %arg8[%swap3A_993, %swap3A_994] {strides = array<i32>} : memref<128x128xf32, #tpu.memory_space<vmem>>, vector<1x16xf32>,
      %swap3A_996 = vector.shape_cast %swap3A_995 : vector<1x16xf32> to vector<16xf32>
      %swap3A_997 = vector.shape_cast %get3A_991 : vector<16xf32> to vector<1x16xf32>
      tpu.vector_store %arg8[%swap3A_993, %swap3A_994], %swap3A_997 {strides = array<i32>} : memref<128x128xf32, #tpu.memory_space<vmem>>, vector<1x16xf32>,
      %get3A_998 = arith.constant 86 : i32
      %get3A_999 = arith.index_cast %get3A_998 : i32 to index
      %get3A_1000 = arith.constant 0 : index
      %get3A_1001 = tpu.vector_load %arg7[%get3A_999, %get3A_1000] {strides = array<i32>} : memref<128x16xf32, #tpu.memory_space<vmem>>, vector<1x16xf32>,
      %get3A_1002 = vector.shape_cast %get3A_1001 : vector<1x16xf32> to vector<16xf32>
      %swap3A_1003 = arith.constant 86 : i32
      %swap3A_1004 = arith.index_cast %swap3A_1003 : i32 to index
      %swap3A_1005 = arith.constant 0 : index
      %swap3A_1006 = tpu.vector_load %arg8[%swap3A_1004, %swap3A_1005] {strides = array<i32>} : memref<128x128xf32, #tpu.memory_space<vmem>>, vector<1x16xf32>,
      %swap3A_1007 = vector.shape_cast %swap3A_1006 : vector<1x16xf32> to vector<16xf32>
      %swap3A_1008 = vector.shape_cast %get3A_1002 : vector<16xf32> to vector<1x16xf32>
      tpu.vector_store %arg8[%swap3A_1004, %swap3A_1005], %swap3A_1008 {strides = array<i32>} : memref<128x128xf32, #tpu.memory_space<vmem>>, vector<1x16xf32>,
      %get3A_1009 = arith.constant 87 : i32
      %get3A_1010 = arith.index_cast %get3A_1009 : i32 to index
      %get3A_1011 = arith.constant 0 : index
      %get3A_1012 = tpu.vector_load %arg7[%get3A_1010, %get3A_1011] {strides = array<i32>} : memref<128x16xf32, #tpu.memory_space<vmem>>, vector<1x16xf32>,
      %get3A_1013 = vector.shape_cast %get3A_1012 : vector<1x16xf32> to vector<16xf32>
      %swap3A_1014 = arith.constant 87 : i32
      %swap3A_1015 = arith.index_cast %swap3A_1014 : i32 to index
      %swap3A_1016 = arith.constant 0 : index
      %swap3A_1017 = tpu.vector_load %arg8[%swap3A_1015, %swap3A_1016] {strides = array<i32>} : memref<128x128xf32, #tpu.memory_space<vmem>>, vector<1x16xf32>,
      %swap3A_1018 = vector.shape_cast %swap3A_1017 : vector<1x16xf32> to vector<16xf32>
      %swap3A_1019 = vector.shape_cast %get3A_1013 : vector<16xf32> to vector<1x16xf32>
      tpu.vector_store %arg8[%swap3A_1015, %swap3A_1016], %swap3A_1019 {strides = array<i32>} : memref<128x128xf32, #tpu.memory_space<vmem>>, vector<1x16xf32>,
      %get3A_1020 = arith.constant 88 : i32
      %get3A_1021 = arith.index_cast %get3A_1020 : i32 to index
      %get3A_1022 = arith.constant 0 : index
      %get3A_1023 = tpu.vector_load %arg7[%get3A_1021, %get3A_1022] {strides = array<i32>} : memref<128x16xf32, #tpu.memory_space<vmem>>, vector<1x16xf32>,
      %get3A_1024 = vector.shape_cast %get3A_1023 : vector<1x16xf32> to vector<16xf32>
      %swap3A_1025 = arith.constant 88 : i32
      %swap3A_1026 = arith.index_cast %swap3A_1025 : i32 to index
      %swap3A_1027 = arith.constant 0 : index
      %swap3A_1028 = tpu.vector_load %arg8[%swap3A_1026, %swap3A_1027] {strides = array<i32>} : memref<128x128xf32, #tpu.memory_space<vmem>>, vector<1x16xf32>,
      %swap3A_1029 = vector.shape_cast %swap3A_1028 : vector<1x16xf32> to vector<16xf32>
      %swap3A_1030 = vector.shape_cast %get3A_1024 : vector<16xf32> to vector<1x16xf32>
      tpu.vector_store %arg8[%swap3A_1026, %swap3A_1027], %swap3A_1030 {strides = array<i32>} : memref<128x128xf32, #tpu.memory_space<vmem>>, vector<1x16xf32>,
      %get3A_1031 = arith.constant 89 : i32
      %get3A_1032 = arith.index_cast %get3A_1031 : i32 to index
      %get3A_1033 = arith.constant 0 : index
      %get3A_1034 = tpu.vector_load %arg7[%get3A_1032, %get3A_1033] {strides = array<i32>} : memref<128x16xf32, #tpu.memory_space<vmem>>, vector<1x16xf32>,
      %get3A_1035 = vector.shape_cast %get3A_1034 : vector<1x16xf32> to vector<16xf32>
      %swap3A_1036 = arith.constant 89 : i32
      %swap3A_1037 = arith.index_cast %swap3A_1036 : i32 to index
      %swap3A_1038 = arith.constant 0 : index
      %swap3A_1039 = tpu.vector_load %arg8[%swap3A_1037, %swap3A_1038] {strides = array<i32>} : memref<128x128xf32, #tpu.memory_space<vmem>>, vector<1x16xf32>,
      %swap3A_1040 = vector.shape_cast %swap3A_1039 : vector<1x16xf32> to vector<16xf32>
      %swap3A_1041 = vector.shape_cast %get3A_1035 : vector<16xf32> to vector<1x16xf32>
      tpu.vector_store %arg8[%swap3A_1037, %swap3A_1038], %swap3A_1041 {strides = array<i32>} : memref<128x128xf32, #tpu.memory_space<vmem>>, vector<1x16xf32>,
      %get3A_1042 = arith.constant 90 : i32
      %get3A_1043 = arith.index_cast %get3A_1042 : i32 to index
      %get3A_1044 = arith.constant 0 : index
      %get3A_1045 = tpu.vector_load %arg7[%get3A_1043, %get3A_1044] {strides = array<i32>} : memref<128x16xf32, #tpu.memory_space<vmem>>, vector<1x16xf32>,
      %get3A_1046 = vector.shape_cast %get3A_1045 : vector<1x16xf32> to vector<16xf32>
      %swap3A_1047 = arith.constant 90 : i32
      %swap3A_1048 = arith.index_cast %swap3A_1047 : i32 to index
      %swap3A_1049 = arith.constant 0 : index
      %swap3A_1050 = tpu.vector_load %arg8[%swap3A_1048, %swap3A_1049] {strides = array<i32>} : memref<128x128xf32, #tpu.memory_space<vmem>>, vector<1x16xf32>,
      %swap3A_1051 = vector.shape_cast %swap3A_1050 : vector<1x16xf32> to vector<16xf32>
      %swap3A_1052 = vector.shape_cast %get3A_1046 : vector<16xf32> to vector<1x16xf32>
      tpu.vector_store %arg8[%swap3A_1048, %swap3A_1049], %swap3A_1052 {strides = array<i32>} : memref<128x128xf32, #tpu.memory_space<vmem>>, vector<1x16xf32>,
      %get3A_1053 = arith.constant 91 : i32
      %get3A_1054 = arith.index_cast %get3A_1053 : i32 to index
      %get3A_1055 = arith.constant 0 : index
      %get3A_1056 = tpu.vector_load %arg7[%get3A_1054, %get3A_1055] {strides = array<i32>} : memref<128x16xf32, #tpu.memory_space<vmem>>, vector<1x16xf32>,
      %get3A_1057 = vector.shape_cast %get3A_1056 : vector<1x16xf32> to vector<16xf32>
      %swap3A_1058 = arith.constant 91 : i32
      %swap3A_1059 = arith.index_cast %swap3A_1058 : i32 to index
      %swap3A_1060 = arith.constant 0 : index
      %swap3A_1061 = tpu.vector_load %arg8[%swap3A_1059, %swap3A_1060] {strides = array<i32>} : memref<128x128xf32, #tpu.memory_space<vmem>>, vector<1x16xf32>,
      %swap3A_1062 = vector.shape_cast %swap3A_1061 : vector<1x16xf32> to vector<16xf32>
      %swap3A_1063 = vector.shape_cast %get3A_1057 : vector<16xf32> to vector<1x16xf32>
      tpu.vector_store %arg8[%swap3A_1059, %swap3A_1060], %swap3A_1063 {strides = array<i32>} : memref<128x128xf32, #tpu.memory_space<vmem>>, vector<1x16xf32>,
      %get3A_1064 = arith.constant 92 : i32
      %get3A_1065 = arith.index_cast %get3A_1064 : i32 to index
      %get3A_1066 = arith.constant 0 : index
      %get3A_1067 = tpu.vector_load %arg7[%get3A_1065, %get3A_1066] {strides = array<i32>} : memref<128x16xf32, #tpu.memory_space<vmem>>, vector<1x16xf32>,
      %get3A_1068 = vector.shape_cast %get3A_1067 : vector<1x16xf32> to vector<16xf32>
      %swap3A_1069 = arith.constant 92 : i32
      %swap3A_1070 = arith.index_cast %swap3A_1069 : i32 to index
      %swap3A_1071 = arith.constant 0 : index
      %swap3A_1072 = tpu.vector_load %arg8[%swap3A_1070, %swap3A_1071] {strides = array<i32>} : memref<128x128xf32, #tpu.memory_space<vmem>>, vector<1x16xf32>,
      %swap3A_1073 = vector.shape_cast %swap3A_1072 : vector<1x16xf32> to vector<16xf32>
      %swap3A_1074 = vector.shape_cast %get3A_1068 : vector<16xf32> to vector<1x16xf32>
      tpu.vector_store %arg8[%swap3A_1070, %swap3A_1071], %swap3A_1074 {strides = array<i32>} : memref<128x128xf32, #tpu.memory_space<vmem>>, vector<1x16xf32>,
      %get3A_1075 = arith.constant 93 : i32
      %get3A_1076 = arith.index_cast %get3A_1075 : i32 to index
      %get3A_1077 = arith.constant 0 : index
      %get3A_1078 = tpu.vector_load %arg7[%get3A_1076, %get3A_1077] {strides = array<i32>} : memref<128x16xf32, #tpu.memory_space<vmem>>, vector<1x16xf32>,
      %get3A_1079 = vector.shape_cast %get3A_1078 : vector<1x16xf32> to vector<16xf32>
      %swap3A_1080 = arith.constant 93 : i32
      %swap3A_1081 = arith.index_cast %swap3A_1080 : i32 to index
      %swap3A_1082 = arith.constant 0 : index
      %swap3A_1083 = tpu.vector_load %arg8[%swap3A_1081, %swap3A_1082] {strides = array<i32>} : memref<128x128xf32, #tpu.memory_space<vmem>>, vector<1x16xf32>,
      %swap3A_1084 = vector.shape_cast %swap3A_1083 : vector<1x16xf32> to vector<16xf32>
      %swap3A_1085 = vector.shape_cast %get3A_1079 : vector<16xf32> to vector<1x16xf32>
      tpu.vector_store %arg8[%swap3A_1081, %swap3A_1082], %swap3A_1085 {strides = array<i32>} : memref<128x128xf32, #tpu.memory_space<vmem>>, vector<1x16xf32>,
      %get3A_1086 = arith.constant 94 : i32
      %get3A_1087 = arith.index_cast %get3A_1086 : i32 to index
      %get3A_1088 = arith.constant 0 : index
      %get3A_1089 = tpu.vector_load %arg7[%get3A_1087, %get3A_1088] {strides = array<i32>} : memref<128x16xf32, #tpu.memory_space<vmem>>, vector<1x16xf32>,
      %get3A_1090 = vector.shape_cast %get3A_1089 : vector<1x16xf32> to vector<16xf32>
      %swap3A_1091 = arith.constant 94 : i32
      %swap3A_1092 = arith.index_cast %swap3A_1091 : i32 to index
      %swap3A_1093 = arith.constant 0 : index
      %swap3A_1094 = tpu.vector_load %arg8[%swap3A_1092, %swap3A_1093] {strides = array<i32>} : memref<128x128xf32, #tpu.memory_space<vmem>>, vector<1x16xf32>,
      %swap3A_1095 = vector.shape_cast %swap3A_1094 : vector<1x16xf32> to vector<16xf32>
      %swap3A_1096 = vector.shape_cast %get3A_1090 : vector<16xf32> to vector<1x16xf32>
      tpu.vector_store %arg8[%swap3A_1092, %swap3A_1093], %swap3A_1096 {strides = array<i32>} : memref<128x128xf32, #tpu.memory_space<vmem>>, vector<1x16xf32>,
      %get3A_1097 = arith.constant 95 : i32
      %get3A_1098 = arith.index_cast %get3A_1097 : i32 to index
      %get3A_1099 = arith.constant 0 : index
      %get3A_1100 = tpu.vector_load %arg7[%get3A_1098, %get3A_1099] {strides = array<i32>} : memref<128x16xf32, #tpu.memory_space<vmem>>, vector<1x16xf32>,
      %get3A_1101 = vector.shape_cast %get3A_1100 : vector<1x16xf32> to vector<16xf32>
      %swap3A_1102 = arith.constant 95 : i32
      %swap3A_1103 = arith.index_cast %swap3A_1102 : i32 to index
      %swap3A_1104 = arith.constant 0 : index
      %swap3A_1105 = tpu.vector_load %arg8[%swap3A_1103, %swap3A_1104] {strides = array<i32>} : memref<128x128xf32, #tpu.memory_space<vmem>>, vector<1x16xf32>,
      %swap3A_1106 = vector.shape_cast %swap3A_1105 : vector<1x16xf32> to vector<16xf32>
      %swap3A_1107 = vector.shape_cast %get3A_1101 : vector<16xf32> to vector<1x16xf32>
      tpu.vector_store %arg8[%swap3A_1103, %swap3A_1104], %swap3A_1107 {strides = array<i32>} : memref<128x128xf32, #tpu.memory_space<vmem>>, vector<1x16xf32>,
      %get3A_1108 = arith.constant 96 : i32
      %get3A_1109 = arith.index_cast %get3A_1108 : i32 to index
      %get3A_1110 = arith.constant 0 : index
      %get3A_1111 = tpu.vector_load %arg7[%get3A_1109, %get3A_1110] {strides = array<i32>} : memref<128x16xf32, #tpu.memory_space<vmem>>, vector<1x16xf32>,
      %get3A_1112 = vector.shape_cast %get3A_1111 : vector<1x16xf32> to vector<16xf32>
      %swap3A_1113 = arith.constant 96 : i32
      %swap3A_1114 = arith.index_cast %swap3A_1113 : i32 to index
      %swap3A_1115 = arith.constant 0 : index
      %swap3A_1116 = tpu.vector_load %arg8[%swap3A_1114, %swap3A_1115] {strides = array<i32>} : memref<128x128xf32, #tpu.memory_space<vmem>>, vector<1x16xf32>,
      %swap3A_1117 = vector.shape_cast %swap3A_1116 : vector<1x16xf32> to vector<16xf32>
      %swap3A_1118 = vector.shape_cast %get3A_1112 : vector<16xf32> to vector<1x16xf32>
      tpu.vector_store %arg8[%swap3A_1114, %swap3A_1115], %swap3A_1118 {strides = array<i32>} : memref<128x128xf32, #tpu.memory_space<vmem>>, vector<1x16xf32>,
      %get3A_1119 = arith.constant 97 : i32
      %get3A_1120 = arith.index_cast %get3A_1119 : i32 to index
      %get3A_1121 = arith.constant 0 : index
      %get3A_1122 = tpu.vector_load %arg7[%get3A_1120, %get3A_1121] {strides = array<i32>} : memref<128x16xf32, #tpu.memory_space<vmem>>, vector<1x16xf32>,
      %get3A_1123 = vector.shape_cast %get3A_1122 : vector<1x16xf32> to vector<16xf32>
      %swap3A_1124 = arith.constant 97 : i32
      %swap3A_1125 = arith.index_cast %swap3A_1124 : i32 to index
      %swap3A_1126 = arith.constant 0 : index
      %swap3A_1127 = tpu.vector_load %arg8[%swap3A_1125, %swap3A_1126] {strides = array<i32>} : memref<128x128xf32, #tpu.memory_space<vmem>>, vector<1x16xf32>,
      %swap3A_1128 = vector.shape_cast %swap3A_1127 : vector<1x16xf32> to vector<16xf32>
      %swap3A_1129 = vector.shape_cast %get3A_1123 : vector<16xf32> to vector<1x16xf32>
      tpu.vector_store %arg8[%swap3A_1125, %swap3A_1126], %swap3A_1129 {strides = array<i32>} : memref<128x128xf32, #tpu.memory_space<vmem>>, vector<1x16xf32>,
      %get3A_1130 = arith.constant 98 : i32
      %get3A_1131 = arith.index_cast %get3A_1130 : i32 to index
      %get3A_1132 = arith.constant 0 : index
      %get3A_1133 = tpu.vector_load %arg7[%get3A_1131, %get3A_1132] {strides = array<i32>} : memref<128x16xf32, #tpu.memory_space<vmem>>, vector<1x16xf32>,
      %get3A_1134 = vector.shape_cast %get3A_1133 : vector<1x16xf32> to vector<16xf32>
      %swap3A_1135 = arith.constant 98 : i32
      %swap3A_1136 = arith.index_cast %swap3A_1135 : i32 to index
      %swap3A_1137 = arith.constant 0 : index
      %swap3A_1138 = tpu.vector_load %arg8[%swap3A_1136, %swap3A_1137] {strides = array<i32>} : memref<128x128xf32, #tpu.memory_space<vmem>>, vector<1x16xf32>,
      %swap3A_1139 = vector.shape_cast %swap3A_1138 : vector<1x16xf32> to vector<16xf32>
      %swap3A_1140 = vector.shape_cast %get3A_1134 : vector<16xf32> to vector<1x16xf32>
      tpu.vector_store %arg8[%swap3A_1136, %swap3A_1137], %swap3A_1140 {strides = array<i32>} : memref<128x128xf32, #tpu.memory_space<vmem>>, vector<1x16xf32>,
      %get3A_1141 = arith.constant 99 : i32
      %get3A_1142 = arith.index_cast %get3A_1141 : i32 to index
      %get3A_1143 = arith.constant 0 : index
      %get3A_1144 = tpu.vector_load %arg7[%get3A_1142, %get3A_1143] {strides = array<i32>} : memref<128x16xf32, #tpu.memory_space<vmem>>, vector<1x16xf32>,
      %get3A_1145 = vector.shape_cast %get3A_1144 : vector<1x16xf32> to vector<16xf32>
      %swap3A_1146 = arith.constant 99 : i32
      %swap3A_1147 = arith.index_cast %swap3A_1146 : i32 to index
      %swap3A_1148 = arith.constant 0 : index
      %swap3A_1149 = tpu.vector_load %arg8[%swap3A_1147, %swap3A_1148] {strides = array<i32>} : memref<128x128xf32, #tpu.memory_space<vmem>>, vector<1x16xf32>,
      %swap3A_1150 = vector.shape_cast %swap3A_1149 : vector<1x16xf32> to vector<16xf32>
      %swap3A_1151 = vector.shape_cast %get3A_1145 : vector<16xf32> to vector<1x16xf32>
      tpu.vector_store %arg8[%swap3A_1147, %swap3A_1148], %swap3A_1151 {strides = array<i32>} : memref<128x128xf32, #tpu.memory_space<vmem>>, vector<1x16xf32>,
      %get3A_1152 = arith.constant 100 : i32
      %get3A_1153 = arith.index_cast %get3A_1152 : i32 to index
      %get3A_1154 = arith.constant 0 : index
      %get3A_1155 = tpu.vector_load %arg7[%get3A_1153, %get3A_1154] {strides = array<i32>} : memref<128x16xf32, #tpu.memory_space<vmem>>, vector<1x16xf32>,
      %get3A_1156 = vector.shape_cast %get3A_1155 : vector<1x16xf32> to vector<16xf32>
      %swap3A_1157 = arith.constant 100 : i32
      %swap3A_1158 = arith.index_cast %swap3A_1157 : i32 to index
      %swap3A_1159 = arith.constant 0 : index
      %swap3A_1160 = tpu.vector_load %arg8[%swap3A_1158, %swap3A_1159] {strides = array<i32>} : memref<128x128xf32, #tpu.memory_space<vmem>>, vector<1x16xf32>,
      %swap3A_1161 = vector.shape_cast %swap3A_1160 : vector<1x16xf32> to vector<16xf32>
      %swap3A_1162 = vector.shape_cast %get3A_1156 : vector<16xf32> to vector<1x16xf32>
      tpu.vector_store %arg8[%swap3A_1158, %swap3A_1159], %swap3A_1162 {strides = array<i32>} : memref<128x128xf32, #tpu.memory_space<vmem>>, vector<1x16xf32>,
      %get3A_1163 = arith.constant 101 : i32
      %get3A_1164 = arith.index_cast %get3A_1163 : i32 to index
      %get3A_1165 = arith.constant 0 : index
      %get3A_1166 = tpu.vector_load %arg7[%get3A_1164, %get3A_1165] {strides = array<i32>} : memref<128x16xf32, #tpu.memory_space<vmem>>, vector<1x16xf32>,
      %get3A_1167 = vector.shape_cast %get3A_1166 : vector<1x16xf32> to vector<16xf32>
      %swap3A_1168 = arith.constant 101 : i32
      %swap3A_1169 = arith.index_cast %swap3A_1168 : i32 to index
      %swap3A_1170 = arith.constant 0 : index
      %swap3A_1171 = tpu.vector_load %arg8[%swap3A_1169, %swap3A_1170] {strides = array<i32>} : memref<128x128xf32, #tpu.memory_space<vmem>>, vector<1x16xf32>,
      %swap3A_1172 = vector.shape_cast %swap3A_1171 : vector<1x16xf32> to vector<16xf32>
      %swap3A_1173 = vector.shape_cast %get3A_1167 : vector<16xf32> to vector<1x16xf32>
      tpu.vector_store %arg8[%swap3A_1169, %swap3A_1170], %swap3A_1173 {strides = array<i32>} : memref<128x128xf32, #tpu.memory_space<vmem>>, vector<1x16xf32>,
      %get3A_1174 = arith.constant 102 : i32
      %get3A_1175 = arith.index_cast %get3A_1174 : i32 to index
      %get3A_1176 = arith.constant 0 : index
      %get3A_1177 = tpu.vector_load %arg7[%get3A_1175, %get3A_1176] {strides = array<i32>} : memref<128x16xf32, #tpu.memory_space<vmem>>, vector<1x16xf32>,
      %get3A_1178 = vector.shape_cast %get3A_1177 : vector<1x16xf32> to vector<16xf32>
      %swap3A_1179 = arith.constant 102 : i32
      %swap3A_1180 = arith.index_cast %swap3A_1179 : i32 to index
      %swap3A_1181 = arith.constant 0 : index
      %swap3A_1182 = tpu.vector_load %arg8[%swap3A_1180, %swap3A_1181] {strides = array<i32>} : memref<128x128xf32, #tpu.memory_space<vmem>>, vector<1x16xf32>,
      %swap3A_1183 = vector.shape_cast %swap3A_1182 : vector<1x16xf32> to vector<16xf32>
      %swap3A_1184 = vector.shape_cast %get3A_1178 : vector<16xf32> to vector<1x16xf32>
      tpu.vector_store %arg8[%swap3A_1180, %swap3A_1181], %swap3A_1184 {strides = array<i32>} : memref<128x128xf32, #tpu.memory_space<vmem>>, vector<1x16xf32>,
      %get3A_1185 = arith.constant 103 : i32
      %get3A_1186 = arith.index_cast %get3A_1185 : i32 to index
      %get3A_1187 = arith.constant 0 : index
      %get3A_1188 = tpu.vector_load %arg7[%get3A_1186, %get3A_1187] {strides = array<i32>} : memref<128x16xf32, #tpu.memory_space<vmem>>, vector<1x16xf32>,
      %get3A_1189 = vector.shape_cast %get3A_1188 : vector<1x16xf32> to vector<16xf32>
      %swap3A_1190 = arith.constant 103 : i32
      %swap3A_1191 = arith.index_cast %swap3A_1190 : i32 to index
      %swap3A_1192 = arith.constant 0 : index
      %swap3A_1193 = tpu.vector_load %arg8[%swap3A_1191, %swap3A_1192] {strides = array<i32>} : memref<128x128xf32, #tpu.memory_space<vmem>>, vector<1x16xf32>,
      %swap3A_1194 = vector.shape_cast %swap3A_1193 : vector<1x16xf32> to vector<16xf32>
      %swap3A_1195 = vector.shape_cast %get3A_1189 : vector<16xf32> to vector<1x16xf32>
      tpu.vector_store %arg8[%swap3A_1191, %swap3A_1192], %swap3A_1195 {strides = array<i32>} : memref<128x128xf32, #tpu.memory_space<vmem>>, vector<1x16xf32>,
      %get3A_1196 = arith.constant 104 : i32
      %get3A_1197 = arith.index_cast %get3A_1196 : i32 to index
      %get3A_1198 = arith.constant 0 : index
      %get3A_1199 = tpu.vector_load %arg7[%get3A_1197, %get3A_1198] {strides = array<i32>} : memref<128x16xf32, #tpu.memory_space<vmem>>, vector<1x16xf32>,
      %get3A_1200 = vector.shape_cast %get3A_1199 : vector<1x16xf32> to vector<16xf32>
      %swap3A_1201 = arith.constant 104 : i32
      %swap3A_1202 = arith.index_cast %swap3A_1201 : i32 to index
      %swap3A_1203 = arith.constant 0 : index
      %swap3A_1204 = tpu.vector_load %arg8[%swap3A_1202, %swap3A_1203] {strides = array<i32>} : memref<128x128xf32, #tpu.memory_space<vmem>>, vector<1x16xf32>,
      %swap3A_1205 = vector.shape_cast %swap3A_1204 : vector<1x16xf32> to vector<16xf32>
      %swap3A_1206 = vector.shape_cast %get3A_1200 : vector<16xf32> to vector<1x16xf32>
      tpu.vector_store %arg8[%swap3A_1202, %swap3A_1203], %swap3A_1206 {strides = array<i32>} : memref<128x128xf32, #tpu.memory_space<vmem>>, vector<1x16xf32>,
      %get3A_1207 = arith.constant 105 : i32
      %get3A_1208 = arith.index_cast %get3A_1207 : i32 to index
      %get3A_1209 = arith.constant 0 : index
      %get3A_1210 = tpu.vector_load %arg7[%get3A_1208, %get3A_1209] {strides = array<i32>} : memref<128x16xf32, #tpu.memory_space<vmem>>, vector<1x16xf32>,
      %get3A_1211 = vector.shape_cast %get3A_1210 : vector<1x16xf32> to vector<16xf32>
      %swap3A_1212 = arith.constant 105 : i32
      %swap3A_1213 = arith.index_cast %swap3A_1212 : i32 to index
      %swap3A_1214 = arith.constant 0 : index
      %swap3A_1215 = tpu.vector_load %arg8[%swap3A_1213, %swap3A_1214] {strides = array<i32>} : memref<128x128xf32, #tpu.memory_space<vmem>>, vector<1x16xf32>,
      %swap3A_1216 = vector.shape_cast %swap3A_1215 : vector<1x16xf32> to vector<16xf32>
      %swap3A_1217 = vector.shape_cast %get3A_1211 : vector<16xf32> to vector<1x16xf32>
      tpu.vector_store %arg8[%swap3A_1213, %swap3A_1214], %swap3A_1217 {strides = array<i32>} : memref<128x128xf32, #tpu.memory_space<vmem>>, vector<1x16xf32>,
      %get3A_1218 = arith.constant 106 : i32
      %get3A_1219 = arith.index_cast %get3A_1218 : i32 to index
      %get3A_1220 = arith.constant 0 : index
      %get3A_1221 = tpu.vector_load %arg7[%get3A_1219, %get3A_1220] {strides = array<i32>} : memref<128x16xf32, #tpu.memory_space<vmem>>, vector<1x16xf32>,
      %get3A_1222 = vector.shape_cast %get3A_1221 : vector<1x16xf32> to vector<16xf32>
      %swap3A_1223 = arith.constant 106 : i32
      %swap3A_1224 = arith.index_cast %swap3A_1223 : i32 to index
      %swap3A_1225 = arith.constant 0 : index
      %swap3A_1226 = tpu.vector_load %arg8[%swap3A_1224, %swap3A_1225] {strides = array<i32>} : memref<128x128xf32, #tpu.memory_space<vmem>>, vector<1x16xf32>,
      %swap3A_1227 = vector.shape_cast %swap3A_1226 : vector<1x16xf32> to vector<16xf32>
      %swap3A_1228 = vector.shape_cast %get3A_1222 : vector<16xf32> to vector<1x16xf32>
      tpu.vector_store %arg8[%swap3A_1224, %swap3A_1225], %swap3A_1228 {strides = array<i32>} : memref<128x128xf32, #tpu.memory_space<vmem>>, vector<1x16xf32>,
      %get3A_1229 = arith.constant 107 : i32
      %get3A_1230 = arith.index_cast %get3A_1229 : i32 to index
      %get3A_1231 = arith.constant 0 : index
      %get3A_1232 = tpu.vector_load %arg7[%get3A_1230, %get3A_1231] {strides = array<i32>} : memref<128x16xf32, #tpu.memory_space<vmem>>, vector<1x16xf32>,
      %get3A_1233 = vector.shape_cast %get3A_1232 : vector<1x16xf32> to vector<16xf32>
      %swap3A_1234 = arith.constant 107 : i32
      %swap3A_1235 = arith.index_cast %swap3A_1234 : i32 to index
      %swap3A_1236 = arith.constant 0 : index
      %swap3A_1237 = tpu.vector_load %arg8[%swap3A_1235, %swap3A_1236] {strides = array<i32>} : memref<128x128xf32, #tpu.memory_space<vmem>>, vector<1x16xf32>,
      %swap3A_1238 = vector.shape_cast %swap3A_1237 : vector<1x16xf32> to vector<16xf32>
      %swap3A_1239 = vector.shape_cast %get3A_1233 : vector<16xf32> to vector<1x16xf32>
      tpu.vector_store %arg8[%swap3A_1235, %swap3A_1236], %swap3A_1239 {strides = array<i32>} : memref<128x128xf32, #tpu.memory_space<vmem>>, vector<1x16xf32>,
      %get3A_1240 = arith.constant 108 : i32
      %get3A_1241 = arith.index_cast %get3A_1240 : i32 to index
      %get3A_1242 = arith.constant 0 : index
      %get3A_1243 = tpu.vector_load %arg7[%get3A_1241, %get3A_1242] {strides = array<i32>} : memref<128x16xf32, #tpu.memory_space<vmem>>, vector<1x16xf32>,
      %get3A_1244 = vector.shape_cast %get3A_1243 : vector<1x16xf32> to vector<16xf32>
      %swap3A_1245 = arith.constant 108 : i32
      %swap3A_1246 = arith.index_cast %swap3A_1245 : i32 to index
      %swap3A_1247 = arith.constant 0 : index
      %swap3A_1248 = tpu.vector_load %arg8[%swap3A_1246, %swap3A_1247] {strides = array<i32>} : memref<128x128xf32, #tpu.memory_space<vmem>>, vector<1x16xf32>,
      %swap3A_1249 = vector.shape_cast %swap3A_1248 : vector<1x16xf32> to vector<16xf32>
      %swap3A_1250 = vector.shape_cast %get3A_1244 : vector<16xf32> to vector<1x16xf32>
      tpu.vector_store %arg8[%swap3A_1246, %swap3A_1247], %swap3A_1250 {strides = array<i32>} : memref<128x128xf32, #tpu.memory_space<vmem>>, vector<1x16xf32>,
      %get3A_1251 = arith.constant 109 : i32
      %get3A_1252 = arith.index_cast %get3A_1251 : i32 to index
      %get3A_1253 = arith.constant 0 : index
      %get3A_1254 = tpu.vector_load %arg7[%get3A_1252, %get3A_1253] {strides = array<i32>} : memref<128x16xf32, #tpu.memory_space<vmem>>, vector<1x16xf32>,
      %get3A_1255 = vector.shape_cast %get3A_1254 : vector<1x16xf32> to vector<16xf32>
      %swap3A_1256 = arith.constant 109 : i32
      %swap3A_1257 = arith.index_cast %swap3A_1256 : i32 to index
      %swap3A_1258 = arith.constant 0 : index
      %swap3A_1259 = tpu.vector_load %arg8[%swap3A_1257, %swap3A_1258] {strides = array<i32>} : memref<128x128xf32, #tpu.memory_space<vmem>>, vector<1x16xf32>,
      %swap3A_1260 = vector.shape_cast %swap3A_1259 : vector<1x16xf32> to vector<16xf32>
      %swap3A_1261 = vector.shape_cast %get3A_1255 : vector<16xf32> to vector<1x16xf32>
      tpu.vector_store %arg8[%swap3A_1257, %swap3A_1258], %swap3A_1261 {strides = array<i32>} : memref<128x128xf32, #tpu.memory_space<vmem>>, vector<1x16xf32>,
      %get3A_1262 = arith.constant 110 : i32
      %get3A_1263 = arith.index_cast %get3A_1262 : i32 to index
      %get3A_1264 = arith.constant 0 : index
      %get3A_1265 = tpu.vector_load %arg7[%get3A_1263, %get3A_1264] {strides = array<i32>} : memref<128x16xf32, #tpu.memory_space<vmem>>, vector<1x16xf32>,
      %get3A_1266 = vector.shape_cast %get3A_1265 : vector<1x16xf32> to vector<16xf32>
      %swap3A_1267 = arith.constant 110 : i32
      %swap3A_1268 = arith.index_cast %swap3A_1267 : i32 to index
      %swap3A_1269 = arith.constant 0 : index
      %swap3A_1270 = tpu.vector_load %arg8[%swap3A_1268, %swap3A_1269] {strides = array<i32>} : memref<128x128xf32, #tpu.memory_space<vmem>>, vector<1x16xf32>,
      %swap3A_1271 = vector.shape_cast %swap3A_1270 : vector<1x16xf32> to vector<16xf32>
      %swap3A_1272 = vector.shape_cast %get3A_1266 : vector<16xf32> to vector<1x16xf32>
      tpu.vector_store %arg8[%swap3A_1268, %swap3A_1269], %swap3A_1272 {strides = array<i32>} : memref<128x128xf32, #tpu.memory_space<vmem>>, vector<1x16xf32>,
      %get3A_1273 = arith.constant 111 : i32
      %get3A_1274 = arith.index_cast %get3A_1273 : i32 to index
      %get3A_1275 = arith.constant 0 : index
      %get3A_1276 = tpu.vector_load %arg7[%get3A_1274, %get3A_1275] {strides = array<i32>} : memref<128x16xf32, #tpu.memory_space<vmem>>, vector<1x16xf32>,
      %get3A_1277 = vector.shape_cast %get3A_1276 : vector<1x16xf32> to vector<16xf32>
      %swap3A_1278 = arith.constant 111 : i32
      %swap3A_1279 = arith.index_cast %swap3A_1278 : i32 to index
      %swap3A_1280 = arith.constant 0 : index
      %swap3A_1281 = tpu.vector_load %arg8[%swap3A_1279, %swap3A_1280] {strides = array<i32>} : memref<128x128xf32, #tpu.memory_space<vmem>>, vector<1x16xf32>,
      %swap3A_1282 = vector.shape_cast %swap3A_1281 : vector<1x16xf32> to vector<16xf32>
      %swap3A_1283 = vector.shape_cast %get3A_1277 : vector<16xf32> to vector<1x16xf32>
      tpu.vector_store %arg8[%swap3A_1279, %swap3A_1280], %swap3A_1283 {strides = array<i32>} : memref<128x128xf32, #tpu.memory_space<vmem>>, vector<1x16xf32>,
      %get3A_1284 = arith.constant 112 : i32
      %get3A_1285 = arith.index_cast %get3A_1284 : i32 to index
      %get3A_1286 = arith.constant 0 : index
      %get3A_1287 = tpu.vector_load %arg7[%get3A_1285, %get3A_1286] {strides = array<i32>} : memref<128x16xf32, #tpu.memory_space<vmem>>, vector<1x16xf32>,
      %get3A_1288 = vector.shape_cast %get3A_1287 : vector<1x16xf32> to vector<16xf32>
      %swap3A_1289 = arith.constant 112 : i32
      %swap3A_1290 = arith.index_cast %swap3A_1289 : i32 to index
      %swap3A_1291 = arith.constant 0 : index
      %swap3A_1292 = tpu.vector_load %arg8[%swap3A_1290, %swap3A_1291] {strides = array<i32>} : memref<128x128xf32, #tpu.memory_space<vmem>>, vector<1x16xf32>,
      %swap3A_1293 = vector.shape_cast %swap3A_1292 : vector<1x16xf32> to vector<16xf32>
      %swap3A_1294 = vector.shape_cast %get3A_1288 : vector<16xf32> to vector<1x16xf32>
      tpu.vector_store %arg8[%swap3A_1290, %swap3A_1291], %swap3A_1294 {strides = array<i32>} : memref<128x128xf32, #tpu.memory_space<vmem>>, vector<1x16xf32>,
      %get3A_1295 = arith.constant 113 : i32
      %get3A_1296 = arith.index_cast %get3A_1295 : i32 to index
      %get3A_1297 = arith.constant 0 : index
      %get3A_1298 = tpu.vector_load %arg7[%get3A_1296, %get3A_1297] {strides = array<i32>} : memref<128x16xf32, #tpu.memory_space<vmem>>, vector<1x16xf32>,
      %get3A_1299 = vector.shape_cast %get3A_1298 : vector<1x16xf32> to vector<16xf32>
      %swap3A_1300 = arith.constant 113 : i32
      %swap3A_1301 = arith.index_cast %swap3A_1300 : i32 to index
      %swap3A_1302 = arith.constant 0 : index
      %swap3A_1303 = tpu.vector_load %arg8[%swap3A_1301, %swap3A_1302] {strides = array<i32>} : memref<128x128xf32, #tpu.memory_space<vmem>>, vector<1x16xf32>,
      %swap3A_1304 = vector.shape_cast %swap3A_1303 : vector<1x16xf32> to vector<16xf32>
      %swap3A_1305 = vector.shape_cast %get3A_1299 : vector<16xf32> to vector<1x16xf32>
      tpu.vector_store %arg8[%swap3A_1301, %swap3A_1302], %swap3A_1305 {strides = array<i32>} : memref<128x128xf32, #tpu.memory_space<vmem>>, vector<1x16xf32>,
      %get3A_1306 = arith.constant 114 : i32
      %get3A_1307 = arith.index_cast %get3A_1306 : i32 to index
      %get3A_1308 = arith.constant 0 : index
      %get3A_1309 = tpu.vector_load %arg7[%get3A_1307, %get3A_1308] {strides = array<i32>} : memref<128x16xf32, #tpu.memory_space<vmem>>, vector<1x16xf32>,
      %get3A_1310 = vector.shape_cast %get3A_1309 : vector<1x16xf32> to vector<16xf32>
      %swap3A_1311 = arith.constant 114 : i32
      %swap3A_1312 = arith.index_cast %swap3A_1311 : i32 to index
      %swap3A_1313 = arith.constant 0 : index
      %swap3A_1314 = tpu.vector_load %arg8[%swap3A_1312, %swap3A_1313] {strides = array<i32>} : memref<128x128xf32, #tpu.memory_space<vmem>>, vector<1x16xf32>,
      %swap3A_1315 = vector.shape_cast %swap3A_1314 : vector<1x16xf32> to vector<16xf32>
      %swap3A_1316 = vector.shape_cast %get3A_1310 : vector<16xf32> to vector<1x16xf32>
      tpu.vector_store %arg8[%swap3A_1312, %swap3A_1313], %swap3A_1316 {strides = array<i32>} : memref<128x128xf32, #tpu.memory_space<vmem>>, vector<1x16xf32>,
      %get3A_1317 = arith.constant 115 : i32
      %get3A_1318 = arith.index_cast %get3A_1317 : i32 to index
      %get3A_1319 = arith.constant 0 : index
      %get3A_1320 = tpu.vector_load %arg7[%get3A_1318, %get3A_1319] {strides = array<i32>} : memref<128x16xf32, #tpu.memory_space<vmem>>, vector<1x16xf32>,
      %get3A_1321 = vector.shape_cast %get3A_1320 : vector<1x16xf32> to vector<16xf32>
      %swap3A_1322 = arith.constant 115 : i32
      %swap3A_1323 = arith.index_cast %swap3A_1322 : i32 to index
      %swap3A_1324 = arith.constant 0 : index
      %swap3A_1325 = tpu.vector_load %arg8[%swap3A_1323, %swap3A_1324] {strides = array<i32>} : memref<128x128xf32, #tpu.memory_space<vmem>>, vector<1x16xf32>,
      %swap3A_1326 = vector.shape_cast %swap3A_1325 : vector<1x16xf32> to vector<16xf32>
      %swap3A_1327 = vector.shape_cast %get3A_1321 : vector<16xf32> to vector<1x16xf32>
      tpu.vector_store %arg8[%swap3A_1323, %swap3A_1324], %swap3A_1327 {strides = array<i32>} : memref<128x128xf32, #tpu.memory_space<vmem>>, vector<1x16xf32>,
      %get3A_1328 = arith.constant 116 : i32
      %get3A_1329 = arith.index_cast %get3A_1328 : i32 to index
      %get3A_1330 = arith.constant 0 : index
      %get3A_1331 = tpu.vector_load %arg7[%get3A_1329, %get3A_1330] {strides = array<i32>} : memref<128x16xf32, #tpu.memory_space<vmem>>, vector<1x16xf32>,
      %get3A_1332 = vector.shape_cast %get3A_1331 : vector<1x16xf32> to vector<16xf32>
      %swap3A_1333 = arith.constant 116 : i32
      %swap3A_1334 = arith.index_cast %swap3A_1333 : i32 to index
      %swap3A_1335 = arith.constant 0 : index
      %swap3A_1336 = tpu.vector_load %arg8[%swap3A_1334, %swap3A_1335] {strides = array<i32>} : memref<128x128xf32, #tpu.memory_space<vmem>>, vector<1x16xf32>,
      %swap3A_1337 = vector.shape_cast %swap3A_1336 : vector<1x16xf32> to vector<16xf32>
      %swap3A_1338 = vector.shape_cast %get3A_1332 : vector<16xf32> to vector<1x16xf32>
      tpu.vector_store %arg8[%swap3A_1334, %swap3A_1335], %swap3A_1338 {strides = array<i32>} : memref<128x128xf32, #tpu.memory_space<vmem>>, vector<1x16xf32>,
      %get3A_1339 = arith.constant 117 : i32
      %get3A_1340 = arith.index_cast %get3A_1339 : i32 to index
      %get3A_1341 = arith.constant 0 : index
      %get3A_1342 = tpu.vector_load %arg7[%get3A_1340, %get3A_1341] {strides = array<i32>} : memref<128x16xf32, #tpu.memory_space<vmem>>, vector<1x16xf32>,
      %get3A_1343 = vector.shape_cast %get3A_1342 : vector<1x16xf32> to vector<16xf32>
      %swap3A_1344 = arith.constant 117 : i32
      %swap3A_1345 = arith.index_cast %swap3A_1344 : i32 to index
      %swap3A_1346 = arith.constant 0 : index
      %swap3A_1347 = tpu.vector_load %arg8[%swap3A_1345, %swap3A_1346] {strides = array<i32>} : memref<128x128xf32, #tpu.memory_space<vmem>>, vector<1x16xf32>,
      %swap3A_1348 = vector.shape_cast %swap3A_1347 : vector<1x16xf32> to vector<16xf32>
      %swap3A_1349 = vector.shape_cast %get3A_1343 : vector<16xf32> to vector<1x16xf32>
      tpu.vector_store %arg8[%swap3A_1345, %swap3A_1346], %swap3A_1349 {strides = array<i32>} : memref<128x128xf32, #tpu.memory_space<vmem>>, vector<1x16xf32>,
      %get3A_1350 = arith.constant 118 : i32
      %get3A_1351 = arith.index_cast %get3A_1350 : i32 to index
      %get3A_1352 = arith.constant 0 : index
      %get3A_1353 = tpu.vector_load %arg7[%get3A_1351, %get3A_1352] {strides = array<i32>} : memref<128x16xf32, #tpu.memory_space<vmem>>, vector<1x16xf32>,
      %get3A_1354 = vector.shape_cast %get3A_1353 : vector<1x16xf32> to vector<16xf32>
      %swap3A_1355 = arith.constant 118 : i32
      %swap3A_1356 = arith.index_cast %swap3A_1355 : i32 to index
      %swap3A_1357 = arith.constant 0 : index
      %swap3A_1358 = tpu.vector_load %arg8[%swap3A_1356, %swap3A_1357] {strides = array<i32>} : memref<128x128xf32, #tpu.memory_space<vmem>>, vector<1x16xf32>,
      %swap3A_1359 = vector.shape_cast %swap3A_1358 : vector<1x16xf32> to vector<16xf32>
      %swap3A_1360 = vector.shape_cast %get3A_1354 : vector<16xf32> to vector<1x16xf32>
      tpu.vector_store %arg8[%swap3A_1356, %swap3A_1357], %swap3A_1360 {strides = array<i32>} : memref<128x128xf32, #tpu.memory_space<vmem>>, vector<1x16xf32>,
      %get3A_1361 = arith.constant 119 : i32
      %get3A_1362 = arith.index_cast %get3A_1361 : i32 to index
      %get3A_1363 = arith.constant 0 : index
      %get3A_1364 = tpu.vector_load %arg7[%get3A_1362, %get3A_1363] {strides = array<i32>} : memref<128x16xf32, #tpu.memory_space<vmem>>, vector<1x16xf32>,
      %get3A_1365 = vector.shape_cast %get3A_1364 : vector<1x16xf32> to vector<16xf32>
      %swap3A_1366 = arith.constant 119 : i32
      %swap3A_1367 = arith.index_cast %swap3A_1366 : i32 to index
      %swap3A_1368 = arith.constant 0 : index
      %swap3A_1369 = tpu.vector_load %arg8[%swap3A_1367, %swap3A_1368] {strides = array<i32>} : memref<128x128xf32, #tpu.memory_space<vmem>>, vector<1x16xf32>,
      %swap3A_1370 = vector.shape_cast %swap3A_1369 : vector<1x16xf32> to vector<16xf32>
      %swap3A_1371 = vector.shape_cast %get3A_1365 : vector<16xf32> to vector<1x16xf32>
      tpu.vector_store %arg8[%swap3A_1367, %swap3A_1368], %swap3A_1371 {strides = array<i32>} : memref<128x128xf32, #tpu.memory_space<vmem>>, vector<1x16xf32>,
      %get3A_1372 = arith.constant 120 : i32
      %get3A_1373 = arith.index_cast %get3A_1372 : i32 to index
      %get3A_1374 = arith.constant 0 : index
      %get3A_1375 = tpu.vector_load %arg7[%get3A_1373, %get3A_1374] {strides = array<i32>} : memref<128x16xf32, #tpu.memory_space<vmem>>, vector<1x16xf32>,
      %get3A_1376 = vector.shape_cast %get3A_1375 : vector<1x16xf32> to vector<16xf32>
      %swap3A_1377 = arith.constant 120 : i32
      %swap3A_1378 = arith.index_cast %swap3A_1377 : i32 to index
      %swap3A_1379 = arith.constant 0 : index
      %swap3A_1380 = tpu.vector_load %arg8[%swap3A_1378, %swap3A_1379] {strides = array<i32>} : memref<128x128xf32, #tpu.memory_space<vmem>>, vector<1x16xf32>,
      %swap3A_1381 = vector.shape_cast %swap3A_1380 : vector<1x16xf32> to vector<16xf32>
      %swap3A_1382 = vector.shape_cast %get3A_1376 : vector<16xf32> to vector<1x16xf32>
      tpu.vector_store %arg8[%swap3A_1378, %swap3A_1379], %swap3A_1382 {strides = array<i32>} : memref<128x128xf32, #tpu.memory_space<vmem>>, vector<1x16xf32>,
      %get3A_1383 = arith.constant 121 : i32
      %get3A_1384 = arith.index_cast %get3A_1383 : i32 to index
      %get3A_1385 = arith.constant 0 : index
      %get3A_1386 = tpu.vector_load %arg7[%get3A_1384, %get3A_1385] {strides = array<i32>} : memref<128x16xf32, #tpu.memory_space<vmem>>, vector<1x16xf32>,
      %get3A_1387 = vector.shape_cast %get3A_1386 : vector<1x16xf32> to vector<16xf32>
      %swap3A_1388 = arith.constant 121 : i32
      %swap3A_1389 = arith.index_cast %swap3A_1388 : i32 to index
      %swap3A_1390 = arith.constant 0 : index
      %swap3A_1391 = tpu.vector_load %arg8[%swap3A_1389, %swap3A_1390] {strides = array<i32>} : memref<128x128xf32, #tpu.memory_space<vmem>>, vector<1x16xf32>,
      %swap3A_1392 = vector.shape_cast %swap3A_1391 : vector<1x16xf32> to vector<16xf32>
      %swap3A_1393 = vector.shape_cast %get3A_1387 : vector<16xf32> to vector<1x16xf32>
      tpu.vector_store %arg8[%swap3A_1389, %swap3A_1390], %swap3A_1393 {strides = array<i32>} : memref<128x128xf32, #tpu.memory_space<vmem>>, vector<1x16xf32>,
      %get3A_1394 = arith.constant 122 : i32
      %get3A_1395 = arith.index_cast %get3A_1394 : i32 to index
      %get3A_1396 = arith.constant 0 : index
      %get3A_1397 = tpu.vector_load %arg7[%get3A_1395, %get3A_1396] {strides = array<i32>} : memref<128x16xf32, #tpu.memory_space<vmem>>, vector<1x16xf32>,
      %get3A_1398 = vector.shape_cast %get3A_1397 : vector<1x16xf32> to vector<16xf32>
      %swap3A_1399 = arith.constant 122 : i32
      %swap3A_1400 = arith.index_cast %swap3A_1399 : i32 to index
      %swap3A_1401 = arith.constant 0 : index
      %swap3A_1402 = tpu.vector_load %arg8[%swap3A_1400, %swap3A_1401] {strides = array<i32>} : memref<128x128xf32, #tpu.memory_space<vmem>>, vector<1x16xf32>,
      %swap3A_1403 = vector.shape_cast %swap3A_1402 : vector<1x16xf32> to vector<16xf32>
      %swap3A_1404 = vector.shape_cast %get3A_1398 : vector<16xf32> to vector<1x16xf32>
      tpu.vector_store %arg8[%swap3A_1400, %swap3A_1401], %swap3A_1404 {strides = array<i32>} : memref<128x128xf32, #tpu.memory_space<vmem>>, vector<1x16xf32>,
      %get3A_1405 = arith.constant 123 : i32
      %get3A_1406 = arith.index_cast %get3A_1405 : i32 to index
      %get3A_1407 = arith.constant 0 : index
      %get3A_1408 = tpu.vector_load %arg7[%get3A_1406, %get3A_1407] {strides = array<i32>} : memref<128x16xf32, #tpu.memory_space<vmem>>, vector<1x16xf32>,
      %get3A_1409 = vector.shape_cast %get3A_1408 : vector<1x16xf32> to vector<16xf32>
      %swap3A_1410 = arith.constant 123 : i32
      %swap3A_1411 = arith.index_cast %swap3A_1410 : i32 to index
      %swap3A_1412 = arith.constant 0 : index
      %swap3A_1413 = tpu.vector_load %arg8[%swap3A_1411, %swap3A_1412] {strides = array<i32>} : memref<128x128xf32, #tpu.memory_space<vmem>>, vector<1x16xf32>,
      %swap3A_1414 = vector.shape_cast %swap3A_1413 : vector<1x16xf32> to vector<16xf32>
      %swap3A_1415 = vector.shape_cast %get3A_1409 : vector<16xf32> to vector<1x16xf32>
      tpu.vector_store %arg8[%swap3A_1411, %swap3A_1412], %swap3A_1415 {strides = array<i32>} : memref<128x128xf32, #tpu.memory_space<vmem>>, vector<1x16xf32>,
      %get3A_1416 = arith.constant 124 : i32
      %get3A_1417 = arith.index_cast %get3A_1416 : i32 to index
      %get3A_1418 = arith.constant 0 : index
      %get3A_1419 = tpu.vector_load %arg7[%get3A_1417, %get3A_1418] {strides = array<i32>} : memref<128x16xf32, #tpu.memory_space<vmem>>, vector<1x16xf32>,
      %get3A_1420 = vector.shape_cast %get3A_1419 : vector<1x16xf32> to vector<16xf32>
      %swap3A_1421 = arith.constant 124 : i32
      %swap3A_1422 = arith.index_cast %swap3A_1421 : i32 to index
      %swap3A_1423 = arith.constant 0 : index
      %swap3A_1424 = tpu.vector_load %arg8[%swap3A_1422, %swap3A_1423] {strides = array<i32>} : memref<128x128xf32, #tpu.memory_space<vmem>>, vector<1x16xf32>,
      %swap3A_1425 = vector.shape_cast %swap3A_1424 : vector<1x16xf32> to vector<16xf32>
      %swap3A_1426 = vector.shape_cast %get3A_1420 : vector<16xf32> to vector<1x16xf32>
      tpu.vector_store %arg8[%swap3A_1422, %swap3A_1423], %swap3A_1426 {strides = array<i32>} : memref<128x128xf32, #tpu.memory_space<vmem>>, vector<1x16xf32>,
      %get3A_1427 = arith.constant 125 : i32
      %get3A_1428 = arith.index_cast %get3A_1427 : i32 to index
      %get3A_1429 = arith.constant 0 : index
      %get3A_1430 = tpu.vector_load %arg7[%get3A_1428, %get3A_1429] {strides = array<i32>} : memref<128x16xf32, #tpu.memory_space<vmem>>, vector<1x16xf32>,
      %get3A_1431 = vector.shape_cast %get3A_1430 : vector<1x16xf32> to vector<16xf32>
      %swap3A_1432 = arith.constant 125 : i32
      %swap3A_1433 = arith.index_cast %swap3A_1432 : i32 to index
      %swap3A_1434 = arith.constant 0 : index
      %swap3A_1435 = tpu.vector_load %arg8[%swap3A_1433, %swap3A_1434] {strides = array<i32>} : memref<128x128xf32, #tpu.memory_space<vmem>>, vector<1x16xf32>,
      %swap3A_1436 = vector.shape_cast %swap3A_1435 : vector<1x16xf32> to vector<16xf32>
      %swap3A_1437 = vector.shape_cast %get3A_1431 : vector<16xf32> to vector<1x16xf32>
      tpu.vector_store %arg8[%swap3A_1433, %swap3A_1434], %swap3A_1437 {strides = array<i32>} : memref<128x128xf32, #tpu.memory_space<vmem>>, vector<1x16xf32>,
      %get3A_1438 = arith.constant 126 : i32
      %get3A_1439 = arith.index_cast %get3A_1438 : i32 to index
      %get3A_1440 = arith.constant 0 : index
      %get3A_1441 = tpu.vector_load %arg7[%get3A_1439, %get3A_1440] {strides = array<i32>} : memref<128x16xf32, #tpu.memory_space<vmem>>, vector<1x16xf32>,
      %get3A_1442 = vector.shape_cast %get3A_1441 : vector<1x16xf32> to vector<16xf32>
      %swap3A_1443 = arith.constant 126 : i32
      %swap3A_1444 = arith.index_cast %swap3A_1443 : i32 to index
      %swap3A_1445 = arith.constant 0 : index
      %swap3A_1446 = tpu.vector_load %arg8[%swap3A_1444, %swap3A_1445] {strides = array<i32>} : memref<128x128xf32, #tpu.memory_space<vmem>>, vector<1x16xf32>,
      %swap3A_1447 = vector.shape_cast %swap3A_1446 : vector<1x16xf32> to vector<16xf32>
      %swap3A_1448 = vector.shape_cast %get3A_1442 : vector<16xf32> to vector<1x16xf32>
      tpu.vector_store %arg8[%swap3A_1444, %swap3A_1445], %swap3A_1448 {strides = array<i32>} : memref<128x128xf32, #tpu.memory_space<vmem>>, vector<1x16xf32>,
      %get3A_1449 = arith.constant 127 : i32
      %get3A_1450 = arith.index_cast %get3A_1449 : i32 to index
      %get3A_1451 = arith.constant 0 : index
      %get3A_1452 = tpu.vector_load %arg7[%get3A_1450, %get3A_1451] {strides = array<i32>} : memref<128x16xf32, #tpu.memory_space<vmem>>, vector<1x16xf32>,
      %get3A_1453 = vector.shape_cast %get3A_1452 : vector<1x16xf32> to vector<16xf32>
      %swap3A_1454 = arith.constant 127 : i32
      %swap3A_1455 = arith.index_cast %swap3A_1454 : i32 to index
      %swap3A_1456 = arith.constant 0 : index
      %swap3A_1457 = tpu.vector_load %arg8[%swap3A_1455, %swap3A_1456] {strides = array<i32>} : memref<128x128xf32, #tpu.memory_space<vmem>>, vector<1x16xf32>,
      %swap3A_1458 = vector.shape_cast %swap3A_1457 : vector<1x16xf32> to vector<16xf32>
      %swap3A_1459 = vector.shape_cast %get3A_1453 : vector<16xf32> to vector<1x16xf32>
      tpu.vector_store %arg8[%swap3A_1455, %swap3A_1456], %swap3A_1459 {strides = array<i32>} : memref<128x128xf32, #tpu.memory_space<vmem>>, vector<1x16xf32>,
      "tpu.region"() ({
        %run_scoped3A = tpu.sem_alloc : memref<!tpu.dma_semaphore, #tpu.memory_space<semaphore_mem>>
        %dma_start3A = arith.constant 0 : i32
        %dma_start3A_1460 = arith.constant 0 : i32
        %dma_start3A_1461 = tpu.memref_slice %arg9[%dma_start3A, %dma_start3A_1460] : memref<10240x128xf32, #tpu.memory_space<vmem_shared>> -> memref<10240x128xf32, #tpu.memory_space<vmem_shared>>
        tpu.enqueue_indirect_dma source(%arg8 : memref<128x128xf32, #tpu.memory_space<vmem>>) target(%dma_start3A_1461 : memref<10240x128xf32, #tpu.memory_space<vmem_shared>>) offsets(%arg6 : memref<128xi32, #tpu.memory_space<vmem>>) semaphore(%run_scoped3A : memref<!tpu.dma_semaphore, #tpu.memory_space<semaphore_mem>>) {add = true}
        %dma_wait3A = arith.constant 0 : i32
        %dma_wait3A_1462 = arith.constant 0 : i32
        %dma_wait3A_1463 = tpu.memref_slice %arg9[%dma_wait3A, %dma_wait3A_1462] : memref<10240x128xf32, #tpu.memory_space<vmem_shared>> -> memref<10240x128xf32, #tpu.memory_space<vmem_shared>>
        tpu.wait_indirect_dma semaphore(%run_scoped3A : memref<!tpu.dma_semaphore, #tpu.memory_space<semaphore_mem>>) src(%arg8 : memref<128x128xf32, #tpu.memory_space<vmem>>) dst(%dma_wait3A_1463 : memref<10240x128xf32, #tpu.memory_space<vmem_shared>>)
        tpu.yield
      }) : () -> ()
    }
    %scan3A_19 = arith.constant 157 : i32
    %barrier3A_20 = arith.constant 0 : index
    tpu.barrier barrier_id(%barrier3A_20)
    %mul3A_21 = arith.constant 10240 : i32
    %mul3A_22 = arith.muli %arg0, %mul3A_21 : i32
    %add3A_23 = arith.addi %mul3A_22, %mul3A_0 : i32
    %add3A_24 = arith.constant 0 : i32
    %add3A_25 = arith.addi %mul3A_0, %add3A_24 : i32
    "tpu.region"() ({
      %run_scoped3A = tpu.sem_alloc : memref<!tpu.dma_semaphore, #tpu.memory_space<semaphore_mem>>
      %dma_start3A = arith.constant 0 : i32
      %dma_start3A_44 = tpu.memref_slice %arg9[%add3A_25, %dma_start3A] : memref<10240x128xf32, #tpu.memory_space<vmem_shared>> -> memref<128x128xf32, #tpu.memory_space<vmem_shared>>
      %dma_start3A_45 = arith.constant 0 : i32
      %dma_start3A_46 = tpu.memref_slice %arg9[%add3A_25, %dma_start3A_45] : memref<10240x128xf32, #tpu.memory_space<vmem_shared>> -> memref<128x128xf32, #tpu.memory_space<vmem_shared>>
      tpu.enqueue_dma source(%dma_start3A_46 : memref<128x128xf32, #tpu.memory_space<vmem_shared>>) target(%arg8 : memref<128x128xf32, #tpu.memory_space<vmem>>) target_semaphore(%run_scoped3A : memref<!tpu.dma_semaphore, #tpu.memory_space<semaphore_mem>>)
      %dma_wait3A = arith.constant 0 : i32
      %dma_wait3A_47 = tpu.memref_slice %arg9[%add3A_25, %dma_wait3A] : memref<10240x128xf32, #tpu.memory_space<vmem_shared>> -> memref<128x128xf32, #tpu.memory_space<vmem_shared>>
      %dma_wait3A_48 = arith.constant 0 : i32
      %dma_wait3A_49 = tpu.memref_slice %arg9[%add3A_25, %dma_wait3A_48] : memref<10240x128xf32, #tpu.memory_space<vmem_shared>> -> memref<128x128xf32, #tpu.memory_space<vmem_shared>>
      tpu.wait_dma2 semaphore(%run_scoped3A : memref<!tpu.dma_semaphore, #tpu.memory_space<semaphore_mem>>) src(%dma_wait3A_49 : memref<128x128xf32, #tpu.memory_space<vmem_shared>>) dst(%arg8 : memref<128x128xf32, #tpu.memory_space<vmem>>)
      tpu.yield
    }) : () -> ()
    %add3A_26 = arith.constant 0 : i32
    %add3A_27 = arith.addi %add3A_23, %add3A_26 : i32
    "tpu.region"() ({
      %run_scoped3A = tpu.sem_alloc : memref<!tpu.dma_semaphore, #tpu.memory_space<semaphore_mem>>
      %dma_start3A = arith.constant 0 : i32
      %dma_start3A_44 = tpu.memref_slice %arg5[%add3A_27, %dma_start3A] : memref<20480x128xf32, #tpu.memory_space<hbm>> -> memref<128x128xf32, #tpu.memory_space<hbm>>
      %dma_start3A_45 = arith.constant 0 : i32
      %dma_start3A_46 = tpu.memref_slice %arg5[%add3A_27, %dma_start3A_45] : memref<20480x128xf32, #tpu.memory_space<hbm>> -> memref<128x128xf32, #tpu.memory_space<hbm>>
      tpu.enqueue_dma source(%arg8 : memref<128x128xf32, #tpu.memory_space<vmem>>) target(%dma_start3A_46 : memref<128x128xf32, #tpu.memory_space<hbm>>) target_semaphore(%run_scoped3A : memref<!tpu.dma_semaphore, #tpu.memory_space<semaphore_mem>>)
      %dma_wait3A = arith.constant 0 : i32
      %dma_wait3A_47 = tpu.memref_slice %arg5[%add3A_27, %dma_wait3A] : memref<20480x128xf32, #tpu.memory_space<hbm>> -> memref<128x128xf32, #tpu.memory_space<hbm>>
      %dma_wait3A_48 = arith.constant 0 : i32
      %dma_wait3A_49 = tpu.memref_slice %arg5[%add3A_27, %dma_wait3A_48] : memref<20480x128xf32, #tpu.memory_space<hbm>> -> memref<128x128xf32, #tpu.memory_space<hbm>>
      tpu.wait_dma2 semaphore(%run_scoped3A : memref<!tpu.dma_semaphore, #tpu.memory_space<semaphore_mem>>) src(%arg8 : memref<128x128xf32, #tpu.memory_space<vmem>>) dst(%dma_wait3A_49 : memref<128x128xf32, #tpu.memory_space<hbm>>)
      tpu.yield
    }) : () -> ()
    %add3A_28 = arith.constant 128 : i32
    %add3A_29 = arith.addi %mul3A_0, %add3A_28 : i32
    "tpu.region"() ({
      %run_scoped3A = tpu.sem_alloc : memref<!tpu.dma_semaphore, #tpu.memory_space<semaphore_mem>>
      %dma_start3A = arith.constant 0 : i32
      %dma_start3A_44 = tpu.memref_slice %arg9[%add3A_29, %dma_start3A] : memref<10240x128xf32, #tpu.memory_space<vmem_shared>> -> memref<128x128xf32, #tpu.memory_space<vmem_shared>>
      %dma_start3A_45 = arith.constant 0 : i32
      %dma_start3A_46 = tpu.memref_slice %arg9[%add3A_29, %dma_start3A_45] : memref<10240x128xf32, #tpu.memory_space<vmem_shared>> -> memref<128x128xf32, #tpu.memory_space<vmem_shared>>
      tpu.enqueue_dma source(%dma_start3A_46 : memref<128x128xf32, #tpu.memory_space<vmem_shared>>) target(%arg8 : memref<128x128xf32, #tpu.memory_space<vmem>>) target_semaphore(%run_scoped3A : memref<!tpu.dma_semaphore, #tpu.memory_space<semaphore_mem>>)
      %dma_wait3A = arith.constant 0 : i32
      %dma_wait3A_47 = tpu.memref_slice %arg9[%add3A_29, %dma_wait3A] : memref<10240x128xf32, #tpu.memory_space<vmem_shared>> -> memref<128x128xf32, #tpu.memory_space<vmem_shared>>
      %dma_wait3A_48 = arith.constant 0 : i32
      %dma_wait3A_49 = tpu.memref_slice %arg9[%add3A_29, %dma_wait3A_48] : memref<10240x128xf32, #tpu.memory_space<vmem_shared>> -> memref<128x128xf32, #tpu.memory_space<vmem_shared>>
      tpu.wait_dma2 semaphore(%run_scoped3A : memref<!tpu.dma_semaphore, #tpu.memory_space<semaphore_mem>>) src(%dma_wait3A_49 : memref<128x128xf32, #tpu.memory_space<vmem_shared>>) dst(%arg8 : memref<128x128xf32, #tpu.memory_space<vmem>>)
      tpu.yield
    }) : () -> ()
    %add3A_30 = arith.constant 128 : i32
    %add3A_31 = arith.addi %add3A_23, %add3A_30 : i32
    "tpu.region"() ({
      %run_scoped3A = tpu.sem_alloc : memref<!tpu.dma_semaphore, #tpu.memory_space<semaphore_mem>>
      %dma_start3A = arith.constant 0 : i32
      %dma_start3A_44 = tpu.memref_slice %arg5[%add3A_31, %dma_start3A] : memref<20480x128xf32, #tpu.memory_space<hbm>> -> memref<128x128xf32, #tpu.memory_space<hbm>>
      %dma_start3A_45 = arith.constant 0 : i32
      %dma_start3A_46 = tpu.memref_slice %arg5[%add3A_31, %dma_start3A_45] : memref<20480x128xf32, #tpu.memory_space<hbm>> -> memref<128x128xf32, #tpu.memory_space<hbm>>
      tpu.enqueue_dma source(%arg8 : memref<128x128xf32, #tpu.memory_space<vmem>>) target(%dma_start3A_46 : memref<128x128xf32, #tpu.memory_space<hbm>>) target_semaphore(%run_scoped3A : memref<!tpu.dma_semaphore, #tpu.memory_space<semaphore_mem>>)
      %dma_wait3A = arith.constant 0 : i32
      %dma_wait3A_47 = tpu.memref_slice %arg5[%add3A_31, %dma_wait3A] : memref<20480x128xf32, #tpu.memory_space<hbm>> -> memref<128x128xf32, #tpu.memory_space<hbm>>
      %dma_wait3A_48 = arith.constant 0 : i32
      %dma_wait3A_49 = tpu.memref_slice %arg5[%add3A_31, %dma_wait3A_48] : memref<20480x128xf32, #tpu.memory_space<hbm>> -> memref<128x128xf32, #tpu.memory_space<hbm>>
      tpu.wait_dma2 semaphore(%run_scoped3A : memref<!tpu.dma_semaphore, #tpu.memory_space<semaphore_mem>>) src(%arg8 : memref<128x128xf32, #tpu.memory_space<vmem>>) dst(%dma_wait3A_49 : memref<128x128xf32, #tpu.memory_space<hbm>>)
      tpu.yield
    }) : () -> ()
    %add3A_32 = arith.constant 256 : i32
    %add3A_33 = arith.addi %mul3A_0, %add3A_32 : i32
    "tpu.region"() ({
      %run_scoped3A = tpu.sem_alloc : memref<!tpu.dma_semaphore, #tpu.memory_space<semaphore_mem>>
      %dma_start3A = arith.constant 0 : i32
      %dma_start3A_44 = tpu.memref_slice %arg9[%add3A_33, %dma_start3A] : memref<10240x128xf32, #tpu.memory_space<vmem_shared>> -> memref<128x128xf32, #tpu.memory_space<vmem_shared>>
      %dma_start3A_45 = arith.constant 0 : i32
      %dma_start3A_46 = tpu.memref_slice %arg9[%add3A_33, %dma_start3A_45] : memref<10240x128xf32, #tpu.memory_space<vmem_shared>> -> memref<128x128xf32, #tpu.memory_space<vmem_shared>>
      tpu.enqueue_dma source(%dma_start3A_46 : memref<128x128xf32, #tpu.memory_space<vmem_shared>>) target(%arg8 : memref<128x128xf32, #tpu.memory_space<vmem>>) target_semaphore(%run_scoped3A : memref<!tpu.dma_semaphore, #tpu.memory_space<semaphore_mem>>)
      %dma_wait3A = arith.constant 0 : i32
      %dma_wait3A_47 = tpu.memref_slice %arg9[%add3A_33, %dma_wait3A] : memref<10240x128xf32, #tpu.memory_space<vmem_shared>> -> memref<128x128xf32, #tpu.memory_space<vmem_shared>>
      %dma_wait3A_48 = arith.constant 0 : i32
      %dma_wait3A_49 = tpu.memref_slice %arg9[%add3A_33, %dma_wait3A_48] : memref<10240x128xf32, #tpu.memory_space<vmem_shared>> -> memref<128x128xf32, #tpu.memory_space<vmem_shared>>
      tpu.wait_dma2 semaphore(%run_scoped3A : memref<!tpu.dma_semaphore, #tpu.memory_space<semaphore_mem>>) src(%dma_wait3A_49 : memref<128x128xf32, #tpu.memory_space<vmem_shared>>) dst(%arg8 : memref<128x128xf32, #tpu.memory_space<vmem>>)
      tpu.yield
    }) : () -> ()
    %add3A_34 = arith.constant 256 : i32
    %add3A_35 = arith.addi %add3A_23, %add3A_34 : i32
    "tpu.region"() ({
      %run_scoped3A = tpu.sem_alloc : memref<!tpu.dma_semaphore, #tpu.memory_space<semaphore_mem>>
      %dma_start3A = arith.constant 0 : i32
      %dma_start3A_44 = tpu.memref_slice %arg5[%add3A_35, %dma_start3A] : memref<20480x128xf32, #tpu.memory_space<hbm>> -> memref<128x128xf32, #tpu.memory_space<hbm>>
      %dma_start3A_45 = arith.constant 0 : i32
      %dma_start3A_46 = tpu.memref_slice %arg5[%add3A_35, %dma_start3A_45] : memref<20480x128xf32, #tpu.memory_space<hbm>> -> memref<128x128xf32, #tpu.memory_space<hbm>>
      tpu.enqueue_dma source(%arg8 : memref<128x128xf32, #tpu.memory_space<vmem>>) target(%dma_start3A_46 : memref<128x128xf32, #tpu.memory_space<hbm>>) target_semaphore(%run_scoped3A : memref<!tpu.dma_semaphore, #tpu.memory_space<semaphore_mem>>)
      %dma_wait3A = arith.constant 0 : i32
      %dma_wait3A_47 = tpu.memref_slice %arg5[%add3A_35, %dma_wait3A] : memref<20480x128xf32, #tpu.memory_space<hbm>> -> memref<128x128xf32, #tpu.memory_space<hbm>>
      %dma_wait3A_48 = arith.constant 0 : i32
      %dma_wait3A_49 = tpu.memref_slice %arg5[%add3A_35, %dma_wait3A_48] : memref<20480x128xf32, #tpu.memory_space<hbm>> -> memref<128x128xf32, #tpu.memory_space<hbm>>
      tpu.wait_dma2 semaphore(%run_scoped3A : memref<!tpu.dma_semaphore, #tpu.memory_space<semaphore_mem>>) src(%arg8 : memref<128x128xf32, #tpu.memory_space<vmem>>) dst(%dma_wait3A_49 : memref<128x128xf32, #tpu.memory_space<hbm>>)
      tpu.yield
    }) : () -> ()
    %add3A_36 = arith.constant 384 : i32
    %add3A_37 = arith.addi %mul3A_0, %add3A_36 : i32
    "tpu.region"() ({
      %run_scoped3A = tpu.sem_alloc : memref<!tpu.dma_semaphore, #tpu.memory_space<semaphore_mem>>
      %dma_start3A = arith.constant 0 : i32
      %dma_start3A_44 = tpu.memref_slice %arg9[%add3A_37, %dma_start3A] : memref<10240x128xf32, #tpu.memory_space<vmem_shared>> -> memref<128x128xf32, #tpu.memory_space<vmem_shared>>
      %dma_start3A_45 = arith.constant 0 : i32
      %dma_start3A_46 = tpu.memref_slice %arg9[%add3A_37, %dma_start3A_45] : memref<10240x128xf32, #tpu.memory_space<vmem_shared>> -> memref<128x128xf32, #tpu.memory_space<vmem_shared>>
      tpu.enqueue_dma source(%dma_start3A_46 : memref<128x128xf32, #tpu.memory_space<vmem_shared>>) target(%arg8 : memref<128x128xf32, #tpu.memory_space<vmem>>) target_semaphore(%run_scoped3A : memref<!tpu.dma_semaphore, #tpu.memory_space<semaphore_mem>>)
      %dma_wait3A = arith.constant 0 : i32
      %dma_wait3A_47 = tpu.memref_slice %arg9[%add3A_37, %dma_wait3A] : memref<10240x128xf32, #tpu.memory_space<vmem_shared>> -> memref<128x128xf32, #tpu.memory_space<vmem_shared>>
      %dma_wait3A_48 = arith.constant 0 : i32
      %dma_wait3A_49 = tpu.memref_slice %arg9[%add3A_37, %dma_wait3A_48] : memref<10240x128xf32, #tpu.memory_space<vmem_shared>> -> memref<128x128xf32, #tpu.memory_space<vmem_shared>>
      tpu.wait_dma2 semaphore(%run_scoped3A : memref<!tpu.dma_semaphore, #tpu.memory_space<semaphore_mem>>) src(%dma_wait3A_49 : memref<128x128xf32, #tpu.memory_space<vmem_shared>>) dst(%arg8 : memref<128x128xf32, #tpu.memory_space<vmem>>)
      tpu.yield
    }) : () -> ()
    %add3A_38 = arith.constant 384 : i32
    %add3A_39 = arith.addi %add3A_23, %add3A_38 : i32
    "tpu.region"() ({
      %run_scoped3A = tpu.sem_alloc : memref<!tpu.dma_semaphore, #tpu.memory_space<semaphore_mem>>
      %dma_start3A = arith.constant 0 : i32
      %dma_start3A_44 = tpu.memref_slice %arg5[%add3A_39, %dma_start3A] : memref<20480x128xf32, #tpu.memory_space<hbm>> -> memref<128x128xf32, #tpu.memory_space<hbm>>
      %dma_start3A_45 = arith.constant 0 : i32
      %dma_start3A_46 = tpu.memref_slice %arg5[%add3A_39, %dma_start3A_45] : memref<20480x128xf32, #tpu.memory_space<hbm>> -> memref<128x128xf32, #tpu.memory_space<hbm>>
      tpu.enqueue_dma source(%arg8 : memref<128x128xf32, #tpu.memory_space<vmem>>) target(%dma_start3A_46 : memref<128x128xf32, #tpu.memory_space<hbm>>) target_semaphore(%run_scoped3A : memref<!tpu.dma_semaphore, #tpu.memory_space<semaphore_mem>>)
      %dma_wait3A = arith.constant 0 : i32
      %dma_wait3A_47 = tpu.memref_slice %arg5[%add3A_39, %dma_wait3A] : memref<20480x128xf32, #tpu.memory_space<hbm>> -> memref<128x128xf32, #tpu.memory_space<hbm>>
      %dma_wait3A_48 = arith.constant 0 : i32
      %dma_wait3A_49 = tpu.memref_slice %arg5[%add3A_39, %dma_wait3A_48] : memref<20480x128xf32, #tpu.memory_space<hbm>> -> memref<128x128xf32, #tpu.memory_space<hbm>>
      tpu.wait_dma2 semaphore(%run_scoped3A : memref<!tpu.dma_semaphore, #tpu.memory_space<semaphore_mem>>) src(%arg8 : memref<128x128xf32, #tpu.memory_space<vmem>>) dst(%dma_wait3A_49 : memref<128x128xf32, #tpu.memory_space<hbm>>)
      tpu.yield
    }) : () -> ()
    %add3A_40 = arith.constant 512 : i32
    %add3A_41 = arith.addi %mul3A_0, %add3A_40 : i32
    "tpu.region"() ({
      %run_scoped3A = tpu.sem_alloc : memref<!tpu.dma_semaphore, #tpu.memory_space<semaphore_mem>>
      %dma_start3A = arith.constant 0 : i32
      %dma_start3A_44 = tpu.memref_slice %arg9[%add3A_41, %dma_start3A] : memref<10240x128xf32, #tpu.memory_space<vmem_shared>> -> memref<128x128xf32, #tpu.memory_space<vmem_shared>>
      %dma_start3A_45 = arith.constant 0 : i32
      %dma_start3A_46 = tpu.memref_slice %arg9[%add3A_41, %dma_start3A_45] : memref<10240x128xf32, #tpu.memory_space<vmem_shared>> -> memref<128x128xf32, #tpu.memory_space<vmem_shared>>
      tpu.enqueue_dma source(%dma_start3A_46 : memref<128x128xf32, #tpu.memory_space<vmem_shared>>) target(%arg8 : memref<128x128xf32, #tpu.memory_space<vmem>>) target_semaphore(%run_scoped3A : memref<!tpu.dma_semaphore, #tpu.memory_space<semaphore_mem>>)
      %dma_wait3A = arith.constant 0 : i32
      %dma_wait3A_47 = tpu.memref_slice %arg9[%add3A_41, %dma_wait3A] : memref<10240x128xf32, #tpu.memory_space<vmem_shared>> -> memref<128x128xf32, #tpu.memory_space<vmem_shared>>
      %dma_wait3A_48 = arith.constant 0 : i32
      %dma_wait3A_49 = tpu.memref_slice %arg9[%add3A_41, %dma_wait3A_48] : memref<10240x128xf32, #tpu.memory_space<vmem_shared>> -> memref<128x128xf32, #tpu.memory_space<vmem_shared>>
      tpu.wait_dma2 semaphore(%run_scoped3A : memref<!tpu.dma_semaphore, #tpu.memory_space<semaphore_mem>>) src(%dma_wait3A_49 : memref<128x128xf32, #tpu.memory_space<vmem_shared>>) dst(%arg8 : memref<128x128xf32, #tpu.memory_space<vmem>>)
      tpu.yield
    }) : () -> ()
    %add3A_42 = arith.constant 512 : i32
    %add3A_43 = arith.addi %add3A_23, %add3A_42 : i32
    "tpu.region"() ({
      %run_scoped3A = tpu.sem_alloc : memref<!tpu.dma_semaphore, #tpu.memory_space<semaphore_mem>>
      %dma_start3A = arith.constant 0 : i32
      %dma_start3A_44 = tpu.memref_slice %arg5[%add3A_43, %dma_start3A] : memref<20480x128xf32, #tpu.memory_space<hbm>> -> memref<128x128xf32, #tpu.memory_space<hbm>>
      %dma_start3A_45 = arith.constant 0 : i32
      %dma_start3A_46 = tpu.memref_slice %arg5[%add3A_43, %dma_start3A_45] : memref<20480x128xf32, #tpu.memory_space<hbm>> -> memref<128x128xf32, #tpu.memory_space<hbm>>
      tpu.enqueue_dma source(%arg8 : memref<128x128xf32, #tpu.memory_space<vmem>>) target(%dma_start3A_46 : memref<128x128xf32, #tpu.memory_space<hbm>>) target_semaphore(%run_scoped3A : memref<!tpu.dma_semaphore, #tpu.memory_space<semaphore_mem>>)
      %dma_wait3A = arith.constant 0 : i32
      %dma_wait3A_47 = tpu.memref_slice %arg5[%add3A_43, %dma_wait3A] : memref<20480x128xf32, #tpu.memory_space<hbm>> -> memref<128x128xf32, #tpu.memory_space<hbm>>
      %dma_wait3A_48 = arith.constant 0 : i32
      %dma_wait3A_49 = tpu.memref_slice %arg5[%add3A_43, %dma_wait3A_48] : memref<20480x128xf32, #tpu.memory_space<hbm>> -> memref<128x128xf32, #tpu.memory_space<hbm>>
      tpu.wait_dma2 semaphore(%run_scoped3A : memref<!tpu.dma_semaphore, #tpu.memory_space<semaphore_mem>>) src(%arg8 : memref<128x128xf32, #tpu.memory_space<vmem>>) dst(%dma_wait3A_49 : memref<128x128xf32, #tpu.memory_space<hbm>>)
      tpu.yield
    }) : () -> ()
    return
  }
}

#map = affine_map<(d0, d1) -> (0, 0)>
#map1 = affine_map<(d0, d1) -> (0)>
module attributes {stable_mosaic.version = 14 : i64} {
  func.func @_sc_g_body(%arg0: i32, %arg1: i32, %arg2: memref<10000x128xf32, #tpu.memory_space<hbm>>, %arg3: memref<643072xi32, #tpu.memory_space<hbm>>, %arg4: memref<643072xi32, #tpu.memory_space<hbm>>, %arg5: memref<128x128xf32, #tpu.memory_space<hbm>>, %arg6: memref<20480x128xf32, #tpu.memory_space<hbm>>, %arg7: memref<128xi32, #tpu.memory_space<vmem>>, %arg8: memref<128xi32, #tpu.memory_space<vmem>>, %arg9: memref<128x128xf32, #tpu.memory_space<vmem>>, %arg10: memref<10240x128xf32, #tpu.memory_space<vmem_shared>>, %arg11: memref<!tpu.dma_semaphore, #tpu.memory_space<semaphore_mem>>) attributes {dimension_semantics = [#tpu.dimension_semantics<core_parallel>, #tpu.dimension_semantics<subcore_parallel>], iteration_bounds = array<i64: 2, 16>, scalar_prefetch = 0 : i64, scratch_operands = 5 : i64, tpu.core_type = #tpu.core_type<sc_vector_subcore>, window_params = [{transform_indices = #map}, {transform_indices = #map1}, {transform_indices = #map1}, {transform_indices = #map}, {transform_indices = #map}]} {
    %mul3A = arith.constant 640 : i32
    %mul3A_0 = arith.muli %arg1, %mul3A : i32
    "tpu.region"() ({
      %run_scoped3A = tpu.sem_alloc : memref<!tpu.dma_semaphore, #tpu.memory_space<semaphore_mem>>
      %dma_start3A = arith.constant 0 : i32
      %dma_start3A_44 = arith.constant 0 : i32
      %dma_start3A_45 = tpu.memref_slice %arg5[%dma_start3A, %dma_start3A_44] : memref<128x128xf32, #tpu.memory_space<hbm>> -> memref<128x128xf32, #tpu.memory_space<hbm>>
      %dma_start3A_46 = arith.constant 0 : i32
      %dma_start3A_47 = arith.constant 0 : i32
      %dma_start3A_48 = tpu.memref_slice %arg5[%dma_start3A_46, %dma_start3A_47] : memref<128x128xf32, #tpu.memory_space<hbm>> -> memref<128x128xf32, #tpu.memory_space<hbm>>
      tpu.enqueue_dma source(%dma_start3A_48 : memref<128x128xf32, #tpu.memory_space<hbm>>) target(%arg9 : memref<128x128xf32, #tpu.memory_space<vmem>>) target_semaphore(%run_scoped3A : memref<!tpu.dma_semaphore, #tpu.memory_space<semaphore_mem>>)
      %dma_wait3A = arith.constant 0 : i32
      %dma_wait3A_49 = arith.constant 0 : i32
      %dma_wait3A_50 = tpu.memref_slice %arg5[%dma_wait3A, %dma_wait3A_49] : memref<128x128xf32, #tpu.memory_space<hbm>> -> memref<128x128xf32, #tpu.memory_space<hbm>>
      %dma_wait3A_51 = arith.constant 0 : i32
      %dma_wait3A_52 = arith.constant 0 : i32
      %dma_wait3A_53 = tpu.memref_slice %arg5[%dma_wait3A_51, %dma_wait3A_52] : memref<128x128xf32, #tpu.memory_space<hbm>> -> memref<128x128xf32, #tpu.memory_space<hbm>>
      tpu.wait_dma2 semaphore(%run_scoped3A : memref<!tpu.dma_semaphore, #tpu.memory_space<semaphore_mem>>) src(%dma_wait3A_53 : memref<128x128xf32, #tpu.memory_space<hbm>>) dst(%arg9 : memref<128x128xf32, #tpu.memory_space<vmem>>)
      tpu.yield
    }) : () -> ()
    %add3A = arith.constant 0 : i32
    %add3A_1 = arith.addi %mul3A_0, %add3A : i32
    "tpu.region"() ({
      %run_scoped3A = tpu.sem_alloc : memref<!tpu.dma_semaphore, #tpu.memory_space<semaphore_mem>>
      %dma_start3A = arith.constant 0 : i32
      %dma_start3A_44 = tpu.memref_slice %arg10[%add3A_1, %dma_start3A] : memref<10240x128xf32, #tpu.memory_space<vmem_shared>> -> memref<128x128xf32, #tpu.memory_space<vmem_shared>>
      %dma_start3A_45 = arith.constant 0 : i32
      %dma_start3A_46 = tpu.memref_slice %arg10[%add3A_1, %dma_start3A_45] : memref<10240x128xf32, #tpu.memory_space<vmem_shared>> -> memref<128x128xf32, #tpu.memory_space<vmem_shared>>
      tpu.enqueue_dma source(%arg9 : memref<128x128xf32, #tpu.memory_space<vmem>>) target(%dma_start3A_46 : memref<128x128xf32, #tpu.memory_space<vmem_shared>>) target_semaphore(%run_scoped3A : memref<!tpu.dma_semaphore, #tpu.memory_space<semaphore_mem>>)
      %dma_wait3A = arith.constant 0 : i32
      %dma_wait3A_47 = tpu.memref_slice %arg10[%add3A_1, %dma_wait3A] : memref<10240x128xf32, #tpu.memory_space<vmem_shared>> -> memref<128x128xf32, #tpu.memory_space<vmem_shared>>
      %dma_wait3A_48 = arith.constant 0 : i32
      %dma_wait3A_49 = tpu.memref_slice %arg10[%add3A_1, %dma_wait3A_48] : memref<10240x128xf32, #tpu.memory_space<vmem_shared>> -> memref<128x128xf32, #tpu.memory_space<vmem_shared>>
      tpu.wait_dma2 semaphore(%run_scoped3A : memref<!tpu.dma_semaphore, #tpu.memory_space<semaphore_mem>>) src(%arg9 : memref<128x128xf32, #tpu.memory_space<vmem>>) dst(%dma_wait3A_49 : memref<128x128xf32, #tpu.memory_space<vmem_shared>>)
      tpu.yield
    }) : () -> ()
    %add3A_2 = arith.constant 128 : i32
    %add3A_3 = arith.addi %mul3A_0, %add3A_2 : i32
    "tpu.region"() ({
      %run_scoped3A = tpu.sem_alloc : memref<!tpu.dma_semaphore, #tpu.memory_space<semaphore_mem>>
      %dma_start3A = arith.constant 0 : i32
      %dma_start3A_44 = tpu.memref_slice %arg10[%add3A_3, %dma_start3A] : memref<10240x128xf32, #tpu.memory_space<vmem_shared>> -> memref<128x128xf32, #tpu.memory_space<vmem_shared>>
      %dma_start3A_45 = arith.constant 0 : i32
      %dma_start3A_46 = tpu.memref_slice %arg10[%add3A_3, %dma_start3A_45] : memref<10240x128xf32, #tpu.memory_space<vmem_shared>> -> memref<128x128xf32, #tpu.memory_space<vmem_shared>>
      tpu.enqueue_dma source(%arg9 : memref<128x128xf32, #tpu.memory_space<vmem>>) target(%dma_start3A_46 : memref<128x128xf32, #tpu.memory_space<vmem_shared>>) target_semaphore(%run_scoped3A : memref<!tpu.dma_semaphore, #tpu.memory_space<semaphore_mem>>)
      %dma_wait3A = arith.constant 0 : i32
      %dma_wait3A_47 = tpu.memref_slice %arg10[%add3A_3, %dma_wait3A] : memref<10240x128xf32, #tpu.memory_space<vmem_shared>> -> memref<128x128xf32, #tpu.memory_space<vmem_shared>>
      %dma_wait3A_48 = arith.constant 0 : i32
      %dma_wait3A_49 = tpu.memref_slice %arg10[%add3A_3, %dma_wait3A_48] : memref<10240x128xf32, #tpu.memory_space<vmem_shared>> -> memref<128x128xf32, #tpu.memory_space<vmem_shared>>
      tpu.wait_dma2 semaphore(%run_scoped3A : memref<!tpu.dma_semaphore, #tpu.memory_space<semaphore_mem>>) src(%arg9 : memref<128x128xf32, #tpu.memory_space<vmem>>) dst(%dma_wait3A_49 : memref<128x128xf32, #tpu.memory_space<vmem_shared>>)
      tpu.yield
    }) : () -> ()
    %add3A_4 = arith.constant 256 : i32
    %add3A_5 = arith.addi %mul3A_0, %add3A_4 : i32
    "tpu.region"() ({
      %run_scoped3A = tpu.sem_alloc : memref<!tpu.dma_semaphore, #tpu.memory_space<semaphore_mem>>
      %dma_start3A = arith.constant 0 : i32
      %dma_start3A_44 = tpu.memref_slice %arg10[%add3A_5, %dma_start3A] : memref<10240x128xf32, #tpu.memory_space<vmem_shared>> -> memref<128x128xf32, #tpu.memory_space<vmem_shared>>
      %dma_start3A_45 = arith.constant 0 : i32
      %dma_start3A_46 = tpu.memref_slice %arg10[%add3A_5, %dma_start3A_45] : memref<10240x128xf32, #tpu.memory_space<vmem_shared>> -> memref<128x128xf32, #tpu.memory_space<vmem_shared>>
      tpu.enqueue_dma source(%arg9 : memref<128x128xf32, #tpu.memory_space<vmem>>) target(%dma_start3A_46 : memref<128x128xf32, #tpu.memory_space<vmem_shared>>) target_semaphore(%run_scoped3A : memref<!tpu.dma_semaphore, #tpu.memory_space<semaphore_mem>>)
      %dma_wait3A = arith.constant 0 : i32
      %dma_wait3A_47 = tpu.memref_slice %arg10[%add3A_5, %dma_wait3A] : memref<10240x128xf32, #tpu.memory_space<vmem_shared>> -> memref<128x128xf32, #tpu.memory_space<vmem_shared>>
      %dma_wait3A_48 = arith.constant 0 : i32
      %dma_wait3A_49 = tpu.memref_slice %arg10[%add3A_5, %dma_wait3A_48] : memref<10240x128xf32, #tpu.memory_space<vmem_shared>> -> memref<128x128xf32, #tpu.memory_space<vmem_shared>>
      tpu.wait_dma2 semaphore(%run_scoped3A : memref<!tpu.dma_semaphore, #tpu.memory_space<semaphore_mem>>) src(%arg9 : memref<128x128xf32, #tpu.memory_space<vmem>>) dst(%dma_wait3A_49 : memref<128x128xf32, #tpu.memory_space<vmem_shared>>)
      tpu.yield
    }) : () -> ()
    %add3A_6 = arith.constant 384 : i32
    %add3A_7 = arith.addi %mul3A_0, %add3A_6 : i32
    "tpu.region"() ({
      %run_scoped3A = tpu.sem_alloc : memref<!tpu.dma_semaphore, #tpu.memory_space<semaphore_mem>>
      %dma_start3A = arith.constant 0 : i32
      %dma_start3A_44 = tpu.memref_slice %arg10[%add3A_7, %dma_start3A] : memref<10240x128xf32, #tpu.memory_space<vmem_shared>> -> memref<128x128xf32, #tpu.memory_space<vmem_shared>>
      %dma_start3A_45 = arith.constant 0 : i32
      %dma_start3A_46 = tpu.memref_slice %arg10[%add3A_7, %dma_start3A_45] : memref<10240x128xf32, #tpu.memory_space<vmem_shared>> -> memref<128x128xf32, #tpu.memory_space<vmem_shared>>
      tpu.enqueue_dma source(%arg9 : memref<128x128xf32, #tpu.memory_space<vmem>>) target(%dma_start3A_46 : memref<128x128xf32, #tpu.memory_space<vmem_shared>>) target_semaphore(%run_scoped3A : memref<!tpu.dma_semaphore, #tpu.memory_space<semaphore_mem>>)
      %dma_wait3A = arith.constant 0 : i32
      %dma_wait3A_47 = tpu.memref_slice %arg10[%add3A_7, %dma_wait3A] : memref<10240x128xf32, #tpu.memory_space<vmem_shared>> -> memref<128x128xf32, #tpu.memory_space<vmem_shared>>
      %dma_wait3A_48 = arith.constant 0 : i32
      %dma_wait3A_49 = tpu.memref_slice %arg10[%add3A_7, %dma_wait3A_48] : memref<10240x128xf32, #tpu.memory_space<vmem_shared>> -> memref<128x128xf32, #tpu.memory_space<vmem_shared>>
      tpu.wait_dma2 semaphore(%run_scoped3A : memref<!tpu.dma_semaphore, #tpu.memory_space<semaphore_mem>>) src(%arg9 : memref<128x128xf32, #tpu.memory_space<vmem>>) dst(%dma_wait3A_49 : memref<128x128xf32, #tpu.memory_space<vmem_shared>>)
      tpu.yield
    }) : () -> ()
    %add3A_8 = arith.constant 512 : i32
    %add3A_9 = arith.addi %mul3A_0, %add3A_8 : i32
    "tpu.region"() ({
      %run_scoped3A = tpu.sem_alloc : memref<!tpu.dma_semaphore, #tpu.memory_space<semaphore_mem>>
      %dma_start3A = arith.constant 0 : i32
      %dma_start3A_44 = tpu.memref_slice %arg10[%add3A_9, %dma_start3A] : memref<10240x128xf32, #tpu.memory_space<vmem_shared>> -> memref<128x128xf32, #tpu.memory_space<vmem_shared>>
      %dma_start3A_45 = arith.constant 0 : i32
      %dma_start3A_46 = tpu.memref_slice %arg10[%add3A_9, %dma_start3A_45] : memref<10240x128xf32, #tpu.memory_space<vmem_shared>> -> memref<128x128xf32, #tpu.memory_space<vmem_shared>>
      tpu.enqueue_dma source(%arg9 : memref<128x128xf32, #tpu.memory_space<vmem>>) target(%dma_start3A_46 : memref<128x128xf32, #tpu.memory_space<vmem_shared>>) target_semaphore(%run_scoped3A : memref<!tpu.dma_semaphore, #tpu.memory_space<semaphore_mem>>)
      %dma_wait3A = arith.constant 0 : i32
      %dma_wait3A_47 = tpu.memref_slice %arg10[%add3A_9, %dma_wait3A] : memref<10240x128xf32, #tpu.memory_space<vmem_shared>> -> memref<128x128xf32, #tpu.memory_space<vmem_shared>>
      %dma_wait3A_48 = arith.constant 0 : i32
      %dma_wait3A_49 = tpu.memref_slice %arg10[%add3A_9, %dma_wait3A_48] : memref<10240x128xf32, #tpu.memory_space<vmem_shared>> -> memref<128x128xf32, #tpu.memory_space<vmem_shared>>
      tpu.wait_dma2 semaphore(%run_scoped3A : memref<!tpu.dma_semaphore, #tpu.memory_space<semaphore_mem>>) src(%arg9 : memref<128x128xf32, #tpu.memory_space<vmem>>) dst(%dma_wait3A_49 : memref<128x128xf32, #tpu.memory_space<vmem_shared>>)
      tpu.yield
    }) : () -> ()
    %barrier3A = arith.constant 0 : index
    tpu.barrier barrier_id(%barrier3A)
    %mul3A_10 = arith.constant 321536 : i32
    %mul3A_11 = arith.muli %arg0, %mul3A_10 : i32
    %mul3A_12 = arith.constant 20096 : i32
    %mul3A_13 = arith.muli %arg1, %mul3A_12 : i32
    %add3A_14 = arith.addi %mul3A_11, %mul3A_13 : i32
    %scan3A = arith.constant 0 : i32
    %scan3A_15 = arith.constant 0 : i32
    %scan3A_16 = arith.constant 157 : i32
    %scan3A_17 = arith.addi %scan3A_15, %scan3A_16 : i32
    %scan3A_18 = arith.constant 1 : i32
    scf.for %scan3A_44 = %scan3A_15 to %scan3A_17 step %scan3A_18  : i32 {
      %mul3A_45 = arith.constant 128 : i32
      %mul3A_46 = arith.muli %scan3A_44, %mul3A_45 : i32
      %add3A_47 = arith.addi %add3A_14, %mul3A_46 : i32
      "tpu.region"() ({
        %run_scoped3A = tpu.sem_alloc : memref<!tpu.dma_semaphore, #tpu.memory_space<semaphore_mem>>
        %dma_start3A_52 = tpu.memref_slice %arg3[%add3A_47] : memref<643072xi32, #tpu.memory_space<hbm>> -> memref<128xi32, #tpu.memory_space<hbm>>
        %dma_start3A_53 = tpu.memref_slice %arg3[%add3A_47] : memref<643072xi32, #tpu.memory_space<hbm>> -> memref<128xi32, #tpu.memory_space<hbm>>
        tpu.enqueue_dma source(%dma_start3A_53 : memref<128xi32, #tpu.memory_space<hbm>>) target(%arg7 : memref<128xi32, #tpu.memory_space<vmem>>) target_semaphore(%run_scoped3A : memref<!tpu.dma_semaphore, #tpu.memory_space<semaphore_mem>>)
        %dma_wait3A_54 = tpu.memref_slice %arg3[%add3A_47] : memref<643072xi32, #tpu.memory_space<hbm>> -> memref<128xi32, #tpu.memory_space<hbm>>
        %dma_wait3A_55 = tpu.memref_slice %arg3[%add3A_47] : memref<643072xi32, #tpu.memory_space<hbm>> -> memref<128xi32, #tpu.memory_space<hbm>>
        tpu.wait_dma2 semaphore(%run_scoped3A : memref<!tpu.dma_semaphore, #tpu.memory_space<semaphore_mem>>) src(%dma_wait3A_55 : memref<128xi32, #tpu.memory_space<hbm>>) dst(%arg7 : memref<128xi32, #tpu.memory_space<vmem>>)
        tpu.yield
      }) : () -> ()
      "tpu.region"() ({
        %run_scoped3A = tpu.sem_alloc : memref<!tpu.dma_semaphore, #tpu.memory_space<semaphore_mem>>
        %dma_start3A_52 = tpu.memref_slice %arg4[%add3A_47] : memref<643072xi32, #tpu.memory_space<hbm>> -> memref<128xi32, #tpu.memory_space<hbm>>
        %dma_start3A_53 = tpu.memref_slice %arg4[%add3A_47] : memref<643072xi32, #tpu.memory_space<hbm>> -> memref<128xi32, #tpu.memory_space<hbm>>
        tpu.enqueue_dma source(%dma_start3A_53 : memref<128xi32, #tpu.memory_space<hbm>>) target(%arg8 : memref<128xi32, #tpu.memory_space<vmem>>) target_semaphore(%run_scoped3A : memref<!tpu.dma_semaphore, #tpu.memory_space<semaphore_mem>>)
        %dma_wait3A_54 = tpu.memref_slice %arg4[%add3A_47] : memref<643072xi32, #tpu.memory_space<hbm>> -> memref<128xi32, #tpu.memory_space<hbm>>
        %dma_wait3A_55 = tpu.memref_slice %arg4[%add3A_47] : memref<643072xi32, #tpu.memory_space<hbm>> -> memref<128xi32, #tpu.memory_space<hbm>>
        tpu.wait_dma2 semaphore(%run_scoped3A : memref<!tpu.dma_semaphore, #tpu.memory_space<semaphore_mem>>) src(%dma_wait3A_55 : memref<128xi32, #tpu.memory_space<hbm>>) dst(%arg8 : memref<128xi32, #tpu.memory_space<vmem>>)
        tpu.yield
      }) : () -> ()
      %dma_start3A = arith.constant 0 : i32
      %dma_start3A_48 = arith.constant 0 : i32
      %dma_start3A_49 = tpu.memref_slice %arg2[%dma_start3A, %dma_start3A_48] : memref<10000x128xf32, #tpu.memory_space<hbm>> -> memref<10000x128xf32, #tpu.memory_space<hbm>>
      tpu.enqueue_indirect_dma source(%dma_start3A_49 : memref<10000x128xf32, #tpu.memory_space<hbm>>) target(%arg9 : memref<128x128xf32, #tpu.memory_space<vmem>>) offsets(%arg7 : memref<128xi32, #tpu.memory_space<vmem>>) semaphore(%arg11 : memref<!tpu.dma_semaphore, #tpu.memory_space<semaphore_mem>>)
      %dma_wait3A = arith.constant 0 : i32
      %dma_wait3A_50 = arith.constant 0 : i32
      %dma_wait3A_51 = tpu.memref_slice %arg2[%dma_wait3A, %dma_wait3A_50] : memref<10000x128xf32, #tpu.memory_space<hbm>> -> memref<10000x128xf32, #tpu.memory_space<hbm>>
      tpu.wait_indirect_dma semaphore(%arg11 : memref<!tpu.dma_semaphore, #tpu.memory_space<semaphore_mem>>) src(%dma_wait3A_51 : memref<10000x128xf32, #tpu.memory_space<hbm>>) dst(%arg9 : memref<128x128xf32, #tpu.memory_space<vmem>>)
      "tpu.region"() ({
        %run_scoped3A = tpu.sem_alloc : memref<!tpu.dma_semaphore, #tpu.memory_space<semaphore_mem>>
        %dma_start3A_52 = arith.constant 0 : i32
        %dma_start3A_53 = arith.constant 0 : i32
        %dma_start3A_54 = tpu.memref_slice %arg10[%dma_start3A_52, %dma_start3A_53] : memref<10240x128xf32, #tpu.memory_space<vmem_shared>> -> memref<10240x128xf32, #tpu.memory_space<vmem_shared>>
        tpu.enqueue_indirect_dma source(%arg9 : memref<128x128xf32, #tpu.memory_space<vmem>>) target(%dma_start3A_54 : memref<10240x128xf32, #tpu.memory_space<vmem_shared>>) offsets(%arg8 : memref<128xi32, #tpu.memory_space<vmem>>) semaphore(%run_scoped3A : memref<!tpu.dma_semaphore, #tpu.memory_space<semaphore_mem>>) {add = true}
        %dma_wait3A_55 = arith.constant 0 : i32
        %dma_wait3A_56 = arith.constant 0 : i32
        %dma_wait3A_57 = tpu.memref_slice %arg10[%dma_wait3A_55, %dma_wait3A_56] : memref<10240x128xf32, #tpu.memory_space<vmem_shared>> -> memref<10240x128xf32, #tpu.memory_space<vmem_shared>>
        tpu.wait_indirect_dma semaphore(%run_scoped3A : memref<!tpu.dma_semaphore, #tpu.memory_space<semaphore_mem>>) src(%arg9 : memref<128x128xf32, #tpu.memory_space<vmem>>) dst(%dma_wait3A_57 : memref<10240x128xf32, #tpu.memory_space<vmem_shared>>)
        tpu.yield
      }) : () -> ()
    }
    %scan3A_19 = arith.constant 157 : i32
    %barrier3A_20 = arith.constant 0 : index
    tpu.barrier barrier_id(%barrier3A_20)
    %mul3A_21 = arith.constant 10240 : i32
    %mul3A_22 = arith.muli %arg0, %mul3A_21 : i32
    %add3A_23 = arith.addi %mul3A_22, %mul3A_0 : i32
    %add3A_24 = arith.constant 0 : i32
    %add3A_25 = arith.addi %mul3A_0, %add3A_24 : i32
    "tpu.region"() ({
      %run_scoped3A = tpu.sem_alloc : memref<!tpu.dma_semaphore, #tpu.memory_space<semaphore_mem>>
      %dma_start3A = arith.constant 0 : i32
      %dma_start3A_44 = tpu.memref_slice %arg10[%add3A_25, %dma_start3A] : memref<10240x128xf32, #tpu.memory_space<vmem_shared>> -> memref<128x128xf32, #tpu.memory_space<vmem_shared>>
      %dma_start3A_45 = arith.constant 0 : i32
      %dma_start3A_46 = tpu.memref_slice %arg10[%add3A_25, %dma_start3A_45] : memref<10240x128xf32, #tpu.memory_space<vmem_shared>> -> memref<128x128xf32, #tpu.memory_space<vmem_shared>>
      tpu.enqueue_dma source(%dma_start3A_46 : memref<128x128xf32, #tpu.memory_space<vmem_shared>>) target(%arg9 : memref<128x128xf32, #tpu.memory_space<vmem>>) target_semaphore(%run_scoped3A : memref<!tpu.dma_semaphore, #tpu.memory_space<semaphore_mem>>)
      %dma_wait3A = arith.constant 0 : i32
      %dma_wait3A_47 = tpu.memref_slice %arg10[%add3A_25, %dma_wait3A] : memref<10240x128xf32, #tpu.memory_space<vmem_shared>> -> memref<128x128xf32, #tpu.memory_space<vmem_shared>>
      %dma_wait3A_48 = arith.constant 0 : i32
      %dma_wait3A_49 = tpu.memref_slice %arg10[%add3A_25, %dma_wait3A_48] : memref<10240x128xf32, #tpu.memory_space<vmem_shared>> -> memref<128x128xf32, #tpu.memory_space<vmem_shared>>
      tpu.wait_dma2 semaphore(%run_scoped3A : memref<!tpu.dma_semaphore, #tpu.memory_space<semaphore_mem>>) src(%dma_wait3A_49 : memref<128x128xf32, #tpu.memory_space<vmem_shared>>) dst(%arg9 : memref<128x128xf32, #tpu.memory_space<vmem>>)
      tpu.yield
    }) : () -> ()
    %add3A_26 = arith.constant 0 : i32
    %add3A_27 = arith.addi %add3A_23, %add3A_26 : i32
    "tpu.region"() ({
      %run_scoped3A = tpu.sem_alloc : memref<!tpu.dma_semaphore, #tpu.memory_space<semaphore_mem>>
      %dma_start3A = arith.constant 0 : i32
      %dma_start3A_44 = tpu.memref_slice %arg6[%add3A_27, %dma_start3A] : memref<20480x128xf32, #tpu.memory_space<hbm>> -> memref<128x128xf32, #tpu.memory_space<hbm>>
      %dma_start3A_45 = arith.constant 0 : i32
      %dma_start3A_46 = tpu.memref_slice %arg6[%add3A_27, %dma_start3A_45] : memref<20480x128xf32, #tpu.memory_space<hbm>> -> memref<128x128xf32, #tpu.memory_space<hbm>>
      tpu.enqueue_dma source(%arg9 : memref<128x128xf32, #tpu.memory_space<vmem>>) target(%dma_start3A_46 : memref<128x128xf32, #tpu.memory_space<hbm>>) target_semaphore(%run_scoped3A : memref<!tpu.dma_semaphore, #tpu.memory_space<semaphore_mem>>)
      %dma_wait3A = arith.constant 0 : i32
      %dma_wait3A_47 = tpu.memref_slice %arg6[%add3A_27, %dma_wait3A] : memref<20480x128xf32, #tpu.memory_space<hbm>> -> memref<128x128xf32, #tpu.memory_space<hbm>>
      %dma_wait3A_48 = arith.constant 0 : i32
      %dma_wait3A_49 = tpu.memref_slice %arg6[%add3A_27, %dma_wait3A_48] : memref<20480x128xf32, #tpu.memory_space<hbm>> -> memref<128x128xf32, #tpu.memory_space<hbm>>
      tpu.wait_dma2 semaphore(%run_scoped3A : memref<!tpu.dma_semaphore, #tpu.memory_space<semaphore_mem>>) src(%arg9 : memref<128x128xf32, #tpu.memory_space<vmem>>) dst(%dma_wait3A_49 : memref<128x128xf32, #tpu.memory_space<hbm>>)
      tpu.yield
    }) : () -> ()
    %add3A_28 = arith.constant 128 : i32
    %add3A_29 = arith.addi %mul3A_0, %add3A_28 : i32
    "tpu.region"() ({
      %run_scoped3A = tpu.sem_alloc : memref<!tpu.dma_semaphore, #tpu.memory_space<semaphore_mem>>
      %dma_start3A = arith.constant 0 : i32
      %dma_start3A_44 = tpu.memref_slice %arg10[%add3A_29, %dma_start3A] : memref<10240x128xf32, #tpu.memory_space<vmem_shared>> -> memref<128x128xf32, #tpu.memory_space<vmem_shared>>
      %dma_start3A_45 = arith.constant 0 : i32
      %dma_start3A_46 = tpu.memref_slice %arg10[%add3A_29, %dma_start3A_45] : memref<10240x128xf32, #tpu.memory_space<vmem_shared>> -> memref<128x128xf32, #tpu.memory_space<vmem_shared>>
      tpu.enqueue_dma source(%dma_start3A_46 : memref<128x128xf32, #tpu.memory_space<vmem_shared>>) target(%arg9 : memref<128x128xf32, #tpu.memory_space<vmem>>) target_semaphore(%run_scoped3A : memref<!tpu.dma_semaphore, #tpu.memory_space<semaphore_mem>>)
      %dma_wait3A = arith.constant 0 : i32
      %dma_wait3A_47 = tpu.memref_slice %arg10[%add3A_29, %dma_wait3A] : memref<10240x128xf32, #tpu.memory_space<vmem_shared>> -> memref<128x128xf32, #tpu.memory_space<vmem_shared>>
      %dma_wait3A_48 = arith.constant 0 : i32
      %dma_wait3A_49 = tpu.memref_slice %arg10[%add3A_29, %dma_wait3A_48] : memref<10240x128xf32, #tpu.memory_space<vmem_shared>> -> memref<128x128xf32, #tpu.memory_space<vmem_shared>>
      tpu.wait_dma2 semaphore(%run_scoped3A : memref<!tpu.dma_semaphore, #tpu.memory_space<semaphore_mem>>) src(%dma_wait3A_49 : memref<128x128xf32, #tpu.memory_space<vmem_shared>>) dst(%arg9 : memref<128x128xf32, #tpu.memory_space<vmem>>)
      tpu.yield
    }) : () -> ()
    %add3A_30 = arith.constant 128 : i32
    %add3A_31 = arith.addi %add3A_23, %add3A_30 : i32
    "tpu.region"() ({
      %run_scoped3A = tpu.sem_alloc : memref<!tpu.dma_semaphore, #tpu.memory_space<semaphore_mem>>
      %dma_start3A = arith.constant 0 : i32
      %dma_start3A_44 = tpu.memref_slice %arg6[%add3A_31, %dma_start3A] : memref<20480x128xf32, #tpu.memory_space<hbm>> -> memref<128x128xf32, #tpu.memory_space<hbm>>
      %dma_start3A_45 = arith.constant 0 : i32
      %dma_start3A_46 = tpu.memref_slice %arg6[%add3A_31, %dma_start3A_45] : memref<20480x128xf32, #tpu.memory_space<hbm>> -> memref<128x128xf32, #tpu.memory_space<hbm>>
      tpu.enqueue_dma source(%arg9 : memref<128x128xf32, #tpu.memory_space<vmem>>) target(%dma_start3A_46 : memref<128x128xf32, #tpu.memory_space<hbm>>) target_semaphore(%run_scoped3A : memref<!tpu.dma_semaphore, #tpu.memory_space<semaphore_mem>>)
      %dma_wait3A = arith.constant 0 : i32
      %dma_wait3A_47 = tpu.memref_slice %arg6[%add3A_31, %dma_wait3A] : memref<20480x128xf32, #tpu.memory_space<hbm>> -> memref<128x128xf32, #tpu.memory_space<hbm>>
      %dma_wait3A_48 = arith.constant 0 : i32
      %dma_wait3A_49 = tpu.memref_slice %arg6[%add3A_31, %dma_wait3A_48] : memref<20480x128xf32, #tpu.memory_space<hbm>> -> memref<128x128xf32, #tpu.memory_space<hbm>>
      tpu.wait_dma2 semaphore(%run_scoped3A : memref<!tpu.dma_semaphore, #tpu.memory_space<semaphore_mem>>) src(%arg9 : memref<128x128xf32, #tpu.memory_space<vmem>>) dst(%dma_wait3A_49 : memref<128x128xf32, #tpu.memory_space<hbm>>)
      tpu.yield
    }) : () -> ()
    %add3A_32 = arith.constant 256 : i32
    %add3A_33 = arith.addi %mul3A_0, %add3A_32 : i32
    "tpu.region"() ({
      %run_scoped3A = tpu.sem_alloc : memref<!tpu.dma_semaphore, #tpu.memory_space<semaphore_mem>>
      %dma_start3A = arith.constant 0 : i32
      %dma_start3A_44 = tpu.memref_slice %arg10[%add3A_33, %dma_start3A] : memref<10240x128xf32, #tpu.memory_space<vmem_shared>> -> memref<128x128xf32, #tpu.memory_space<vmem_shared>>
      %dma_start3A_45 = arith.constant 0 : i32
      %dma_start3A_46 = tpu.memref_slice %arg10[%add3A_33, %dma_start3A_45] : memref<10240x128xf32, #tpu.memory_space<vmem_shared>> -> memref<128x128xf32, #tpu.memory_space<vmem_shared>>
      tpu.enqueue_dma source(%dma_start3A_46 : memref<128x128xf32, #tpu.memory_space<vmem_shared>>) target(%arg9 : memref<128x128xf32, #tpu.memory_space<vmem>>) target_semaphore(%run_scoped3A : memref<!tpu.dma_semaphore, #tpu.memory_space<semaphore_mem>>)
      %dma_wait3A = arith.constant 0 : i32
      %dma_wait3A_47 = tpu.memref_slice %arg10[%add3A_33, %dma_wait3A] : memref<10240x128xf32, #tpu.memory_space<vmem_shared>> -> memref<128x128xf32, #tpu.memory_space<vmem_shared>>
      %dma_wait3A_48 = arith.constant 0 : i32
      %dma_wait3A_49 = tpu.memref_slice %arg10[%add3A_33, %dma_wait3A_48] : memref<10240x128xf32, #tpu.memory_space<vmem_shared>> -> memref<128x128xf32, #tpu.memory_space<vmem_shared>>
      tpu.wait_dma2 semaphore(%run_scoped3A : memref<!tpu.dma_semaphore, #tpu.memory_space<semaphore_mem>>) src(%dma_wait3A_49 : memref<128x128xf32, #tpu.memory_space<vmem_shared>>) dst(%arg9 : memref<128x128xf32, #tpu.memory_space<vmem>>)
      tpu.yield
    }) : () -> ()
    %add3A_34 = arith.constant 256 : i32
    %add3A_35 = arith.addi %add3A_23, %add3A_34 : i32
    "tpu.region"() ({
      %run_scoped3A = tpu.sem_alloc : memref<!tpu.dma_semaphore, #tpu.memory_space<semaphore_mem>>
      %dma_start3A = arith.constant 0 : i32
      %dma_start3A_44 = tpu.memref_slice %arg6[%add3A_35, %dma_start3A] : memref<20480x128xf32, #tpu.memory_space<hbm>> -> memref<128x128xf32, #tpu.memory_space<hbm>>
      %dma_start3A_45 = arith.constant 0 : i32
      %dma_start3A_46 = tpu.memref_slice %arg6[%add3A_35, %dma_start3A_45] : memref<20480x128xf32, #tpu.memory_space<hbm>> -> memref<128x128xf32, #tpu.memory_space<hbm>>
      tpu.enqueue_dma source(%arg9 : memref<128x128xf32, #tpu.memory_space<vmem>>) target(%dma_start3A_46 : memref<128x128xf32, #tpu.memory_space<hbm>>) target_semaphore(%run_scoped3A : memref<!tpu.dma_semaphore, #tpu.memory_space<semaphore_mem>>)
      %dma_wait3A = arith.constant 0 : i32
      %dma_wait3A_47 = tpu.memref_slice %arg6[%add3A_35, %dma_wait3A] : memref<20480x128xf32, #tpu.memory_space<hbm>> -> memref<128x128xf32, #tpu.memory_space<hbm>>
      %dma_wait3A_48 = arith.constant 0 : i32
      %dma_wait3A_49 = tpu.memref_slice %arg6[%add3A_35, %dma_wait3A_48] : memref<20480x128xf32, #tpu.memory_space<hbm>> -> memref<128x128xf32, #tpu.memory_space<hbm>>
      tpu.wait_dma2 semaphore(%run_scoped3A : memref<!tpu.dma_semaphore, #tpu.memory_space<semaphore_mem>>) src(%arg9 : memref<128x128xf32, #tpu.memory_space<vmem>>) dst(%dma_wait3A_49 : memref<128x128xf32, #tpu.memory_space<hbm>>)
      tpu.yield
    }) : () -> ()
    %add3A_36 = arith.constant 384 : i32
    %add3A_37 = arith.addi %mul3A_0, %add3A_36 : i32
    "tpu.region"() ({
      %run_scoped3A = tpu.sem_alloc : memref<!tpu.dma_semaphore, #tpu.memory_space<semaphore_mem>>
      %dma_start3A = arith.constant 0 : i32
      %dma_start3A_44 = tpu.memref_slice %arg10[%add3A_37, %dma_start3A] : memref<10240x128xf32, #tpu.memory_space<vmem_shared>> -> memref<128x128xf32, #tpu.memory_space<vmem_shared>>
      %dma_start3A_45 = arith.constant 0 : i32
      %dma_start3A_46 = tpu.memref_slice %arg10[%add3A_37, %dma_start3A_45] : memref<10240x128xf32, #tpu.memory_space<vmem_shared>> -> memref<128x128xf32, #tpu.memory_space<vmem_shared>>
      tpu.enqueue_dma source(%dma_start3A_46 : memref<128x128xf32, #tpu.memory_space<vmem_shared>>) target(%arg9 : memref<128x128xf32, #tpu.memory_space<vmem>>) target_semaphore(%run_scoped3A : memref<!tpu.dma_semaphore, #tpu.memory_space<semaphore_mem>>)
      %dma_wait3A = arith.constant 0 : i32
      %dma_wait3A_47 = tpu.memref_slice %arg10[%add3A_37, %dma_wait3A] : memref<10240x128xf32, #tpu.memory_space<vmem_shared>> -> memref<128x128xf32, #tpu.memory_space<vmem_shared>>
      %dma_wait3A_48 = arith.constant 0 : i32
      %dma_wait3A_49 = tpu.memref_slice %arg10[%add3A_37, %dma_wait3A_48] : memref<10240x128xf32, #tpu.memory_space<vmem_shared>> -> memref<128x128xf32, #tpu.memory_space<vmem_shared>>
      tpu.wait_dma2 semaphore(%run_scoped3A : memref<!tpu.dma_semaphore, #tpu.memory_space<semaphore_mem>>) src(%dma_wait3A_49 : memref<128x128xf32, #tpu.memory_space<vmem_shared>>) dst(%arg9 : memref<128x128xf32, #tpu.memory_space<vmem>>)
      tpu.yield
    }) : () -> ()
    %add3A_38 = arith.constant 384 : i32
    %add3A_39 = arith.addi %add3A_23, %add3A_38 : i32
    "tpu.region"() ({
      %run_scoped3A = tpu.sem_alloc : memref<!tpu.dma_semaphore, #tpu.memory_space<semaphore_mem>>
      %dma_start3A = arith.constant 0 : i32
      %dma_start3A_44 = tpu.memref_slice %arg6[%add3A_39, %dma_start3A] : memref<20480x128xf32, #tpu.memory_space<hbm>> -> memref<128x128xf32, #tpu.memory_space<hbm>>
      %dma_start3A_45 = arith.constant 0 : i32
      %dma_start3A_46 = tpu.memref_slice %arg6[%add3A_39, %dma_start3A_45] : memref<20480x128xf32, #tpu.memory_space<hbm>> -> memref<128x128xf32, #tpu.memory_space<hbm>>
      tpu.enqueue_dma source(%arg9 : memref<128x128xf32, #tpu.memory_space<vmem>>) target(%dma_start3A_46 : memref<128x128xf32, #tpu.memory_space<hbm>>) target_semaphore(%run_scoped3A : memref<!tpu.dma_semaphore, #tpu.memory_space<semaphore_mem>>)
      %dma_wait3A = arith.constant 0 : i32
      %dma_wait3A_47 = tpu.memref_slice %arg6[%add3A_39, %dma_wait3A] : memref<20480x128xf32, #tpu.memory_space<hbm>> -> memref<128x128xf32, #tpu.memory_space<hbm>>
      %dma_wait3A_48 = arith.constant 0 : i32
      %dma_wait3A_49 = tpu.memref_slice %arg6[%add3A_39, %dma_wait3A_48] : memref<20480x128xf32, #tpu.memory_space<hbm>> -> memref<128x128xf32, #tpu.memory_space<hbm>>
      tpu.wait_dma2 semaphore(%run_scoped3A : memref<!tpu.dma_semaphore, #tpu.memory_space<semaphore_mem>>) src(%arg9 : memref<128x128xf32, #tpu.memory_space<vmem>>) dst(%dma_wait3A_49 : memref<128x128xf32, #tpu.memory_space<hbm>>)
      tpu.yield
    }) : () -> ()
    %add3A_40 = arith.constant 512 : i32
    %add3A_41 = arith.addi %mul3A_0, %add3A_40 : i32
    "tpu.region"() ({
      %run_scoped3A = tpu.sem_alloc : memref<!tpu.dma_semaphore, #tpu.memory_space<semaphore_mem>>
      %dma_start3A = arith.constant 0 : i32
      %dma_start3A_44 = tpu.memref_slice %arg10[%add3A_41, %dma_start3A] : memref<10240x128xf32, #tpu.memory_space<vmem_shared>> -> memref<128x128xf32, #tpu.memory_space<vmem_shared>>
      %dma_start3A_45 = arith.constant 0 : i32
      %dma_start3A_46 = tpu.memref_slice %arg10[%add3A_41, %dma_start3A_45] : memref<10240x128xf32, #tpu.memory_space<vmem_shared>> -> memref<128x128xf32, #tpu.memory_space<vmem_shared>>
      tpu.enqueue_dma source(%dma_start3A_46 : memref<128x128xf32, #tpu.memory_space<vmem_shared>>) target(%arg9 : memref<128x128xf32, #tpu.memory_space<vmem>>) target_semaphore(%run_scoped3A : memref<!tpu.dma_semaphore, #tpu.memory_space<semaphore_mem>>)
      %dma_wait3A = arith.constant 0 : i32
      %dma_wait3A_47 = tpu.memref_slice %arg10[%add3A_41, %dma_wait3A] : memref<10240x128xf32, #tpu.memory_space<vmem_shared>> -> memref<128x128xf32, #tpu.memory_space<vmem_shared>>
      %dma_wait3A_48 = arith.constant 0 : i32
      %dma_wait3A_49 = tpu.memref_slice %arg10[%add3A_41, %dma_wait3A_48] : memref<10240x128xf32, #tpu.memory_space<vmem_shared>> -> memref<128x128xf32, #tpu.memory_space<vmem_shared>>
      tpu.wait_dma2 semaphore(%run_scoped3A : memref<!tpu.dma_semaphore, #tpu.memory_space<semaphore_mem>>) src(%dma_wait3A_49 : memref<128x128xf32, #tpu.memory_space<vmem_shared>>) dst(%arg9 : memref<128x128xf32, #tpu.memory_space<vmem>>)
      tpu.yield
    }) : () -> ()
    %add3A_42 = arith.constant 512 : i32
    %add3A_43 = arith.addi %add3A_23, %add3A_42 : i32
    "tpu.region"() ({
      %run_scoped3A = tpu.sem_alloc : memref<!tpu.dma_semaphore, #tpu.memory_space<semaphore_mem>>
      %dma_start3A = arith.constant 0 : i32
      %dma_start3A_44 = tpu.memref_slice %arg6[%add3A_43, %dma_start3A] : memref<20480x128xf32, #tpu.memory_space<hbm>> -> memref<128x128xf32, #tpu.memory_space<hbm>>
      %dma_start3A_45 = arith.constant 0 : i32
      %dma_start3A_46 = tpu.memref_slice %arg6[%add3A_43, %dma_start3A_45] : memref<20480x128xf32, #tpu.memory_space<hbm>> -> memref<128x128xf32, #tpu.memory_space<hbm>>
      tpu.enqueue_dma source(%arg9 : memref<128x128xf32, #tpu.memory_space<vmem>>) target(%dma_start3A_46 : memref<128x128xf32, #tpu.memory_space<hbm>>) target_semaphore(%run_scoped3A : memref<!tpu.dma_semaphore, #tpu.memory_space<semaphore_mem>>)
      %dma_wait3A = arith.constant 0 : i32
      %dma_wait3A_47 = tpu.memref_slice %arg6[%add3A_43, %dma_wait3A] : memref<20480x128xf32, #tpu.memory_space<hbm>> -> memref<128x128xf32, #tpu.memory_space<hbm>>
      %dma_wait3A_48 = arith.constant 0 : i32
      %dma_wait3A_49 = tpu.memref_slice %arg6[%add3A_43, %dma_wait3A_48] : memref<20480x128xf32, #tpu.memory_space<hbm>> -> memref<128x128xf32, #tpu.memory_space<hbm>>
      tpu.wait_dma2 semaphore(%run_scoped3A : memref<!tpu.dma_semaphore, #tpu.memory_space<semaphore_mem>>) src(%arg9 : memref<128x128xf32, #tpu.memory_space<vmem>>) dst(%dma_wait3A_49 : memref<128x128xf32, #tpu.memory_space<hbm>>)
      tpu.yield
    }) : () -> ()
    return
  }
}

module attributes {stable_mosaic.version = 14 : i64} {
  func.func @_dense_body(%arg0: i32, %arg1: memref<80x128xf32, #tpu.memory_space<vmem>>, %arg2: memref<80x128xf32, #tpu.memory_space<vmem>>, %arg3: memref<80x128xf32, #tpu.memory_space<vmem>>, %arg4: memref<80x128xf32, #tpu.memory_space<vmem>>, %arg5: memref<80x128xf32, #tpu.memory_space<vmem>>, %arg6: memref<128x128xf32, #tpu.memory_space<vmem>>, %arg7: memref<128x128xf32, #tpu.memory_space<vmem>>, %arg8: memref<128x128xf32, #tpu.memory_space<vmem>>, %arg9: memref<1x128xf32, #tpu.memory_space<vmem>>, %arg10: memref<128x128xf32, #tpu.memory_space<vmem>>, %arg11: memref<128x128xf32, #tpu.memory_space<vmem>>, %arg12: memref<128x128xf32, #tpu.memory_space<vmem>>, %arg13: memref<1x128xf32, #tpu.memory_space<vmem>>, %arg14: memref<1x128xf32, #tpu.memory_space<vmem>>, %arg15: memref<1x128xf32, #tpu.memory_space<vmem>>, %arg16: memref<80x128xf32, #tpu.memory_space<vmem>>, %arg17: memref<80x128xf32, #tpu.memory_space<vmem>>) attributes {dimension_semantics = [#tpu.dimension_semantics<arbitrary>], iteration_bounds = array<i64: 125>, scalar_prefetch = 0 : i64, scratch_operands = 0 : i64, tpu.core_type = #tpu.core_type<tc>, window_params = [{transform_indices = @transform_0, window_bounds = array<i64: 80, 128>}, {transform_indices = @transform_1, window_bounds = array<i64: 80, 128>}, {transform_indices = @transform_2, window_bounds = array<i64: 80, 128>}, {transform_indices = @transform_3, window_bounds = array<i64: 80, 128>}, {transform_indices = @transform_4, window_bounds = array<i64: 80, 128>}, {pipeline_mode = #tpu.pipeline_mode<synchronous>, transform_indices = @transform_5, window_bounds = array<i64: 128, 128>}, {pipeline_mode = #tpu.pipeline_mode<synchronous>, transform_indices = @transform_6, window_bounds = array<i64: 128, 128>}, {pipeline_mode = #tpu.pipeline_mode<synchronous>, transform_indices = @transform_7, window_bounds = array<i64: 128, 128>}, {pipeline_mode = #tpu.pipeline_mode<synchronous>, transform_indices = @transform_8, window_bounds = array<i64: 1, 128>}, {pipeline_mode = #tpu.pipeline_mode<synchronous>, transform_indices = @transform_9, window_bounds = array<i64: 128, 128>}, {pipeline_mode = #tpu.pipeline_mode<synchronous>, transform_indices = @transform_10, window_bounds = array<i64: 128, 128>}, {pipeline_mode = #tpu.pipeline_mode<synchronous>, transform_indices = @transform_11, window_bounds = array<i64: 128, 128>}, {pipeline_mode = #tpu.pipeline_mode<synchronous>, transform_indices = @transform_12, window_bounds = array<i64: 1, 128>}, {pipeline_mode = #tpu.pipeline_mode<synchronous>, transform_indices = @transform_13, window_bounds = array<i64: 1, 128>}, {pipeline_mode = #tpu.pipeline_mode<synchronous>, transform_indices = @transform_14, window_bounds = array<i64: 1, 128>}, {transform_indices = @transform_15, window_bounds = array<i64: 80, 128>}, {transform_indices = @transform_16, window_bounds = array<i64: 80, 128>}]} {
    %get3A = arith.constant 0 : index
    %get3A_0 = arith.constant 0 : index
    %get3A_1 = vector.load %arg5[%get3A, %get3A_0] : memref<80x128xf32, #tpu.memory_space<vmem>>, vector<80x128xf32>
    %get3A_2 = arith.constant 0 : index
    %get3A_3 = arith.constant 0 : index
    %get3A_4 = vector.load %arg14[%get3A_2, %get3A_3] : memref<1x128xf32, #tpu.memory_space<vmem>>, vector<1x128xf32>
    %mul3A = arith.constant 0.999994993 : f32
    %mul3A_5 = vector.broadcast %mul3A : f32 to vector<1x128xf32>
    %mul3A_6 = arith.mulf %get3A_4, %mul3A_5 : vector<1x128xf32>
    %get3A_7 = arith.constant 0 : index
    %get3A_8 = arith.constant 0 : index
    %get3A_9 = vector.load %arg15[%get3A_7, %get3A_8] : memref<1x128xf32, #tpu.memory_space<vmem>>, vector<1x128xf32>
    %get3A_10 = arith.constant 0 : index
    %get3A_11 = arith.constant 0 : index
    %get3A_12 = vector.load %arg1[%get3A_10, %get3A_11] : memref<80x128xf32, #tpu.memory_space<vmem>>, vector<80x128xf32>
    %get3A_13 = arith.constant 0 : index
    %get3A_14 = arith.constant 0 : index
    %get3A_15 = vector.load %arg6[%get3A_13, %get3A_14] : memref<128x128xf32, #tpu.memory_space<vmem>>, vector<128x128xf32>
    %dot_general3A = arith.constant dense<0.000000e+00> : vector<80x128xf32>
    %dot_general3A_16 = tpu.matmul %get3A_12, %get3A_15, %dot_general3A {dimension_numbers = #tpu.dot_dimension_numbers<[1], [0], [0], [1], [0, 0, 1, 1], [], []>, precision = #tpu.contract_precision<fp32>, transpose_lhs_hint = false} : vector<80x128xf32>, vector<128x128xf32>, vector<80x128xf32> -> vector<80x128xf32>
    %get3A_17 = arith.constant 0 : index
    %get3A_18 = arith.constant 0 : index
    %get3A_19 = vector.load %arg2[%get3A_17, %get3A_18] : memref<80x128xf32, #tpu.memory_space<vmem>>, vector<80x128xf32>
    %get3A_20 = arith.constant 0 : index
    %get3A_21 = arith.constant 0 : index
    %get3A_22 = vector.load %arg7[%get3A_20, %get3A_21] : memref<128x128xf32, #tpu.memory_space<vmem>>, vector<128x128xf32>
    %dot_general3A_23 = arith.constant dense<0.000000e+00> : vector<80x128xf32>
    %dot_general3A_24 = tpu.matmul %get3A_19, %get3A_22, %dot_general3A_23 {dimension_numbers = #tpu.dot_dimension_numbers<[1], [0], [0], [1], [0, 0, 1, 1], [], []>, precision = #tpu.contract_precision<fp32>, transpose_lhs_hint = false} : vector<80x128xf32>, vector<128x128xf32>, vector<80x128xf32> -> vector<80x128xf32>
    %add3A = arith.addf %dot_general3A_16, %dot_general3A_24 : vector<80x128xf32>
    %get3A_25 = arith.constant 0 : index
    %get3A_26 = arith.constant 0 : index
    %get3A_27 = vector.load %arg8[%get3A_25, %get3A_26] : memref<128x128xf32, #tpu.memory_space<vmem>>, vector<128x128xf32>
    %dot_general3A_28 = arith.constant dense<0.000000e+00> : vector<80x128xf32>
    %dot_general3A_29 = tpu.matmul %get3A_1, %get3A_27, %dot_general3A_28 {dimension_numbers = #tpu.dot_dimension_numbers<[1], [0], [0], [1], [0, 0, 1, 1], [], []>, precision = #tpu.contract_precision<fp32>, transpose_lhs_hint = false} : vector<80x128xf32>, vector<128x128xf32>, vector<80x128xf32> -> vector<80x128xf32>
    %add3A_30 = arith.addf %add3A, %dot_general3A_29 : vector<80x128xf32>
    %get3A_31 = arith.constant 0 : index
    %get3A_32 = arith.constant 0 : index
    %get3A_33 = vector.load %arg9[%get3A_31, %get3A_32] : memref<1x128xf32, #tpu.memory_space<vmem>>, vector<1x128xf32>
    %add3A_34 = vector.broadcast %get3A_33 : vector<1x128xf32> to vector<80x128xf32>
    %add3A_35 = arith.addf %add3A_30, %add3A_34 : vector<80x128xf32>
    %max3A = arith.constant 0.000000e+00 : f32
    %max3A_36 = vector.broadcast %max3A : f32 to vector<80x128xf32>
    %max3A_37 = arith.maximumf %add3A_35, %max3A_36 : vector<80x128xf32>
    %mul3A_38 = vector.broadcast %mul3A_6 : vector<1x128xf32> to vector<80x128xf32>
    %mul3A_39 = arith.mulf %max3A_37, %mul3A_38 : vector<80x128xf32>
    %add3A_40 = vector.broadcast %get3A_9 : vector<1x128xf32> to vector<80x128xf32>
    %add3A_41 = arith.addf %mul3A_39, %add3A_40 : vector<80x128xf32>
    %swap3A = arith.constant 0 : index
    %swap3A_42 = arith.constant 0 : index
    %swap3A_43 = vector.load %arg16[%swap3A, %swap3A_42] : memref<80x128xf32, #tpu.memory_space<vmem>>, vector<80x128xf32>
    tpu.vector_store %arg16[%swap3A, %swap3A_42], %add3A_41 {strides = array<i32>} : memref<80x128xf32, #tpu.memory_space<vmem>>, vector<80x128xf32>,
    %get3A_44 = arith.constant 0 : index
    %get3A_45 = arith.constant 0 : index
    %get3A_46 = vector.load %arg3[%get3A_44, %get3A_45] : memref<80x128xf32, #tpu.memory_space<vmem>>, vector<80x128xf32>
    %get3A_47 = arith.constant 0 : index
    %get3A_48 = arith.constant 0 : index
    %get3A_49 = vector.load %arg10[%get3A_47, %get3A_48] : memref<128x128xf32, #tpu.memory_space<vmem>>, vector<128x128xf32>
    %dot_general3A_50 = arith.constant dense<0.000000e+00> : vector<80x128xf32>
    %dot_general3A_51 = tpu.matmul %get3A_46, %get3A_49, %dot_general3A_50 {dimension_numbers = #tpu.dot_dimension_numbers<[1], [0], [0], [1], [0, 0, 1, 1], [], []>, precision = #tpu.contract_precision<fp32>, transpose_lhs_hint = false} : vector<80x128xf32>, vector<128x128xf32>, vector<80x128xf32> -> vector<80x128xf32>
    %get3A_52 = arith.constant 0 : index
    %get3A_53 = arith.constant 0 : index
    %get3A_54 = vector.load %arg4[%get3A_52, %get3A_53] : memref<80x128xf32, #tpu.memory_space<vmem>>, vector<80x128xf32>
    %get3A_55 = arith.constant 0 : index
    %get3A_56 = arith.constant 0 : index
    %get3A_57 = vector.load %arg11[%get3A_55, %get3A_56] : memref<128x128xf32, #tpu.memory_space<vmem>>, vector<128x128xf32>
    %dot_general3A_58 = arith.constant dense<0.000000e+00> : vector<80x128xf32>
    %dot_general3A_59 = tpu.matmul %get3A_54, %get3A_57, %dot_general3A_58 {dimension_numbers = #tpu.dot_dimension_numbers<[1], [0], [0], [1], [0, 0, 1, 1], [], []>, precision = #tpu.contract_precision<fp32>, transpose_lhs_hint = false} : vector<80x128xf32>, vector<128x128xf32>, vector<80x128xf32> -> vector<80x128xf32>
    %add3A_60 = arith.addf %dot_general3A_51, %dot_general3A_59 : vector<80x128xf32>
    %get3A_61 = arith.constant 0 : index
    %get3A_62 = arith.constant 0 : index
    %get3A_63 = vector.load %arg12[%get3A_61, %get3A_62] : memref<128x128xf32, #tpu.memory_space<vmem>>, vector<128x128xf32>
    %dot_general3A_64 = arith.constant dense<0.000000e+00> : vector<80x128xf32>
    %dot_general3A_65 = tpu.matmul %get3A_1, %get3A_63, %dot_general3A_64 {dimension_numbers = #tpu.dot_dimension_numbers<[1], [0], [0], [1], [0, 0, 1, 1], [], []>, precision = #tpu.contract_precision<fp32>, transpose_lhs_hint = false} : vector<80x128xf32>, vector<128x128xf32>, vector<80x128xf32> -> vector<80x128xf32>
    %add3A_66 = arith.addf %add3A_60, %dot_general3A_65 : vector<80x128xf32>
    %get3A_67 = arith.constant 0 : index
    %get3A_68 = arith.constant 0 : index
    %get3A_69 = vector.load %arg13[%get3A_67, %get3A_68] : memref<1x128xf32, #tpu.memory_space<vmem>>, vector<1x128xf32>
    %add3A_70 = vector.broadcast %get3A_69 : vector<1x128xf32> to vector<80x128xf32>
    %add3A_71 = arith.addf %add3A_66, %add3A_70 : vector<80x128xf32>
    %max3A_72 = arith.constant 0.000000e+00 : f32
    %max3A_73 = vector.broadcast %max3A_72 : f32 to vector<80x128xf32>
    %max3A_74 = arith.maximumf %add3A_71, %max3A_73 : vector<80x128xf32>
    %mul3A_75 = vector.broadcast %mul3A_6 : vector<1x128xf32> to vector<80x128xf32>
    %mul3A_76 = arith.mulf %max3A_74, %mul3A_75 : vector<80x128xf32>
    %add3A_77 = vector.broadcast %get3A_9 : vector<1x128xf32> to vector<80x128xf32>
    %add3A_78 = arith.addf %mul3A_76, %add3A_77 : vector<80x128xf32>
    %swap3A_79 = arith.constant 0 : index
    %swap3A_80 = arith.constant 0 : index
    %swap3A_81 = vector.load %arg17[%swap3A_79, %swap3A_80] : memref<80x128xf32, #tpu.memory_space<vmem>>, vector<80x128xf32>
    tpu.vector_store %arg17[%swap3A_79, %swap3A_80], %add3A_78 {strides = array<i32>} : memref<80x128xf32, #tpu.memory_space<vmem>>, vector<80x128xf32>,
    return
  }
  func.func @transform_0(%arg0: i32) -> (i32, i32) {
    %add3A = arith.constant 0 : i32
    %add3A_0 = arith.addi %arg0, %add3A : i32
    %c0_i32 = arith.constant 0 : i32
    %c0_i32_1 = arith.constant 0 : i32
    return %add3A_0, %c0_i32 : i32, i32
  }
  func.func @transform_1(%arg0: i32) -> (i32, i32) {
    %add3A = arith.constant 0 : i32
    %add3A_0 = arith.addi %arg0, %add3A : i32
    %c0_i32 = arith.constant 0 : i32
    %c0_i32_1 = arith.constant 0 : i32
    return %add3A_0, %c0_i32 : i32, i32
  }
  func.func @transform_2(%arg0: i32) -> (i32, i32) {
    %add3A = arith.constant 128 : i32
    %add3A_0 = arith.addi %arg0, %add3A : i32
    %c0_i32 = arith.constant 0 : i32
    %c0_i32_1 = arith.constant 0 : i32
    return %add3A_0, %c0_i32 : i32, i32
  }
  func.func @transform_3(%arg0: i32) -> (i32, i32) {
    %add3A = arith.constant 128 : i32
    %add3A_0 = arith.addi %arg0, %add3A : i32
    %c0_i32 = arith.constant 0 : i32
    %c0_i32_1 = arith.constant 0 : i32
    return %add3A_0, %c0_i32 : i32, i32
  }
  func.func @transform_4(%arg0: i32) -> (i32, i32) {
    %add3A = arith.constant 0 : i32
    %add3A_0 = arith.addi %arg0, %add3A : i32
    %c0_i32 = arith.constant 0 : i32
    %c0_i32_1 = arith.constant 0 : i32
    return %add3A_0, %c0_i32 : i32, i32
  }
  func.func @transform_5(%arg0: i32) -> (i32, i32) {
    %c0_i32 = arith.constant 0 : i32
    %c0_i32_0 = arith.constant 0 : i32
    %c0_i32_1 = arith.constant 0 : i32
    return %c0_i32, %c0_i32_0 : i32, i32
  }
  func.func @transform_6(%arg0: i32) -> (i32, i32) {
    %c0_i32 = arith.constant 0 : i32
    %c0_i32_0 = arith.constant 0 : i32
    %c0_i32_1 = arith.constant 0 : i32
    return %c0_i32, %c0_i32_0 : i32, i32
  }
  func.func @transform_7(%arg0: i32) -> (i32, i32) {
    %c0_i32 = arith.constant 0 : i32
    %c0_i32_0 = arith.constant 0 : i32
    %c0_i32_1 = arith.constant 0 : i32
    return %c0_i32, %c0_i32_0 : i32, i32
  }
  func.func @transform_8(%arg0: i32) -> (i32, i32) {
    %c0_i32 = arith.constant 0 : i32
    %c0_i32_0 = arith.constant 0 : i32
    %c0_i32_1 = arith.constant 0 : i32
    return %c0_i32, %c0_i32_0 : i32, i32
  }
  func.func @transform_9(%arg0: i32) -> (i32, i32) {
    %c0_i32 = arith.constant 0 : i32
    %c0_i32_0 = arith.constant 0 : i32
    %c0_i32_1 = arith.constant 0 : i32
    return %c0_i32, %c0_i32_0 : i32, i32
  }
  func.func @transform_10(%arg0: i32) -> (i32, i32) {
    %c0_i32 = arith.constant 0 : i32
    %c0_i32_0 = arith.constant 0 : i32
    %c0_i32_1 = arith.constant 0 : i32
    return %c0_i32, %c0_i32_0 : i32, i32
  }
  func.func @transform_11(%arg0: i32) -> (i32, i32) {
    %c0_i32 = arith.constant 0 : i32
    %c0_i32_0 = arith.constant 0 : i32
    %c0_i32_1 = arith.constant 0 : i32
    return %c0_i32, %c0_i32_0 : i32, i32
  }
  func.func @transform_12(%arg0: i32) -> (i32, i32) {
    %c0_i32 = arith.constant 0 : i32
    %c0_i32_0 = arith.constant 0 : i32
    %c0_i32_1 = arith.constant 0 : i32
    return %c0_i32, %c0_i32_0 : i32, i32
  }
  func.func @transform_13(%arg0: i32) -> (i32, i32) {
    %c0_i32 = arith.constant 0 : i32
    %c0_i32_0 = arith.constant 0 : i32
    %c0_i32_1 = arith.constant 0 : i32
    return %c0_i32, %c0_i32_0 : i32, i32
  }
  func.func @transform_14(%arg0: i32) -> (i32, i32) {
    %c0_i32 = arith.constant 0 : i32
    %c0_i32_0 = arith.constant 0 : i32
    %c0_i32_1 = arith.constant 0 : i32
    return %c0_i32, %c0_i32_0 : i32, i32
  }
  func.func @transform_15(%arg0: i32) -> (i32, i32) {
    %c0_i32 = arith.constant 0 : i32
    %c0_i32_0 = arith.constant 0 : i32
    return %arg0, %c0_i32 : i32, i32
  }
  func.func @transform_16(%arg0: i32) -> (i32, i32) {
    %c0_i32 = arith.constant 0 : i32
    %c0_i32_0 = arith.constant 0 : i32
    return %arg0, %c0_i32 : i32, i32
  }
}

</mosaic_0001>

<sc_bundles>
// kernel: kernel.5.cloned.1.call-start
scs
__scs_entry_jumppad:
0x0: {  	(pc) =	sbr.rel $0x88, $3  }
0x1: {  	(tag) =	ssettag $0x0;
	lr =	simm.s32 $0x1  }
0x2: {  	[smem:$0x3F94] =	sst lr;
	_ =	strace $0xD0000000  }
0x3: {  	_ = 	snop  }
0x4: {  	_ = 	snop  }
0x5: {  	_ = 	snop  }
0x6: {  	_ = 	snop  }
0x7: {  	_ = 	snop  }
__scs_overlays_trampoline_lowered:
0x8: {  	[smem:$0x3FA3] =	sst s0  }
0x9: {  	[smem:$0x3FA4] =	sst s1  }
0xa: {  	[smem:$0x3FA5] =	sst s2  }
0xb: {  	[smem:$0x3FA6] =	sst s3  }
0xc: {  	[smem:$0x3FA7] =	sst s4  }
0xd: {  	[smem:$0x3FA8] =	sst s5  }
0xe: {  	[smem:$0x3FA9] =	sst s6  }
0xf: {  	[smem:$0x3FAA] =	sst s7  }
0x10: {  	[smem:$0x3FAB] =	sst s8  }
0x11: {  	[smem:$0x3FAC] =	sst s9;
	s0 =	simm.s32 @!p0 $0x0  }
0x12: {  	s1 =	sld [smem:$0x3F92];
	s0 =	simm.s32 @p0 $0x1  }
0x13: {  	[smem:$0x3FAD] =	sst s0;
	s0 =	simm.s32 @!p1 $0x0  }
0x14: {  	s2 =	sld [smem:$0x3F91];
	s0 =	simm.s32 @p1 $0x1  }
0x15: {  	[smem:$0x3FAE] =	sst s0;
	s0 =	simm.s32 @!p2 $0x0  }
0x16: {  	s3 =	sld [smem:$0x3FDB];
	s0 =	simm.s32 @p2 $0x1  }
0x17: {  	s4 =	simm.s32 $0x1BF5;
	[smem:$0x3FB0] =	sst s0  }
0x18: {  	s0 =	sld [smem:$0x3F93];
	_ =	swait.ge [sflag:s4], $0x0  }
0x19: {  	s7 =	sld [smem:$0x3F94]  }
0x1a: {  	s8 =	sadd.s32 $0xFFFFE003, lr  }
0x1b: {  	s9 =	sadd.s32 $0xFFFFFEF7, lr;
	s5 =	simm.s32 $0xFFFFFFFF;
	p2 =	slt.u32 s8, $0xFFFFF086  }
0x1c: {  	p1 =	slt.u32 s9, $0xF7A;
	s5 =	simm.s32 @!p2 $0x0  }
0x1d: {  	s5 =	simm.s32 @p1 $0x1;
	p0 =	seq.s32 s7, s2  }
0x1e: {  	s7 =	smul.u32 @!p0 $0xF7A, s2;
	p2 =	seq.s32 @!p0 s5, $0x0  }
0x1f: {  	s9 =	smul.u32 $0xF7A, s1;
	s8 =	simm.s32 @!p0 $0x1BF5;
	p2 =	por !p2, p0  }
0x20: {  	[sflag:s8] =	ssyncset.s32 @!p0 $0xFFFFF086;
	s6 =	sadd.s32 @!p0 s3, s7;
	s7 =	simm.s32 @!p0 $0x108  }
0x21: {  	s3 =	sadd.s32 s3, s9;
	s6 =	sadd.s32 @!p0 $0x88, s6;
	s7 =	simm.s32 @p2 $0x1082  }
0x22: {  	[simem:s7], [sflag:s8] =	dma.local @!p0 [hbm:s6], $0xF7A  }
0x23: {  	s9 =	sor.u32 $0xD0000000, s2;
	s6 =	simm.s32 $0x108;
	_ =	swait.ge @!p0 [sflag:s8], $0x0  }
0x24: {  	s3 =	sadd.s32 $0x88, s3;
	s6 =	simm.s32 @!p1 $0x1082;
	[sflag:s4] =	ssyncset.s32 $0xFFFFF086  }
0x25: {  	[simem:s6], [sflag:s4] =	dma.local [hbm:s3], $0xF7A  }
0x26: {  	[smem:$0x3F94] =	sst s1;
	(tag) =	ssettag s2;
	_ =	strace s9  }
0x27: {  	s1 =	sld [smem:$0x3FA4]  }
0x28: {  	s2 =	sld [smem:$0x3FA5]  }
0x29: {  	s4 =	sld [smem:$0x3FA7]  }
0x2a: {  	p0 =	seq.s32 s5, $0x0;
	s5 =	sld [smem:$0x3FA8]  }
0x2b: {  	s6 =	sld [smem:$0x3FA9]  }
0x2c: {  	s7 =	sld [smem:$0x3FAA]  }
0x2d: {  	s3 =	simm.s32 $0x108;
	s8 =	sld [smem:$0x3FAB]  }
0x2e: {  	s3 =	simm.s32 @!p0 $0x1082;
	s9 =	sld [smem:$0x3FAC]  }
0x2f: {  	lr =	sadd.s32 s0, s3;
	s0 =	sld [smem:$0x3FA3]  }
0x30: {  	s3 =	sld [smem:$0x3FA6]  }
0x31: {  	[smem:$0x3FAF] =	sst s10  }
0x32: {  	s10 =	sld [smem:$0x3FAD];
	_ =	sdelay $0x3  }
0x33: {  	p0 =	seq.s32 s10, $0x1;
	s10 =	sld [smem:$0x3FAF];
	_ =	sdelay $0x3  }
0x34: {  	[smem:$0x3FAF] =	sst s10  }
0x35: {  	s10 =	sld [smem:$0x3FAE];
	_ =	sdelay $0x3  }
0x36: {  	p1 =	seq.s32 s10, $0x1;
	s10 =	sld [smem:$0x3FAF];
	_ =	sdelay $0x3  }
0x37: {  	[smem:$0x3FAF] =	sst s10  }
0x38: {  	s10 =	sld [smem:$0x3FB0]  }
0x39: {  	_ = 	snop;
	(pc) =	sbr.ind lr, $3  }
0x3a: {  	_ = 	snop  }
0x3b: {  	_ = 	snop  }
0x3c: {  	p2 =	seq.s32 s10, $0x1;
	s10 =	sld [smem:$0x3FAF]  }
0x3d: {  	_ =	shalt  }
0x3e: {  	_ =	shalt  }
0x3f: {  	_ =	shalt  }
0x40: {  	_ =	shalt  }
0x41: {  	_ =	shalt  }
0x42: {  	_ =	shalt  }
0x43: {  	_ =	shalt  }
0x44: {  	_ =	shalt  }
0x45: {  	_ =	shalt  }
0x46: {  	_ =	shalt  }
0x47: {  	_ =	shalt  }
0x48: {  	_ =	shalt  }
0x49: {  	_ =	shalt  }
0x4a: {  	_ =	shalt  }
0x4b: {  	_ =	shalt  }
0x4c: {  	_ =	shalt  }
0x4d: {  	_ =	shalt  }
0x4e: {  	_ =	shalt  }
0x4f: {  	_ =	shalt  }
0x50: {  	_ =	shalt  }
0x51: {  	_ =	shalt  }
0x52: {  	_ =	shalt  }
0x53: {  	_ =	shalt  }
0x54: {  	_ =	shalt  }
0x55: {  	_ =	shalt  }
0x56: {  	_ =	shalt  }
0x57: {  	_ =	shalt  }
0x58: {  	_ =	shalt  }
0x59: {  	_ =	shalt  }
0x5a: {  	_ =	shalt  }
0x5b: {  	_ =	shalt  }
0x5c: {  	_ =	shalt  }
0x5d: {  	_ =	shalt  }
0x5e: {  	_ =	shalt  }
0x5f: {  	_ =	shalt  }
0x60: {  	_ =	shalt  }
0x61: {  	_ =	shalt  }
0x62: {  	_ =	shalt  }
0x63: {  	_ =	shalt  }
0x64: {  	_ =	shalt  }
0x65: {  	_ =	shalt  }
0x66: {  	_ =	shalt  }
0x67: {  	_ =	shalt  }
0x68: {  	_ =	shalt  }
0x69: {  	_ =	shalt  }
0x6a: {  	_ =	shalt  }
0x6b: {  	_ =	shalt  }
0x6c: {  	_ =	shalt  }
0x6d: {  	_ =	shalt  }
0x6e: {  	_ =	shalt  }
0x6f: {  	_ =	shalt  }
0x70: {  	_ =	shalt  }
0x71: {  	_ =	shalt  }
0x72: {  	_ =	shalt  }
0x73: {  	_ =	shalt  }
0x74: {  	_ =	shalt  }
0x75: {  	_ =	shalt  }
0x76: {  	_ =	shalt  }
0x77: {  	_ =	shalt  }
0x78: {  	_ =	shalt  }
0x79: {  	_ =	shalt  }
0x7a: {  	_ =	shalt  }
0x7b: {  	_ =	shalt  }
0x7c: {  	_ =	shalt  }
0x7d: {  	_ =	shalt  }
0x7e: {  	_ =	shalt  }
0x7f: {  	_ =	shalt  }
0x80: {  	_ =	shalt  }
0x81: {  	_ =	shalt  }
0x82: {  	_ =	shalt  }
0x83: {  	_ =	shalt  }
0x84: {  	_ =	shalt  }
0x85: {  	_ =	shalt  }
0x86: {  	_ =	shalt  }
0x87: {  	_ =	shalt  }
.Lfunc_end0:
.L_simem_size_0:
called_computation_lowered:
.L_overlay_start_0:
0x88: {  	s2 =	sld [smem:$0x3FD9]  }
0x89: {  	s3 =	sld [smem:$0x3FFE];
	_ =	sdelay $0x1  }
0x8a: {  	s1 =	srdreg.scid  }
0x8b: {  	s0 =	sand.u32 $0x1, s1  }
0x8c: {  	s14 =	sshll.u32 s0, $0xA;
	s2 =	sadd.s32 s3, s2  }
0x8d: {  	s2 =	sadd.s32 s2, s14  }
0x8e: {  	[smem:$0x3FBB] =	sst s2  }
0x8f: {  	_ = 	snop  }
0x90: {  	s2 =	sld [smem:$0x3FD0];
	_ =	sdelay $0x2  }
0x91: {  	s4 =	simm.s32 $0xB;
	s5 =	simm.s32 $0x10;
	s15 =	sld [smem:$0x3FC9]  }
0x92: {  	[smem:s5], [sflag:s4] =	dma.local [hbm:s2], $0x1  }
0x93: {  	_ =	swait.eq [sflag:s4], $0x1  }
0x94: {  	[sflag:s4] =	ssyncset.done $0x0  }
0x95: {  	s16 =	sld [smem:$0x10];
	[sflag:s4] =	ssyncadd.s32 $0xFFFFFFFF  }
0x96: {  	s17 =	sld [smem:$0x11];
	(tm) =	ssettm $0x1  }
0x97: {  	s18 =	sld [smem:$0x3FFB];
	_ =	sdelay $0x3  }
0x98: {  	_ =	strace s18  }
0x99: {  	s5 =	sld [smem:$0x3FFC];
	_ =	sdelay $0x3  }
0x9a: {  	_ =	strace s5  }
0x9b: {  	s5 =	sld [smem:$0x3FFD];
	_ =	sdelay $0x3  }
0x9c: {  	_ =	strace s5  }
0x9d: {  	_ =	strace $0x8FFFFFFF  }
0x9e: {  	s19 =	sld [smem:$0x3FDB];
	_ =	sdelay $0x1  }
0x9f: {  	s6 =	simm.s32 $_scs_section_size  }
0xa0: {  	s7 =	simm.s32 $_size__tile_overlayer_lowered;
	s8 =	simm.s32 $_tile_overlayer_lowered  }
0xa1: {  	s22 =	simm.s32 $0x1BFF;
	s21 =	sshll.u32 s8, $0x1;
	s5 =	sadd.s32 s6, s19  }
0xa2: {  	s9 =	simm.s32 $0x0;
	s20 =	sshll.u32 s7, $0x1;
	s7 =	sadd.s32 s21, s5  }
0xa3: {  	[timem:s9], [sflag:s22] =	dma.local [hbm:s7], s20  }
0xa4: {  	_ =	swait.ge [sflag:s22], s20  }
0xa5: {  	s6 =	ssub.s32 $0x0, s20;
	[sflag:s22] =	ssyncset.done $0x0  }
0xa6: {  	[sflag:s22] =	ssyncadd.s32 s6;
	_ =	sdelay $0x1  }
0xa7: {  	s23 =	simm.s32 $0x1B8B  }
0xa8: {  	_ =	swait.ge [sflag:s23], $0x1  }
0xa9: {  	[sflag:s23] =	ssyncset.done $0x0  }
0xaa: {  	s25 =	simm.s32 $0x1B8E;
	s24 =	sld [smem:$0x3FFE];
	[sflag:s23] =	ssyncadd.s32 $0xFFFFFFFF  }
0xab: {  	s26 =	simm.s32 $execute0_lowered;
	[smem:$0x3FD2] =	sst s25  }
0xac: {  	s7 =	sshll.u32 s26, $0x1;
	_ =	strace $0x80000046;
	[dreg:$0x1] =	wrdreg $0xFFFFFFFF  }
0xad: {  	s28 =	simm.s32 $_size_execute0_lowered;
	s5 =	sadd.s32 s5, s7;
	[dreg:$0x0] =	wrdreg $0x0  }
0xae: {  	s7 =	sshll.u32 s28, $0x1;
	[dreg:$0x2] =	wrdreg s5  }
0xaf: {  	[dreg:$0x3] =	wrdreg s7  }
0xb0: {  	[dreg:$0x4] =	wrdreg $0xC0  }
0xb1: {  	_ =	task [dreg:s9], $0x5FFFF  }
0xb2: {  	[dreg:$0x1] =	wrdreg $0xFFFFFFFF  }
0xb3: {  	[dreg:$0x0] =	wrdreg $0x60  }
0xb4: {  	[dreg:$0x2] =	wrdreg s15  }
0xb5: {  	[dreg:$0x3] =	wrdreg s16  }
0xb6: {  	[dreg:$0x4] =	wrdreg s17  }
0xb7: {  	[dreg:$0x5] =	wrdreg s24  }
0xb8: {  	[dreg:$0x6] =	wrdreg $0x41000  }
0xb9: {  	[dreg:$0x7] =	wrdreg $0x9  }
0xba: {  	_ =	task.clear_ibuf [dreg:s9], $0x8FFFF;
	_ =	strace $0x90000046  }
0xbb: {  	s29 =	simm.s32 $0x9;
	_ =	strace $0x80000048  }
0xbc: {  	_ =	swait.ge [sflag:s29], $0x1  }
0xbd: {  	[sflag:s29] =	ssyncadd.s32 $0xFFFFFFFF  }
0xbe: {  	_ =	strace $0x90000048  }
0xbf: {  	_ =	sfence  }
0xc0: {  	s30 =	sld [smem:$0x0];
	_ =	sdelay $0x2  }
0xc1: {  	s31 =	sshll.u32 s1, $0xD;
	s1 =	sshrl.u32 s1, $0x2  }
0xc2: {  	s3 =	sand.u32 $0x4000, s31;
	s1 =	sadd.s32 s1, s30  }
0xc3: {  	s0 =	sor.u32 s3, s0;
	s1 =	sshll.u32 s1, $0x11  }
0xc4: {  	s0 =	sor.u32 s1, s0  }
0xc5: {  	s0 =	sadd.s32 $0x8F2B, s0  }
0xc6: {  	[sflag:s0] =	ssyncadd.remote.s32 $0x1  }
0xc7: {  	_ =	sfence.sel $0xFFFF  }
0xc8: {  	[dreg:$0x0] =	wrdreg $0xFFFFFFFF;
	(pc) =	sbr.abs _section_cstart, $3  }
0xc9: {  	[dreg:$0x1] =	wrdreg $0xFFFFFFFF  }
0xca: {  	_ =	task.clear_ibuf [dreg:s9], $0x2FFFF;
	_ =	strace $0x9FFFFFFF  }
0xcb: {  	(tm) =	ssettm $0x7FFFFFFF  }
tec
execute0_lowered:
.L_overlay_start_1:
0x0: {  	(tag) =	ssettag $0x1  }
0x1: {  	s1 =	rddreg [dreg:$0x0]  }
0x2: {  	s18 =	rddreg [dreg:$0x1]  }
0x3: {  	s17 =	rddreg [dreg:$0x2];
	s2 =	srdreg.scid  }
0x4: {  	s0 =	stileid.u32;
	s6 =	rddreg [dreg:$0x3]  }
0x5: {  	s3 =	rddreg [dreg:$0x4];
	s4 =	simm.s32 $0x0;
	s5 =	smul.u32 $0x280, s0  }
0x6: {  	s20 =	simm.s32 $0x2;
	s21 =	simm.s32 $0x80;
	s9 =	smul.u32 $0x50000, s0  }
0x7: {  	s22 =	simm.s32 $0x1;
	s7 =	sand.u32 $0x1, s2;
	s14 =	smul.u32 $0x4E80, s0  }
0x8: {  	s23 =	simm.s32 $0x0;
	s2 =	rddreg [dreg:$0x5];
	s8 =	smul.u32 $0x2800, s7  }
0x9: {  	[smem:$0x7FF] =	sst s4;
	s29 =	ssub.s32 $0x2, s7;
	s13 =	smul.u32 $0x4E800, s7  }
0xa: {  	_ =	strace $0x80000047;
	s30 =	sshrl.u32 s9, $0x2;
	s31 =	sshrl.u32 s29, $0x1  }
0xb: {  	s8 =	sadd.s32 s5, s8;
	s5 =	sadd.s32 $0x2E00, s6;
	s19 =	sadd.s32 s14, s13  }
0xc: {  	s16 =	ssub.s32 s29, s31;
	s8 =	sshll.u32 s8, $0x4;
	s19 =	sshrl.u32 s19, $0x3  }
0xd: {  	s16 =	smax.u32 s16, $0x1;
	s15 =	sadd.s32 s8, s6;
	s6 =	sadd.s32 s30, s3  }
0xe: {  	s17 =	sadd.s32 s19, s17;
	s18 =	sadd.s32 s19, s18;
	s19 =	simm.s32 $0x100  }
0xf: {  	s7 =	sadd.s32 $0x4000, s6;
	s8 =	sadd.s32 $0x8000, s6;
	s9 =	sadd.s32 $0xC000, s6  }
0x10: {  	s10 =	sadd.s32 $0x10000, s6;
	s11 =	sadd.s32 $0x3600, s15;
	s12 =	sadd.s32 $0x3E00, s15  }
0x11: {  	s13 =	sadd.s32 $0x4600, s15;
	s14 =	sadd.s32 $0x4E00, s15;
	s15 =	sadd.s32 $0x5600, s15  }
.LBB2_1:
0x12: {  	[tilespmem:s19], [sflag:$0x2] =	stream.linear.gather [hbm4b:s5+s4], $0x4000, $0x38;
	[tilespmem:$0x18100] =	vst v63  }
0x13: {  	_ =	swait.ge [sflag:s20], $0x4000  }
0x14: {  	[sflag:s20] =	ssyncset.done $0x0  }
0x15: {  	[sflag:s20] =	ssyncadd.s32 $0xFFFFC000  }
0x16: {  	[spmem:s6] =	stream.linear.scatter [tilespmem:s19], [sflag:$0x2], $0x4000, $0x38;
	[tilespmem:$0x18100] =	vst v63  }
0x17: {  	_ =	swait.ge [sflag:s20], $0x4000  }
0x18: {  	[sflag:s20] =	ssyncset.done $0x0  }
0x19: {  	[sflag:s20] =	ssyncadd.s32 $0xFFFFC000  }
0x1a: {  	[spmem:s7] =	stream.linear.scatter [tilespmem:s19], [sflag:$0x2], $0x4000, $0x38;
	[tilespmem:$0x18100] =	vst v63  }
0x1b: {  	_ =	swait.ge [sflag:s20], $0x4000  }
0x1c: {  	[sflag:s20] =	ssyncset.done $0x0  }
0x1d: {  	[sflag:s20] =	ssyncadd.s32 $0xFFFFC000  }
0x1e: {  	[spmem:s8] =	stream.linear.scatter [tilespmem:s19], [sflag:$0x2], $0x4000, $0x38;
	[tilespmem:$0x18100] =	vst v63  }
0x1f: {  	_ =	swait.ge [sflag:s20], $0x4000  }
0x20: {  	[sflag:s20] =	ssyncset.done $0x0  }
0x21: {  	[sflag:s20] =	ssyncadd.s32 $0xFFFFC000  }
0x22: {  	[spmem:s9] =	stream.linear.scatter [tilespmem:s19], [sflag:$0x2], $0x4000, $0x38;
	[tilespmem:$0x18100] =	vst v63  }
0x23: {  	_ =	swait.ge [sflag:s20], $0x4000  }
0x24: {  	[sflag:s20] =	ssyncset.done $0x0  }
0x25: {  	[sflag:s20] =	ssyncadd.s32 $0xFFFFC000  }
0x26: {  	[spmem:s10] =	stream.linear.scatter [tilespmem:s19], [sflag:$0x2], $0x4000, $0x38;
	[tilespmem:$0x18100] =	vst v63  }
0x27: {  	_ =	swait.ge [sflag:s20], $0x4000  }
0x28: {  	[sflag:s20] =	ssyncset.done $0x0  }
0x29: {  	[sflag:s20] =	ssyncadd.s32 $0xFFFFC000  }
0x2a: {  	s24 =	sadd.s32 $0x0, s18;
	[bflag:$0x0] =	sbarrier.arrive $0xFFFF  }
0x2b: {  	[tilespmem:s4], [sflag:$0x2] =	stream.linear.gather [hbm4b:s24+s4], $0x80, $0x38;
	[tilespmem:$0x18100] =	vst v63  }
0x2c: {  	_ =	swait.ge [sflag:s20], $0x80  }
0x2d: {  	[sflag:s20] =	ssyncset.done $0x0  }
0x2e: {  	s31 =	sadd.s32 $0x0, s17;
	[sflag:s20] =	ssyncadd.s32 $0xFFFFFF80  }
0x2f: {  	[tilespmem:s21], [sflag:$0x2] =	stream.linear.gather [hbm4b:s31+s4], $0x80, $0x38;
	[tilespmem:$0x18100] =	vst v63  }
0x30: {  	_ =	swait.ge [sflag:s20], $0x80  }
0x31: {  	[sflag:s20] =	ssyncset.done $0x0  }
0x32: {  	[sflag:s20] =	ssyncadd.s32 $0xFFFFFF80  }
0x33: {  	[tilespmem:s19], [sflag:$0x1] =	stream.indirect.gather [hbm4b:s1+s21], $0x80, s4, s21, $0xb8;
	[tilespmem:$0x18100] =	vst v63  }
0x34: {  	_ =	swait.ge [sflag:s22], $0x4000  }
0x35: {  	[sflag:s22] =	ssyncset.done $0x0  }
0x36: {  	[sflag:s22] =	ssyncadd.s32 $0xFFFFC000  }
0x37: {  	[spmem:s3] =	stream.indirect.scatter.add.f32 [tilespmem:s19], [sflag:$0x2], $0x80, s21, s21, $0xb8;
	[tilespmem:$0x18100] =	vst v63  }
0x38: {  	_ =	swait.ge [sflag:s20], $0x4000  }
0x39: {  	s25 =	simm.s32 $0x20;
	s24 =	simm.s32 $0x10;
	[sflag:s20] =	ssyncset.done $0x0  }
.LBB2_2:
0x3a: {  	s26 =	sadd.s32 s24, s18  }
0x3b: {  	[sflag:s20] =	ssyncadd.s32 $0xFFFFC000;
	s28 =	smov.u32 s25;
	s29 =	sadd.s32 $0x10, s25  }
0x3c: {  	[tilespmem:s4], [sflag:$0x2] =	stream.linear.gather [hbm4b:s26+s4], $0x80, $0x38;
	[tilespmem:$0x18100] =	vst v63  }
0x3d: {  	p0 =	sne.s32 s25, $0x9C0;
	_ =	swait.ge [sflag:s20], $0x80  }
0x3e: {  	[sflag:s20] =	ssyncset.done $0x0  }
0x3f: {  	s25 =	sadd.s32 s24, s17;
	s24 =	smov.u32 s28;
	[sflag:s20] =	ssyncadd.s32 $0xFFFFFF80  }
0x40: {  	[tilespmem:s21], [sflag:$0x2] =	stream.linear.gather [hbm4b:s25+s4], $0x80, $0x38;
	[tilespmem:$0x18100] =	vst v63  }
0x41: {  	_ =	swait.ge [sflag:s20], $0x80  }
0x42: {  	[sflag:s20] =	ssyncset.done $0x0  }
0x43: {  	[sflag:s20] =	ssyncadd.s32 $0xFFFFFF80  }
0x44: {  	[tilespmem:s19], [sflag:$0x1] =	stream.indirect.gather [hbm4b:s1+s21], $0x80, s4, s21, $0xb8;
	[tilespmem:$0x18100] =	vst v63  }
0x45: {  	_ =	swait.ge [sflag:s22], $0x4000  }
.Ltmp0:
0x46: {  	[sflag:s22] =	ssyncset.done $0x0;
	(pc) =	sbr.rel @p0 .LBB2_2-.Ltmp0, $4  }
0x47: {  	[sflag:s22] =	ssyncadd.s32 $0xFFFFC000  }
0x48: {  	[spmem:s3] =	stream.indirect.scatter.add.f32 [tilespmem:s19], [sflag:$0x2], $0x80, s21, s21, $0xb8;
	[tilespmem:$0x18100] =	vst v63  }
0x49: {  	_ =	swait.ge [sflag:s20], $0x4000  }
0x4a: {  	s25 =	smov.u32 s29;
	[sflag:s20] =	ssyncset.done $0x0  }
0x4b: {  	s25 =	sadd.s32 s24, s18;
	[sflag:s20] =	ssyncadd.s32 $0xFFFFC000  }
0x4c: {  	[tilespmem:s4], [sflag:$0x2] =	stream.linear.gather [hbm4b:s25+s4], $0x80, $0x38;
	[tilespmem:$0x18100] =	vst v63  }
0x4d: {  	_ =	swait.ge [sflag:s20], $0x80  }
0x4e: {  	[sflag:s20] =	ssyncset.done $0x0  }
0x4f: {  	s31 =	sadd.s32 s24, s17;
	[sflag:s20] =	ssyncadd.s32 $0xFFFFFF80  }
0x50: {  	[tilespmem:s21], [sflag:$0x2] =	stream.linear.gather [hbm4b:s31+s4], $0x80, $0x38;
	[tilespmem:$0x18100] =	vst v63  }
0x51: {  	_ =	swait.ge [sflag:s20], $0x80  }
0x52: {  	[sflag:s20] =	ssyncset.done $0x0  }
0x53: {  	[sflag:s20] =	ssyncadd.s32 $0xFFFFFF80  }
0x54: {  	[tilespmem:s19], [sflag:$0x1] =	stream.indirect.gather [hbm4b:s1+s21], $0x80, s4, s21, $0xb8;
	[tilespmem:$0x18100] =	vst v63  }
0x55: {  	_ =	swait.ge [sflag:s22], $0x4000  }
0x56: {  	[sflag:s22] =	ssyncset.done $0x0  }
0x57: {  	[sflag:s22] =	ssyncadd.s32 $0xFFFFC000  }
0x58: {  	[spmem:s3] =	stream.indirect.scatter.add.f32 [tilespmem:s19], [sflag:$0x2], $0x80, s21, s21, $0xb8;
	[tilespmem:$0x18100] =	vst v63  }
0x59: {  	_ =	swait.ge [sflag:s20], $0x4000  }
0x5a: {  	[sflag:s20] =	ssyncset.done $0x0  }
0x5b: {  	[sflag:s20] =	ssyncadd.s32 $0xFFFFC000  }
0x5c: {  	[bflag:$0x0] =	sbarrier.arrive $0xFFFF  }
0x5d: {  	[tilespmem:s19], [sflag:$0x2] =	stream.linear.gather [spmem:s6], $0x4000, $0x38;
	[tilespmem:$0x18100] =	vst v63  }
0x5e: {  	_ =	swait.ge [sflag:s20], $0x4000  }
0x5f: {  	[sflag:s20] =	ssyncset.done $0x0  }
0x60: {  	[sflag:s20] =	ssyncadd.s32 $0xFFFFC000  }
0x61: {  	[hbm4b:s11+s4] =	stream.linear.scatter [tilespmem:s19], [sflag:$0x2], $0x4000, $0x38;
	[tilespmem:$0x18100] =	vst v63  }
0x62: {  	_ =	swait.ge [sflag:s20], $0x4000  }
0x63: {  	[sflag:s20] =	ssyncset.done $0x0  }
0x64: {  	[sflag:s20] =	ssyncadd.s32 $0xFFFFC000  }
0x65: {  	[tilespmem:s19], [sflag:$0x2] =	stream.linear.gather [spmem:s7], $0x4000, $0x38;
	[tilespmem:$0x18100] =	vst v63  }
0x66: {  	_ =	swait.ge [sflag:s20], $0x4000  }
0x67: {  	[sflag:s20] =	ssyncset.done $0x0  }
0x68: {  	[sflag:s20] =	ssyncadd.s32 $0xFFFFC000  }
0x69: {  	[hbm4b:s12+s4] =	stream.linear.scatter [tilespmem:s19], [sflag:$0x2], $0x4000, $0x38;
	[tilespmem:$0x18100] =	vst v63  }
0x6a: {  	_ =	swait.ge [sflag:s20], $0x4000  }
0x6b: {  	[sflag:s20] =	ssyncset.done $0x0  }
0x6c: {  	[sflag:s20] =	ssyncadd.s32 $0xFFFFC000  }
0x6d: {  	[tilespmem:s19], [sflag:$0x2] =	stream.linear.gather [spmem:s8], $0x4000, $0x38;
	[tilespmem:$0x18100] =	vst v63  }
0x6e: {  	_ =	swait.ge [sflag:s20], $0x4000  }
0x6f: {  	[sflag:s20] =	ssyncset.done $0x0  }
0x70: {  	[sflag:s20] =	ssyncadd.s32 $0xFFFFC000  }
0x71: {  	[hbm4b:s13+s4] =	stream.linear.scatter [tilespmem:s19], [sflag:$0x2], $0x4000, $0x38;
	[tilespmem:$0x18100] =	vst v63  }
0x72: {  	_ =	swait.ge [sflag:s20], $0x4000  }
0x73: {  	[sflag:s20] =	ssyncset.done $0x0  }
0x74: {  	[sflag:s20] =	ssyncadd.s32 $0xFFFFC000  }
0x75: {  	[tilespmem:s19], [sflag:$0x2] =	stream.linear.gather [spmem:s9], $0x4000, $0x38;
	[tilespmem:$0x18100] =	vst v63  }
0x76: {  	_ =	swait.ge [sflag:s20], $0x4000  }
0x77: {  	[sflag:s20] =	ssyncset.done $0x0  }
0x78: {  	[sflag:s20] =	ssyncadd.s32 $0xFFFFC000  }
0x79: {  	[hbm4b:s14+s4] =	stream.linear.scatter [tilespmem:s19], [sflag:$0x2], $0x4000, $0x38;
	[tilespmem:$0x18100] =	vst v63  }
0x7a: {  	_ =	swait.ge [sflag:s20], $0x4000  }
0x7b: {  	[sflag:s20] =	ssyncset.done $0x0  }
0x7c: {  	[sflag:s20] =	ssyncadd.s32 $0xFFFFC000  }
0x7d: {  	[tilespmem:s19], [sflag:$0x2] =	stream.linear.gather [spmem:s10], $0x4000, $0x38;
	[tilespmem:$0x18100] =	vst v63  }
0x7e: {  	s23 =	sadd.s32 $0x1, s23;
	_ =	swait.ge [sflag:s20], $0x4000  }
0x7f: {  	p0 =	sne.s32 s23, s16;
	[sflag:s20] =	ssyncset.done $0x0  }
.Ltmp1:
0x80: {  	[sflag:s20] =	ssyncadd.s32 $0xFFFFC000;
	(pc) =	sbr.rel @p0 .LBB2_1-.Ltmp1, $4  }
0x81: {  	[hbm4b:s15+s4] =	stream.linear.scatter [tilespmem:s19], [sflag:$0x2], $0x4000, $0x38;
	[tilespmem:$0x18100] =	vst v63  }
0x82: {  	_ =	swait.ge [sflag:s20], $0x4000  }
0x83: {  	[sflag:s20] =	ssyncset.done $0x0  }
0x84: {  	[sflag:s20] =	ssyncadd.s32 $0xFFFFC000  }
0x85: {  	_ =	sfence.sel $0x180000  }
0x86: {  	[bflag:$0x0] =	sbarrier.arrive $0xFFFF  }
0x87: {  	p0 =	sne.s32 s0, $0x0;
	_ =	strace $0x90000047  }
0x88: {  	s0 =	sadd.s32 @!p0 $0x100000, s2;
	[bflag:$0x2] =	sbarrier.arrive $0xFFFF  }
0x89: {  	[sflag:s0] =	ssyncadd.tile.s32 @!p0 $0x1;
	_ =	shalt  }
.Lfunc_end2:
_tile_overlayer_lowered:
.L_overlay_start_2:
0x8a: {  	(tag) =	ssettag $0x2  }
0x8b: {  	s0 =	rddreg [dreg:$0x0];
	s2 =	stileid.u32  }
0x8c: {  	s1 =	rddreg [dreg:$0x1];
	p0 =	sne.s32 s2, $0x0  }
0x8d: {  	s3 =	rddreg [dreg:$0x2];
	[bflag:$0x3] =	sbarrier.arrive $0xFFFF;
	s2 =	simm.s32 @!p0 $0x1C02  }
0x8e: {  	[timem:s3], [sflag:s2] =	dma.local @!p0 [hbm:s0], s1  }
0x8f: {  	s0 =	simm.s32 @!p0 $0x2  }
0x90: {  	_ =	swait.ge @!p0 [sflag:s0], s1  }
0x91: {  	s1 =	ssub.s32 @!p0 $0x0, s1;
	[sflag:s0] =	ssyncset.done @!p0 $0x0  }
0x92: {  	[sflag:s0] =	ssyncadd.s32 @!p0 s1  }
0x93: {  	[bflag:$0x3] =	sbarrier.arrive $0xFFFF  }
0x94: {  	_ =	shalt  }

// kernel: kernel.8.cloned.1.call-start
scs
__scs_entry_jumppad:
0x0: {  	(pc) =	sbr.rel $0x88, $3  }
0x1: {  	(tag) =	ssettag $0x0;
	lr =	simm.s32 $0x1  }
0x2: {  	[smem:$0x3F94] =	sst lr;
	_ =	strace $0xD0000000  }
0x3: {  	_ = 	snop  }
0x4: {  	_ = 	snop  }
0x5: {  	_ = 	snop  }
0x6: {  	_ = 	snop  }
0x7: {  	_ = 	snop  }
__scs_overlays_trampoline_lowered:
0x8: {  	[smem:$0x3FA3] =	sst s0  }
0x9: {  	[smem:$0x3FA4] =	sst s1  }
0xa: {  	[smem:$0x3FA5] =	sst s2  }
0xb: {  	[smem:$0x3FA6] =	sst s3  }
0xc: {  	[smem:$0x3FA7] =	sst s4  }
0xd: {  	[smem:$0x3FA8] =	sst s5  }
0xe: {  	[smem:$0x3FA9] =	sst s6  }
0xf: {  	[smem:$0x3FAA] =	sst s7  }
0x10: {  	[smem:$0x3FAB] =	sst s8  }
0x11: {  	[smem:$0x3FAC] =	sst s9;
	s0 =	simm.s32 @!p0 $0x0  }
0x12: {  	s1 =	sld [smem:$0x3F92];
	s0 =	simm.s32 @p0 $0x1  }
0x13: {  	[smem:$0x3FAD] =	sst s0;
	s0 =	simm.s32 @!p1 $0x0  }
0x14: {  	s2 =	sld [smem:$0x3F91];
	s0 =	simm.s32 @p1 $0x1  }
0x15: {  	[smem:$0x3FAE] =	sst s0;
	s0 =	simm.s32 @!p2 $0x0  }
0x16: {  	s3 =	sld [smem:$0x3FDB];
	s0 =	simm.s32 @p2 $0x1  }
0x17: {  	s4 =	simm.s32 $0x1BF5;
	[smem:$0x3FB0] =	sst s0  }
0x18: {  	s0 =	sld [smem:$0x3F93];
	_ =	swait.ge [sflag:s4], $0x0  }
0x19: {  	s7 =	sld [smem:$0x3F94]  }
0x1a: {  	s8 =	sadd.s32 $0xFFFFE003, lr  }
0x1b: {  	s9 =	sadd.s32 $0xFFFFFEF7, lr;
	s5 =	simm.s32 $0xFFFFFFFF;
	p2 =	slt.u32 s8, $0xFFFFF086  }
0x1c: {  	p1 =	slt.u32 s9, $0xF7A;
	s5 =	simm.s32 @!p2 $0x0  }
0x1d: {  	s5 =	simm.s32 @p1 $0x1;
	p0 =	seq.s32 s7, s2  }
0x1e: {  	s7 =	smul.u32 @!p0 $0xF7A, s2;
	p2 =	seq.s32 @!p0 s5, $0x0  }
0x1f: {  	s9 =	smul.u32 $0xF7A, s1;
	s8 =	simm.s32 @!p0 $0x1BF5;
	p2 =	por !p2, p0  }
0x20: {  	[sflag:s8] =	ssyncset.s32 @!p0 $0xFFFFF086;
	s6 =	sadd.s32 @!p0 s3, s7;
	s7 =	simm.s32 @!p0 $0x108  }
0x21: {  	s3 =	sadd.s32 s3, s9;
	s6 =	sadd.s32 @!p0 $0x88, s6;
	s7 =	simm.s32 @p2 $0x1082  }
0x22: {  	[simem:s7], [sflag:s8] =	dma.local @!p0 [hbm:s6], $0xF7A  }
0x23: {  	s9 =	sor.u32 $0xD0000000, s2;
	s6 =	simm.s32 $0x108;
	_ =	swait.ge @!p0 [sflag:s8], $0x0  }
0x24: {  	s3 =	sadd.s32 $0x88, s3;
	s6 =	simm.s32 @!p1 $0x1082;
	[sflag:s4] =	ssyncset.s32 $0xFFFFF086  }
0x25: {  	[simem:s6], [sflag:s4] =	dma.local [hbm:s3], $0xF7A  }
0x26: {  	[smem:$0x3F94] =	sst s1;
	(tag) =	ssettag s2;
	_ =	strace s9  }
0x27: {  	s1 =	sld [smem:$0x3FA4]  }
0x28: {  	s2 =	sld [smem:$0x3FA5]  }
0x29: {  	s4 =	sld [smem:$0x3FA7]  }
0x2a: {  	p0 =	seq.s32 s5, $0x0;
	s5 =	sld [smem:$0x3FA8]  }
0x2b: {  	s6 =	sld [smem:$0x3FA9]  }
0x2c: {  	s7 =	sld [smem:$0x3FAA]  }
0x2d: {  	s3 =	simm.s32 $0x108;
	s8 =	sld [smem:$0x3FAB]  }
0x2e: {  	s3 =	simm.s32 @!p0 $0x1082;
	s9 =	sld [smem:$0x3FAC]  }
0x2f: {  	lr =	sadd.s32 s0, s3;
	s0 =	sld [smem:$0x3FA3]  }
0x30: {  	s3 =	sld [smem:$0x3FA6]  }
0x31: {  	[smem:$0x3FAF] =	sst s10  }
0x32: {  	s10 =	sld [smem:$0x3FAD];
	_ =	sdelay $0x3  }
0x33: {  	p0 =	seq.s32 s10, $0x1;
	s10 =	sld [smem:$0x3FAF];
	_ =	sdelay $0x3  }
0x34: {  	[smem:$0x3FAF] =	sst s10  }
0x35: {  	s10 =	sld [smem:$0x3FAE];
	_ =	sdelay $0x3  }
0x36: {  	p1 =	seq.s32 s10, $0x1;
	s10 =	sld [smem:$0x3FAF];
	_ =	sdelay $0x3  }
0x37: {  	[smem:$0x3FAF] =	sst s10  }
0x38: {  	s10 =	sld [smem:$0x3FB0]  }
0x39: {  	_ = 	snop;
	(pc) =	sbr.ind lr, $3  }
0x3a: {  	_ = 	snop  }
0x3b: {  	_ = 	snop  }
0x3c: {  	p2 =	seq.s32 s10, $0x1;
	s10 =	sld [smem:$0x3FAF]  }
0x3d: {  	_ =	shalt  }
0x3e: {  	_ =	shalt  }
0x3f: {  	_ =	shalt  }
0x40: {  	_ =	shalt  }
0x41: {  	_ =	shalt  }
0x42: {  	_ =	shalt  }
0x43: {  	_ =	shalt  }
0x44: {  	_ =	shalt  }
0x45: {  	_ =	shalt  }
0x46: {  	_ =	shalt  }
0x47: {  	_ =	shalt  }
0x48: {  	_ =	shalt  }
0x49: {  	_ =	shalt  }
0x4a: {  	_ =	shalt  }
0x4b: {  	_ =	shalt  }
0x4c: {  	_ =	shalt  }
0x4d: {  	_ =	shalt  }
0x4e: {  	_ =	shalt  }
0x4f: {  	_ =	shalt  }
0x50: {  	_ =	shalt  }
0x51: {  	_ =	shalt  }
0x52: {  	_ =	shalt  }
0x53: {  	_ =	shalt  }
0x54: {  	_ =	shalt  }
0x55: {  	_ =	shalt  }
0x56: {  	_ =	shalt  }
0x57: {  	_ =	shalt  }
0x58: {  	_ =	shalt  }
0x59: {  	_ =	shalt  }
0x5a: {  	_ =	shalt  }
0x5b: {  	_ =	shalt  }
0x5c: {  	_ =	shalt  }
0x5d: {  	_ =	shalt  }
0x5e: {  	_ =	shalt  }
0x5f: {  	_ =	shalt  }
0x60: {  	_ =	shalt  }
0x61: {  	_ =	shalt  }
0x62: {  	_ =	shalt  }
0x63: {  	_ =	shalt  }
0x64: {  	_ =	shalt  }
0x65: {  	_ =	shalt  }
0x66: {  	_ =	shalt  }
0x67: {  	_ =	shalt  }
0x68: {  	_ =	shalt  }
0x69: {  	_ =	shalt  }
0x6a: {  	_ =	shalt  }
0x6b: {  	_ =	shalt  }
0x6c: {  	_ =	shalt  }
0x6d: {  	_ =	shalt  }
0x6e: {  	_ =	shalt  }
0x6f: {  	_ =	shalt  }
0x70: {  	_ =	shalt  }
0x71: {  	_ =	shalt  }
0x72: {  	_ =	shalt  }
0x73: {  	_ =	shalt  }
0x74: {  	_ =	shalt  }
0x75: {  	_ =	shalt  }
0x76: {  	_ =	shalt  }
0x77: {  	_ =	shalt  }
0x78: {  	_ =	shalt  }
0x79: {  	_ =	shalt  }
0x7a: {  	_ =	shalt  }
0x7b: {  	_ =	shalt  }
0x7c: {  	_ =	shalt  }
0x7d: {  	_ =	shalt  }
0x7e: {  	_ =	shalt  }
0x7f: {  	_ =	shalt  }
0x80: {  	_ =	shalt  }
0x81: {  	_ =	shalt  }
0x82: {  	_ =	shalt  }
0x83: {  	_ =	shalt  }
0x84: {  	_ =	shalt  }
0x85: {  	_ =	shalt  }
0x86: {  	_ =	shalt  }
0x87: {  	_ =	shalt  }
.Lfunc_end0:
.L_simem_size_0:
called_computation.1_lowered:
.L_overlay_start_0:
0x88: {  	s2 =	sld [smem:$0x3FD9]  }
0x89: {  	s3 =	sld [smem:$0x3FFE];
	_ =	sdelay $0x1  }
0x8a: {  	s1 =	srdreg.scid  }
0x8b: {  	s0 =	sand.u32 $0x1, s1  }
0x8c: {  	s15 =	sshll.u32 s0, $0xA;
	s2 =	sadd.s32 s3, s2  }
0x8d: {  	s2 =	sadd.s32 s2, s15  }
0x8e: {  	[smem:$0x3FBB] =	sst s2  }
0x8f: {  	_ = 	snop  }
0x90: {  	s2 =	sld [smem:$0x3FD0];
	_ =	sdelay $0x2  }
0x91: {  	s16 =	simm.s32 $0xB;
	s4 =	simm.s32 $0x10  }
0x92: {  	[smem:s4], [sflag:s16] =	dma.local [hbm:s2], $0x1  }
0x93: {  	_ =	swait.eq [sflag:s16], $0x1  }
0x94: {  	[sflag:s16] =	ssyncset.done $0x0  }
0x95: {  	[sflag:s16] =	ssyncadd.s32 $0xFFFFFFFF  }
0x96: {  	s17 =	sld [smem:$0x11];
	(tm) =	ssettm $0x1  }
0x97: {  	s18 =	sld [smem:$0x3FFB];
	_ =	sdelay $0x3  }
0x98: {  	_ =	strace s18  }
0x99: {  	s2 =	sld [smem:$0x3FFC];
	_ =	sdelay $0x3  }
0x9a: {  	_ =	strace s2  }
0x9b: {  	s2 =	sld [smem:$0x3FFD];
	_ =	sdelay $0x3  }
0x9c: {  	_ =	strace s2  }
0x9d: {  	_ =	strace $0x8FFFFFFF  }
0x9e: {  	s19 =	sld [smem:$0x3FDB];
	_ =	sdelay $0x1  }
0x9f: {  	s20 =	simm.s32 $_scs_section_size  }
0xa0: {  	s5 =	simm.s32 $_size__tile_overlayer_lowered;
	s6 =	simm.s32 $_tile_overlayer_lowered  }
0xa1: {  	s7 =	simm.s32 $0x1BFF;
	s21 =	sshll.u32 s6, $0x1;
	s4 =	sadd.s32 s20, s19  }
0xa2: {  	s22 =	simm.s32 $0x0;
	s5 =	sshll.u32 s5, $0x1;
	s6 =	sadd.s32 s21, s4  }
0xa3: {  	[timem:s22], [sflag:s7] =	dma.local [hbm:s6], s5  }
0xa4: {  	_ =	swait.ge [sflag:s7], s5  }
0xa5: {  	s5 =	ssub.s32 $0x0, s5;
	[sflag:s7] =	ssyncset.done $0x0  }
0xa6: {  	[sflag:s7] =	ssyncadd.s32 s5;
	_ =	sdelay $0x1  }
0xa7: {  	s23 =	simm.s32 $0x1B8B  }
0xa8: {  	_ =	swait.ge [sflag:s23], $0x1  }
0xa9: {  	[sflag:s23] =	ssyncset.done $0x0  }
0xaa: {  	[sflag:s23] =	ssyncadd.s32 $0xFFFFFFFF  }
0xab: {  	s5 =	sld [smem:$0x0]  }
0xac: {  	s6 =	sand.u32 $0xFFFFFFFE, s1  }
0xad: {  	p0 =	sne.s32 s1, s6  }
0xae: {  	s6 =	sshll.u32 @p0 s6, $0xE  }
0xaf: {  	s6 =	sadd.s32 @p0 $0x11B8D, s6;
	s7 =	sshll.u32 @p0 s5, $0x11  }
0xb0: {  	s6 =	sor.u32 @p0 s7, s6  }
0xb1: {  	[sflag:s6] =	ssyncadd.remote.s32 @p0 $0x1;
	_ =	sdelay $0x1  }
0xb2: {  	s6 =	simm.s32 @p0 $0x1B8D  }
0xb3: {  	_ =	swait.eq @p0 [sflag:s6], $0x1  }
0xb4: {  	[sflag:s6] =	ssyncadd.s32 @p0 $0xFFFFFFFF  }
0xb5: {  	s7 =	sshll.u32 @!p0 s1, $0xE  }
0xb6: {  	s7 =	sor.u32 @!p0 $0x4000, s7;
	s6 =	simm.s32 @!p0 $0x1B8D  }
0xb7: {  	s5 =	sshll.u32 @!p0 s5, $0x11;
	s7 =	sadd.s32 @!p0 $0x11B8D, s7;
	_ =	swait.eq @!p0 [sflag:s6], $0x1  }
0xb8: {  	s5 =	sor.u32 @!p0 s5, s7;
	[sflag:s6] =	ssyncadd.s32 @!p0 $0xFFFFFFFF  }
0xb9: {  	s25 =	simm.s32 $0x1B8E;
	s24 =	sld [smem:$0x3FFE];
	[sflag:s5] =	ssyncadd.remote.s32 @!p0 $0x1  }
0xba: {  	s26 =	simm.s32 $execute0_lowered;
	[smem:$0x3FD2] =	sst s25  }
0xbb: {  	s6 =	sshll.u32 s26, $0x1;
	_ =	strace $0x80000049;
	[dreg:$0x1] =	wrdreg $0xFFFFFFFF  }
0xbc: {  	s28 =	simm.s32 $_size_execute0_lowered;
	s4 =	sadd.s32 s4, s6;
	[dreg:$0x0] =	wrdreg $0x0  }
0xbd: {  	s6 =	sshll.u32 s28, $0x1;
	[dreg:$0x2] =	wrdreg s4  }
0xbe: {  	[dreg:$0x3] =	wrdreg s6  }
0xbf: {  	[dreg:$0x4] =	wrdreg $0xC0  }
0xc0: {  	_ =	task [dreg:s22], $0x5FFFF  }
0xc1: {  	[dreg:$0x1] =	wrdreg $0xFFFFFFFF  }
0xc2: {  	[dreg:$0x0] =	wrdreg $0x60  }
0xc3: {  	[dreg:$0x2] =	wrdreg s24  }
0xc4: {  	[dreg:$0x3] =	wrdreg s17  }
0xc5: {  	[dreg:$0x4] =	wrdreg $0x80800  }
0xc6: {  	[dreg:$0x5] =	wrdreg $0xA  }
0xc7: {  	_ =	task.clear_ibuf [dreg:s22], $0x6FFFF;
	_ =	strace $0x90000049  }
0xc8: {  	s29 =	simm.s32 $0xA;
	_ =	strace $0x8000004B  }
0xc9: {  	_ =	swait.ge [sflag:s29], $0x1  }
0xca: {  	[sflag:s29] =	ssyncadd.s32 $0xFFFFFFFF  }
0xcb: {  	_ =	strace $0x9000004B  }
0xcc: {  	_ =	sfence  }
0xcd: {  	s30 =	sld [smem:$0x0];
	_ =	sdelay $0x2  }
0xce: {  	s31 =	sshll.u32 s1, $0xD;
	s1 =	sshrl.u32 s1, $0x2  }
0xcf: {  	s4 =	sand.u32 $0x4000, s31;
	s1 =	sadd.s32 s1, s30  }
0xd0: {  	s0 =	sor.u32 s4, s0;
	s1 =	sshll.u32 s1, $0x11  }
0xd1: {  	s0 =	sor.u32 s1, s0  }
0xd2: {  	s0 =	sadd.s32 $0x8F2B, s0  }
0xd3: {  	[sflag:s0] =	ssyncadd.remote.s32 $0x1  }
0xd4: {  	_ =	sfence.sel $0xFFFF  }
0xd5: {  	[dreg:$0x0] =	wrdreg $0xFFFFFFFF;
	(pc) =	sbr.abs _section_cstart, $3  }
0xd6: {  	[dreg:$0x1] =	wrdreg $0xFFFFFFFF  }
0xd7: {  	_ =	task.clear_ibuf [dreg:s22], $0x2FFFF;
	_ =	strace $0x9FFFFFFF  }
0xd8: {  	(tm) =	ssettm $0x7FFFFFFF  }
0xd9: {  	_ =	shalt  }
tec
execute0_lowered:
.L_overlay_start_1:
0x0: {  	(tag) =	ssettag $0x1  }
0x1: {  	s6 =	rddreg [dreg:$0x0]  }
0x2: {  	s18 =	rddreg [dreg:$0x1]  }
0x3: {  	s2 =	rddreg [dreg:$0x2]  }
0x4: {  	s0 =	rddreg [dreg:$0x3]  }
0x5: {  	s4 =	srdreg.scid;
	s1 =	stileid.u32  }
0x6: {  	s3 =	simm.s32 $0x0;
	s20 =	simm.s32 $0x1;
	s21 =	simm.s32 $0x80  }
0x7: {  	s22 =	simm.s32 $0x0;
	s7 =	sand.u32 $0x1, s4;
	s5 =	smul.u32 $0x280, s1  }
0x8: {  	[smem:$0x7FF] =	sst s3;
	s4 =	sadd.s32 $0x53600, s6;
	s8 =	smul.u32 $0x2800, s7  }
0x9: {  	s9 =	smul.u32 $0x50000, s1;
	_ =	strace $0x8000004A;
	s10 =	ssub.s32 $0x2, s7  }
0xa: {  	s15 =	smul.u32 $0x4E800, s7;
	s30 =	sshrl.u32 s10, $0x1;
	s8 =	sadd.s32 s5, s8  }
0xb: {  	s31 =	sshrl.u32 s9, $0x2;
	s9 =	smul.u32 $0x4E80, s1;
	s8 =	sshll.u32 s8, $0x4  }
0xc: {  	s5 =	sadd.s32 $0x2E00, s6;
	s16 =	sadd.s32 s8, s6;
	s6 =	sadd.s32 s31, s2  }
0xd: {  	s17 =	ssub.s32 s10, s30;
	s19 =	sadd.s32 s9, s15;
	s7 =	sadd.s32 $0x4000, s6  }
0xe: {  	s8 =	sadd.s32 $0x8000, s6;
	s10 =	sadd.s32 $0xC000, s6;
	s11 =	sadd.s32 $0x10000, s6  }
0xf: {  	s17 =	smax.u32 s17, $0x1;
	s12 =	sadd.s32 $0x535600, s16;
	s13 =	sadd.s32 $0x535E00, s16  }
0x10: {  	s19 =	sshrl.u32 s19, $0x3;
	s14 =	sadd.s32 $0x536600, s16;
	s15 =	sadd.s32 $0x536E00, s16  }
0x11: {  	s16 =	sadd.s32 $0x537600, s16;
	s18 =	sadd.s32 s19, s18;
	s19 =	simm.s32 $0x4080  }
.LBB2_1:
0x12: {  	[tilespmem:s19], [sflag:$0x1] =	stream.linear.gather [hbm4b:s5+s3], $0x4000, $0x38;
	[tilespmem:$0x1C080] =	vst v63  }
0x13: {  	_ =	swait.ge [sflag:s20], $0x4000  }
0x14: {  	[sflag:s20] =	ssyncset.done $0x0  }
0x15: {  	[sflag:s20] =	ssyncadd.s32 $0xFFFFC000  }
0x16: {  	[spmem:s6] =	stream.linear.scatter [tilespmem:s19], [sflag:$0x1], $0x4000, $0x38;
	[tilespmem:$0x1C080] =	vst v63  }
0x17: {  	_ =	swait.ge [sflag:s20], $0x4000  }
0x18: {  	[sflag:s20] =	ssyncset.done $0x0  }
0x19: {  	[sflag:s20] =	ssyncadd.s32 $0xFFFFC000  }
0x1a: {  	[spmem:s7] =	stream.linear.scatter [tilespmem:s19], [sflag:$0x1], $0x4000, $0x38;
	[tilespmem:$0x1C080] =	vst v63  }
0x1b: {  	_ =	swait.ge [sflag:s20], $0x4000  }
0x1c: {  	[sflag:s20] =	ssyncset.done $0x0  }
0x1d: {  	[sflag:s20] =	ssyncadd.s32 $0xFFFFC000  }
0x1e: {  	[spmem:s8] =	stream.linear.scatter [tilespmem:s19], [sflag:$0x1], $0x4000, $0x38;
	[tilespmem:$0x1C080] =	vst v63  }
0x1f: {  	_ =	swait.ge [sflag:s20], $0x4000  }
0x20: {  	[sflag:s20] =	ssyncset.done $0x0  }
0x21: {  	[sflag:s20] =	ssyncadd.s32 $0xFFFFC000  }
0x22: {  	[spmem:s10] =	stream.linear.scatter [tilespmem:s19], [sflag:$0x1], $0x4000, $0x38;
	[tilespmem:$0x1C080] =	vst v63  }
0x23: {  	_ =	swait.ge [sflag:s20], $0x4000  }
0x24: {  	[sflag:s20] =	ssyncset.done $0x0  }
0x25: {  	[sflag:s20] =	ssyncadd.s32 $0xFFFFC000  }
0x26: {  	[spmem:s11] =	stream.linear.scatter [tilespmem:s19], [sflag:$0x1], $0x4000, $0x38;
	[tilespmem:$0x1C080] =	vst v63  }
0x27: {  	_ =	swait.ge [sflag:s20], $0x4000  }
0x28: {  	[sflag:s20] =	ssyncset.done $0x0  }
0x29: {  	[sflag:s20] =	ssyncadd.s32 $0xFFFFC000  }
0x2a: {  	s23 =	smov.u32 s9;
	s24 =	simm.s32 $0x0;
	[bflag:$0x0] =	sbarrier.arrive $0xFFFF  }
.LBB2_2:
0x2b: {  	p0 =	slt.s32 s23, $0x4E180;
	s25 =	sadd.s32 s24, s18;
	s26 =	smov.u32 s23  }
0x2c: {  	[tilespmem:s3], [sflag:$0x1] =	stream.linear.gather [hbm4b:s25+s3], $0x80, $0x38;
	[tilespmem:$0x1C080] =	vst v63  }
0x2d: {  	s26 =	simm.s32 @!p0 $0x4E180;
	_ =	swait.ge [sflag:s20], $0x80  }
0x2e: {  	s31 =	sshll.u32 s26, $0x4;
	[sflag:s20] =	ssyncset.done $0x0  }
0x2f: {  	s25 =	sadd.s32 s4, s31;
	[sflag:s20] =	ssyncadd.s32 $0xFFFFFF80  }
0x30: {  	[tilespmem:s21], [sflag:$0x1] =	stream.linear.gather [hbm4b:s25+s3], $0x4000, $0x38;
	[tilespmem:$0x1C080] =	vst v63  }
0x31: {  	_ =	swait.ge [sflag:s20], $0x4000  }
0x32: {  	[sflag:s20] =	ssyncset.done $0x0  }
0x33: {  	[sflag:s20] =	ssyncadd.s32 $0xFFFFC000  }
0x34: {  	v0 =	vld [tilespmem:$0x80]  }
0x35: {  	v1 =	vld [tilespmem:$0x100]  }
0x36: {  	v2 =	vld [tilespmem:$0x180]  }
0x37: {  	v3 =	vld [tilespmem:$0x200]  }
0x38: {  	v4 =	vld [tilespmem:$0x280]  }
0x39: {  	v53 =	vld [tilespmem:$0x300];
	[tilespmem:$0x4080] =	vst v0  }
0x3a: {  	v54 =	vld [tilespmem:$0x380];
	[tilespmem:$0x4100] =	vst v1  }
0x3b: {  	v55 =	vld [tilespmem:$0x400];
	[tilespmem:$0x4180] =	vst v2  }
0x3c: {  	v56 =	vld [tilespmem:$0x480];
	[tilespmem:$0x4200] =	vst v3  }
0x3d: {  	v57 =	vld [tilespmem:$0x500];
	[tilespmem:$0x4280] =	vst v4  }
0x3e: {  	v58 =	vld [tilespmem:$0x580];
	[tilespmem:$0x4300] =	vst v53  }
0x3f: {  	v59 =	vld [tilespmem:$0x600];
	[tilespmem:$0x4380] =	vst v54  }
0x40: {  	v60 =	vld [tilespmem:$0x680];
	[tilespmem:$0x4400] =	vst v55  }
0x41: {  	v61 =	vld [tilespmem:$0x700];
	[tilespmem:$0x4480] =	vst v56  }
0x42: {  	v62 =	vld [tilespmem:$0x780];
	[tilespmem:$0x4500] =	vst v57  }
0x43: {  	v63 =	vld [tilespmem:$0x800];
	[tilespmem:$0x4580] =	vst v58  }
0x44: {  	v8 =	vld [tilespmem:$0x880];
	[tilespmem:$0x4600] =	vst v59  }
0x45: {  	v9 =	vld [tilespmem:$0x900];
	[tilespmem:$0x4680] =	vst v60  }
0x46: {  	v10 =	vld [tilespmem:$0x980];
	[tilespmem:$0x4700] =	vst v61  }
0x47: {  	v11 =	vld [tilespmem:$0xA00];
	[tilespmem:$0x4780] =	vst v62  }
0x48: {  	v12 =	vld [tilespmem:$0xA80];
	[tilespmem:$0x4800] =	vst v63  }
0x49: {  	v13 =	vld [tilespmem:$0xB00];
	[tilespmem:$0x4880] =	vst v8  }
0x4a: {  	v14 =	vld [tilespmem:$0xB80];
	[tilespmem:$0x4900] =	vst v9  }
0x4b: {  	v15 =	vld [tilespmem:$0xC00];
	[tilespmem:$0x4980] =	vst v10  }
0x4c: {  	v16 =	vld [tilespmem:$0xC80];
	[tilespmem:$0x4A00] =	vst v11  }
0x4d: {  	v17 =	vld [tilespmem:$0xD00];
	[tilespmem:$0x4A80] =	vst v12  }
0x4e: {  	v18 =	vld [tilespmem:$0xD80];
	[tilespmem:$0x4B00] =	vst v13  }
0x4f: {  	v19 =	vld [tilespmem:$0xE00];
	[tilespmem:$0x4B80] =	vst v14  }
0x50: {  	v20 =	vld [tilespmem:$0xE80];
	[tilespmem:$0x4C00] =	vst v15  }
0x51: {  	v21 =	vld [tilespmem:$0xF00];
	[tilespmem:$0x4C80] =	vst v16  }
0x52: {  	v22 =	vld [tilespmem:$0xF80];
	[tilespmem:$0x4D00] =	vst v17  }
0x53: {  	v23 =	vld [tilespmem:$0x1000];
	[tilespmem:$0x4D80] =	vst v18  }
0x54: {  	v24 =	vld [tilespmem:$0x1080];
	[tilespmem:$0x4E00] =	vst v19  }
0x55: {  	v25 =	vld [tilespmem:$0x1100];
	[tilespmem:$0x4E80] =	vst v20  }
0x56: {  	v26 =	vld [tilespmem:$0x1180];
	[tilespmem:$0x4F00] =	vst v21  }
0x57: {  	v27 =	vld [tilespmem:$0x1200];
	[tilespmem:$0x4F80] =	vst v22  }
0x58: {  	v28 =	vld [tilespmem:$0x1280];
	[tilespmem:$0x5000] =	vst v23  }
0x59: {  	v29 =	vld [tilespmem:$0x1300];
	[tilespmem:$0x5080] =	vst v24  }
0x5a: {  	v30 =	vld [tilespmem:$0x1380];
	[tilespmem:$0x5100] =	vst v25  }
0x5b: {  	v31 =	vld [tilespmem:$0x1400];
	[tilespmem:$0x5180] =	vst v26  }
0x5c: {  	v32 =	vld [tilespmem:$0x1480];
	[tilespmem:$0x5200] =	vst v27  }
0x5d: {  	v33 =	vld [tilespmem:$0x1500];
	[tilespmem:$0x5280] =	vst v28  }
0x5e: {  	v34 =	vld [tilespmem:$0x1580];
	[tilespmem:$0x5300] =	vst v29  }
0x5f: {  	v35 =	vld [tilespmem:$0x1600];
	[tilespmem:$0x5380] =	vst v30  }
0x60: {  	v36 =	vld [tilespmem:$0x1680];
	[tilespmem:$0x5400] =	vst v31  }
0x61: {  	v37 =	vld [tilespmem:$0x1700];
	[tilespmem:$0x5480] =	vst v32  }
0x62: {  	v38 =	vld [tilespmem:$0x1780];
	[tilespmem:$0x5500] =	vst v33  }
0x63: {  	v39 =	vld [tilespmem:$0x1800];
	[tilespmem:$0x5580] =	vst v34  }
0x64: {  	v40 =	vld [tilespmem:$0x1880];
	[tilespmem:$0x5600] =	vst v35  }
0x65: {  	v41 =	vld [tilespmem:$0x1900];
	[tilespmem:$0x5680] =	vst v36  }
0x66: {  	v42 =	vld [tilespmem:$0x1980];
	[tilespmem:$0x5700] =	vst v37  }
0x67: {  	v43 =	vld [tilespmem:$0x1A00];
	[tilespmem:$0x5780] =	vst v38  }
0x68: {  	v44 =	vld [tilespmem:$0x1A80];
	[tilespmem:$0x5800] =	vst v39  }
0x69: {  	v45 =	vld [tilespmem:$0x1B00];
	[tilespmem:$0x5880] =	vst v40  }
0x6a: {  	v46 =	vld [tilespmem:$0x1B80];
	[tilespmem:$0x5900] =	vst v41  }
0x6b: {  	v47 =	vld [tilespmem:$0x1C00];
	[tilespmem:$0x5980] =	vst v42  }
0x6c: {  	v48 =	vld [tilespmem:$0x1C80];
	[tilespmem:$0x5A00] =	vst v43  }
0x6d: {  	v49 =	vld [tilespmem:$0x1D00];
	[tilespmem:$0x5A80] =	vst v44  }
0x6e: {  	v50 =	vld [tilespmem:$0x1D80];
	[tilespmem:$0x5B00] =	vst v45  }
0x6f: {  	v51 =	vld [tilespmem:$0x1E00];
	[tilespmem:$0x5B80] =	vst v46  }
0x70: {  	v52 =	vld [tilespmem:$0x1E80];
	[tilespmem:$0x5C00] =	vst v47  }
0x71: {  	[tilespmem:$0x5C80] =	vst v48;
	v53 =	vld [tilespmem:$0x1F00]  }
0x72: {  	[tilespmem:$0x5D00] =	vst v49;
	v54 =	vld [tilespmem:$0x1F80]  }
0x73: {  	[tilespmem:$0x5D80] =	vst v50;
	v55 =	vld [tilespmem:$0x2000]  }
0x74: {  	[tilespmem:$0x5E00] =	vst v51;
	v56 =	vld [tilespmem:$0x2080]  }
0x75: {  	[tilespmem:$0x5E80] =	vst v52;
	v57 =	vld [tilespmem:$0x2100]  }
0x76: {  	v58 =	vld [tilespmem:$0x2180];
	[tilespmem:$0x5F00] =	vst v53  }
0x77: {  	v59 =	vld [tilespmem:$0x2200];
	[tilespmem:$0x5F80] =	vst v54  }
0x78: {  	v60 =	vld [tilespmem:$0x2280];
	[tilespmem:$0x6000] =	vst v55  }
0x79: {  	v61 =	vld [tilespmem:$0x2300];
	[tilespmem:$0x6080] =	vst v56  }
0x7a: {  	v62 =	vld [tilespmem:$0x2380];
	[tilespmem:$0x6100] =	vst v57  }
0x7b: {  	v63 =	vld [tilespmem:$0x2400];
	[tilespmem:$0x6180] =	vst v58  }
0x7c: {  	v8 =	vld [tilespmem:$0x2480];
	[tilespmem:$0x6200] =	vst v59  }
0x7d: {  	v9 =	vld [tilespmem:$0x2500];
	[tilespmem:$0x6280] =	vst v60  }
0x7e: {  	v10 =	vld [tilespmem:$0x2580];
	[tilespmem:$0x6300] =	vst v61  }
0x7f: {  	v11 =	vld [tilespmem:$0x2600];
	[tilespmem:$0x6380] =	vst v62  }
0x80: {  	v12 =	vld [tilespmem:$0x2680];
	[tilespmem:$0x6400] =	vst v63  }
0x81: {  	v13 =	vld [tilespmem:$0x2700];
	[tilespmem:$0x6480] =	vst v8  }
0x82: {  	v14 =	vld [tilespmem:$0x2780];
	[tilespmem:$0x6500] =	vst v9  }
0x83: {  	v15 =	vld [tilespmem:$0x2800];
	[tilespmem:$0x6580] =	vst v10  }
0x84: {  	v16 =	vld [tilespmem:$0x2880];
	[tilespmem:$0x6600] =	vst v11  }
0x85: {  	v17 =	vld [tilespmem:$0x2900];
	[tilespmem:$0x6680] =	vst v12  }
0x86: {  	v18 =	vld [tilespmem:$0x2980];
	[tilespmem:$0x6700] =	vst v13  }
0x87: {  	v19 =	vld [tilespmem:$0x2A00];
	[tilespmem:$0x6780] =	vst v14  }
0x88: {  	v20 =	vld [tilespmem:$0x2A80];
	[tilespmem:$0x6800] =	vst v15  }
0x89: {  	v21 =	vld [tilespmem:$0x2B00];
	[tilespmem:$0x6880] =	vst v16  }
0x8a: {  	v22 =	vld [tilespmem:$0x2B80];
	[tilespmem:$0x6900] =	vst v17  }
0x8b: {  	v23 =	vld [tilespmem:$0x2C00];
	[tilespmem:$0x6980] =	vst v18  }
0x8c: {  	v24 =	vld [tilespmem:$0x2C80];
	[tilespmem:$0x6A00] =	vst v19  }
0x8d: {  	v25 =	vld [tilespmem:$0x2D00];
	[tilespmem:$0x6A80] =	vst v20  }
0x8e: {  	v26 =	vld [tilespmem:$0x2D80];
	[tilespmem:$0x6B00] =	vst v21  }
0x8f: {  	v27 =	vld [tilespmem:$0x2E00];
	[tilespmem:$0x6B80] =	vst v22  }
0x90: {  	v28 =	vld [tilespmem:$0x2E80];
	[tilespmem:$0x6C00] =	vst v23  }
0x91: {  	v29 =	vld [tilespmem:$0x2F00];
	[tilespmem:$0x6C80] =	vst v24  }
0x92: {  	v30 =	vld [tilespmem:$0x2F80];
	[tilespmem:$0x6D00] =	vst v25  }
0x93: {  	v31 =	vld [tilespmem:$0x3000];
	[tilespmem:$0x6D80] =	vst v26  }
0x94: {  	v32 =	vld [tilespmem:$0x3080];
	[tilespmem:$0x6E00] =	vst v27  }
0x95: {  	v33 =	vld [tilespmem:$0x3100];
	[tilespmem:$0x6E80] =	vst v28  }
0x96: {  	v34 =	vld [tilespmem:$0x3180];
	[tilespmem:$0x6F00] =	vst v29  }
0x97: {  	v35 =	vld [tilespmem:$0x3200];
	[tilespmem:$0x6F80] =	vst v30  }
0x98: {  	v36 =	vld [tilespmem:$0x3280];
	[tilespmem:$0x7000] =	vst v31  }
0x99: {  	v37 =	vld [tilespmem:$0x3300];
	[tilespmem:$0x7080] =	vst v32  }
0x9a: {  	v38 =	vld [tilespmem:$0x3380];
	[tilespmem:$0x7100] =	vst v33  }
0x9b: {  	v39 =	vld [tilespmem:$0x3400];
	[tilespmem:$0x7180] =	vst v34  }
0x9c: {  	v40 =	vld [tilespmem:$0x3480];
	[tilespmem:$0x7200] =	vst v35  }
0x9d: {  	v41 =	vld [tilespmem:$0x3500];
	[tilespmem:$0x7280] =	vst v36  }
0x9e: {  	v42 =	vld [tilespmem:$0x3580];
	[tilespmem:$0x7300] =	vst v37  }
0x9f: {  	v43 =	vld [tilespmem:$0x3600];
	[tilespmem:$0x7380] =	vst v38  }
0xa0: {  	v44 =	vld [tilespmem:$0x3680];
	[tilespmem:$0x7400] =	vst v39  }
0xa1: {  	v45 =	vld [tilespmem:$0x3700];
	[tilespmem:$0x7480] =	vst v40  }
0xa2: {  	v46 =	vld [tilespmem:$0x3780];
	[tilespmem:$0x7500] =	vst v41  }
0xa3: {  	v47 =	vld [tilespmem:$0x3800];
	[tilespmem:$0x7580] =	vst v42  }
0xa4: {  	v48 =	vld [tilespmem:$0x3880];
	[tilespmem:$0x7600] =	vst v43  }
0xa5: {  	v49 =	vld [tilespmem:$0x3900];
	[tilespmem:$0x7680] =	vst v44  }
0xa6: {  	v50 =	vld [tilespmem:$0x3980];
	[tilespmem:$0x7700] =	vst v45  }
0xa7: {  	v51 =	vld [tilespmem:$0x3A00];
	[tilespmem:$0x7780] =	vst v46  }
0xa8: {  	v52 =	vld [tilespmem:$0x3A80];
	[tilespmem:$0x7800] =	vst v47  }
0xa9: {  	[tilespmem:$0x7880] =	vst v48;
	v53 =	vld [tilespmem:$0x3B00]  }
0xaa: {  	[tilespmem:$0x7900] =	vst v49;
	v54 =	vld [tilespmem:$0x3B80]  }
0xab: {  	[tilespmem:$0x7980] =	vst v50;
	v55 =	vld [tilespmem:$0x3C00]  }
0xac: {  	[tilespmem:$0x7A00] =	vst v51;
	v56 =	vld [tilespmem:$0x3C80]  }
0xad: {  	[tilespmem:$0x7A80] =	vst v52;
	v57 =	vld [tilespmem:$0x3D00]  }
0xae: {  	v58 =	vld [tilespmem:$0x3D80];
	[tilespmem:$0x7B00] =	vst v53  }
0xaf: {  	v59 =	vld [tilespmem:$0x3E00];
	[tilespmem:$0x7B80] =	vst v54  }
0xb0: {  	v60 =	vld [tilespmem:$0x3E80];
	[tilespmem:$0x7C00] =	vst v55  }
0xb1: {  	v61 =	vld [tilespmem:$0x3F00];
	[tilespmem:$0x7C80] =	vst v56  }
0xb2: {  	v62 =	vld [tilespmem:$0x3F80];
	[tilespmem:$0x7D00] =	vst v57  }
0xb3: {  	v63 =	vld [tilespmem:$0x4000];
	[tilespmem:$0x7D80] =	vst v58  }
0xb4: {  	[tilespmem:$0x7E00] =	vst v59  }
0xb5: {  	[tilespmem:$0x7E80] =	vst v60  }
0xb6: {  	[tilespmem:$0x7F00] =	vst v61  }
0xb7: {  	p0 =	sne.s32 s24, $0x9C0;
	[tilespmem:$0x7F80] =	vst v62  }
.Ltmp0:
0xb8: {  	[tilespmem:$0x8000] =	vst v63;
	(pc) =	sbr.rel @p0 .LBB2_2-.Ltmp0, $4  }
0xb9: {  	[spmem:s2] =	stream.indirect.scatter.add.f32 [tilespmem:s19], [sflag:$0x1], $0x80, s3, s21, $0xb8;
	[tilespmem:$0x1C080] =	vst v63  }
0xba: {  	_ =	swait.ge [sflag:s20], $0x4000  }
0xbb: {  	[sflag:s20] =	ssyncset.done $0x0  }
0xbc: {  	s23 =	sadd.s32 $0x80, s23;
	s24 =	sadd.s32 $0x10, s24;
	[sflag:s20] =	ssyncadd.s32 $0xFFFFC000  }
0xbd: {  	[bflag:$0x0] =	sbarrier.arrive $0xFFFF  }
0xbe: {  	[tilespmem:s19], [sflag:$0x1] =	stream.linear.gather [spmem:s6], $0x4000, $0x38;
	[tilespmem:$0x1C080] =	vst v63  }
0xbf: {  	_ =	swait.ge [sflag:s20], $0x4000  }
0xc0: {  	[sflag:s20] =	ssyncset.done $0x0  }
0xc1: {  	[sflag:s20] =	ssyncadd.s32 $0xFFFFC000  }
0xc2: {  	[hbm4b:s12+s3] =	stream.linear.scatter [tilespmem:s19], [sflag:$0x1], $0x4000, $0x38;
	[tilespmem:$0x1C080] =	vst v63  }
0xc3: {  	_ =	swait.ge [sflag:s20], $0x4000  }
0xc4: {  	[sflag:s20] =	ssyncset.done $0x0  }
0xc5: {  	[sflag:s20] =	ssyncadd.s32 $0xFFFFC000  }
0xc6: {  	[tilespmem:s19], [sflag:$0x1] =	stream.linear.gather [spmem:s7], $0x4000, $0x38;
	[tilespmem:$0x1C080] =	vst v63  }
0xc7: {  	_ =	swait.ge [sflag:s20], $0x4000  }
0xc8: {  	[sflag:s20] =	ssyncset.done $0x0  }
0xc9: {  	[sflag:s20] =	ssyncadd.s32 $0xFFFFC000  }
0xca: {  	[hbm4b:s13+s3] =	stream.linear.scatter [tilespmem:s19], [sflag:$0x1], $0x4000, $0x38;
	[tilespmem:$0x1C080] =	vst v63  }
0xcb: {  	_ =	swait.ge [sflag:s20], $0x4000  }
0xcc: {  	[sflag:s20] =	ssyncset.done $0x0  }
0xcd: {  	[sflag:s20] =	ssyncadd.s32 $0xFFFFC000  }
0xce: {  	[tilespmem:s19], [sflag:$0x1] =	stream.linear.gather [spmem:s8], $0x4000, $0x38;
	[tilespmem:$0x1C080] =	vst v63  }
0xcf: {  	_ =	swait.ge [sflag:s20], $0x4000  }
0xd0: {  	[sflag:s20] =	ssyncset.done $0x0  }
0xd1: {  	[sflag:s20] =	ssyncadd.s32 $0xFFFFC000  }
0xd2: {  	[hbm4b:s14+s3] =	stream.linear.scatter [tilespmem:s19], [sflag:$0x1], $0x4000, $0x38;
	[tilespmem:$0x1C080] =	vst v63  }
0xd3: {  	_ =	swait.ge [sflag:s20], $0x4000  }
0xd4: {  	[sflag:s20] =	ssyncset.done $0x0  }
0xd5: {  	[sflag:s20] =	ssyncadd.s32 $0xFFFFC000  }
0xd6: {  	[tilespmem:s19], [sflag:$0x1] =	stream.linear.gather [spmem:s10], $0x4000, $0x38;
	[tilespmem:$0x1C080] =	vst v63  }
0xd7: {  	_ =	swait.ge [sflag:s20], $0x4000  }
0xd8: {  	[sflag:s20] =	ssyncset.done $0x0  }
0xd9: {  	[sflag:s20] =	ssyncadd.s32 $0xFFFFC000  }
0xda: {  	[hbm4b:s15+s3] =	stream.linear.scatter [tilespmem:s19], [sflag:$0x1], $0x4000, $0x38;
	[tilespmem:$0x1C080] =	vst v63  }
0xdb: {  	_ =	swait.ge [sflag:s20], $0x4000  }
0xdc: {  	[sflag:s20] =	ssyncset.done $0x0  }
0xdd: {  	[sflag:s20] =	ssyncadd.s32 $0xFFFFC000  }
0xde: {  	[tilespmem:s19], [sflag:$0x1] =	stream.linear.gather [spmem:s11], $0x4000, $0x38;
	[tilespmem:$0x1C080] =	vst v63  }
0xdf: {  	s22 =	sadd.s32 $0x1, s22;
	_ =	swait.ge [sflag:s20], $0x4000  }
0xe0: {  	p0 =	sne.s32 s22, s17;
	[sflag:s20] =	ssyncset.done $0x0  }
.Ltmp1:
0xe1: {  	[sflag:s20] =	ssyncadd.s32 $0xFFFFC000;
	(pc) =	sbr.rel @p0 .LBB2_1-.Ltmp1, $4  }
0xe2: {  	[hbm4b:s16+s3] =	stream.linear.scatter [tilespmem:s19], [sflag:$0x1], $0x4000, $0x38;
	[tilespmem:$0x1C080] =	vst v63  }
0xe3: {  	_ =	swait.ge [sflag:s20], $0x4000  }
0xe4: {  	[sflag:s20] =	ssyncset.done $0x0  }
0xe5: {  	[sflag:s20] =	ssyncadd.s32 $0xFFFFC000  }
0xe6: {  	_ =	sfence.sel $0x180000  }
0xe7: {  	[bflag:$0x0] =	sbarrier.arrive $0xFFFF  }
0xe8: {  	p0 =	sne.s32 s1, $0x0;
	_ =	strace $0x9000004A  }
0xe9: {  	s0 =	sadd.s32 @!p0 $0x100000, s0;
	[bflag:$0x2] =	sbarrier.arrive $0xFFFF  }
0xea: {  	[sflag:s0] =	ssyncadd.tile.s32 @!p0 $0x1;
	_ =	shalt  }
.Lfunc_end2:
_tile_overlayer_lowered:
.L_overlay_start_2:
0xeb: {  	(tag) =	ssettag $0x2  }
0xec: {  	s0 =	rddreg [dreg:$0x0];
	s2 =	stileid.u32  }
0xed: {  	s1 =	rddreg [dreg:$0x1];
	p0 =	sne.s32 s2, $0x0  }
0xee: {  	s3 =	rddreg [dreg:$0x2];
	[bflag:$0x3] =	sbarrier.arrive $0xFFFF;
	s2 =	simm.s32 @!p0 $0x1C01  }
0xef: {  	[timem:s3], [sflag:s2] =	dma.local @!p0 [hbm:s0], s1  }
0xf0: {  	s0 =	simm.s32 @!p0 $0x1  }
0xf1: {  	_ =	swait.ge @!p0 [sflag:s0], s1  }
0xf2: {  	s1 =	ssub.s32 @!p0 $0x0, s1;
	[sflag:s0] =	ssyncset.done @!p0 $0x0  }
0xf3: {  	[sflag:s0] =	ssyncadd.s32 @!p0 s1  }
0xf4: {  	[bflag:$0x3] =	sbarrier.arrive $0xFFFF  }
0xf5: {  	_ =	shalt  }

</sc_bundles>
